<compile_context>
chip_gen: v7x
topology: tpu7x:2x2x1
jax: 0.10.2.dev20260603
libtpu: 0.0.44.dev20260713+nightly
codegen_flags: <defaults>
</compile_context>

<pallas_src>
import jax
import jax.numpy as jnp
import numpy as np
from jax import lax
from jax.experimental import pallas as pl
from jax.experimental.pallas import tpu as pltpu
from jax.experimental.pallas import tpu_sc as plsc

NC = 2
NS = 16
NW = NC * NS
K = 128


def _sc_degree(eif, cz, e, n_pad):
    ept = e // NW
    cpt = ept // K
    tail = ept - cpt * K
    zr = n_pad // NS

    def body(ei_hbm, cz_hbm, out_hbm, didx, ones_v, dacc):
        cid = lax.axis_index("c")
        sid = lax.axis_index("s")
        wid = cid * NS + sid
        base = e + wid * ept
        pltpu.sync_copy(cz_hbm.at[pl.ds(n_pad, K), :], ones_v)
        pltpu.sync_copy(ei_hbm.at[pl.ds(base, ept)], didx)
        pltpu.sync_copy(cz_hbm.at[pl.ds(0, zr), :],
                        dacc.at[pl.ds(sid * zr, zr), :])
        plsc.subcore_barrier()

        def step(i, carry):
            pltpu.sync_copy(ones_v, dacc.at[didx.at[pl.ds(i * K, K)]],
                            add=True)
            return carry

        lax.fori_loop(0, cpt, step, 0)
        if tail:
            pltpu.sync_copy(ones_v.at[pl.ds(0, tail), :],
                            dacc.at[didx.at[pl.ds(cpt * K, tail)]], add=True)
        plsc.subcore_barrier()
        pltpu.sync_copy(dacc.at[pl.ds(sid * zr, zr), :],
                        out_hbm.at[cid, pl.ds(sid * zr, zr), :])

    fn = pl.kernel(
        body,
        out_type=jax.ShapeDtypeStruct((NC, n_pad, 8), jnp.float32),
        mesh=plsc.VectorSubcoreMesh(core_axis_name="c", subcore_axis_name="s"),
        scratch_types=[
            pltpu.VMEM((ept,), jnp.int32),
            pltpu.VMEM((K, 8), jnp.float32),
            pltpu.VMEM_SHARED((n_pad, 8), jnp.float32),
        ],
    )
    return fn(eif, cz)


def _sc_spmm(y, eif, e, n_pad):
    f = y.shape[1]
    KS = 64
    ept = e // NW
    cpt = ept // KS
    tail = ept - cpt * KS
    zbr = 64
    zr = n_pad // NS

    def body(y_hbm, ei_hbm, out_hbm, sidx, didx, stail, dtail, rows, rtail,
             zbuf, acc, gsem, isem, ssem):
        cid = lax.axis_index("c")
        sid = lax.axis_index("s")
        wid = cid * NS + sid
        bs = wid * ept
        bd = e + wid * ept

        def zb(r, carry):
            for j in range(f // 16):
                zbuf[r, pl.ds(j * 16, 16)] = jnp.zeros((16,), jnp.float32)
            return carry

        lax.fori_loop(0, zbr, zb, 0)
        for j in range(3):
            pltpu.sync_copy(ei_hbm.at[pl.ds(bs + j * KS, KS)], sidx.at[j])
            pltpu.sync_copy(ei_hbm.at[pl.ds(bd + j * KS, KS)], didx.at[j])
        for k in range(zr // zbr):
            pltpu.sync_copy(zbuf, acc.at[pl.ds(sid * zr + k * zbr, zbr), :])
        plsc.subcore_barrier()

        for j in range(3):
            pltpu.async_copy(y_hbm.at[sidx.at[j]], rows.at[j], gsem)
        pltpu.async_copy(ei_hbm.at[pl.ds(bs + 3 * KS, KS)], sidx.at[3], isem)
        pltpu.async_copy(ei_hbm.at[pl.ds(bd + 3 * KS, KS)], didx.at[3], isem)

        def step(i, carry):
            b = i & 3
            pltpu.make_async_copy(y_hbm.at[sidx.at[b]], rows.at[b],
                                  gsem).wait()
            pltpu.async_copy(rows.at[b], acc.at[didx.at[i & 7]], ssem,
                             add=True)

            @pl.when(i + 3 < cpt)
            def _():
                @pl.when(i >= 1)
                def _():
                    pltpu.make_async_copy(y_hbm.at[sidx.at[0]], rows.at[b],
                                          ssem).wait()

                pltpu.make_async_copy(ei_hbm.at[pl.ds(0, KS)],
                                      sidx.at[(i + 3) & 3], isem).wait()
                pltpu.make_async_copy(ei_hbm.at[pl.ds(0, KS)],
                                      didx.at[(i + 3) & 7], isem).wait()
                pltpu.async_copy(y_hbm.at[sidx.at[(i + 3) & 3]],
                                 rows.at[(i + 3) & 3], gsem)

            @pl.when(i + 4 < cpt)
            def _():
                pltpu.async_copy(ei_hbm.at[pl.ds(bs + (i + 4) * KS, KS)],
                                 sidx.at[b], isem)
                pltpu.async_copy(ei_hbm.at[pl.ds(bd + (i + 4) * KS, KS)],
                                 didx.at[(i + 4) & 7], isem)

            return carry

        lax.fori_loop(0, cpt, step, 0)
        for j in range(4):
            pltpu.make_async_copy(y_hbm.at[sidx.at[0]], rows.at[j], ssem).wait()
        if tail:
            pltpu.sync_copy(ei_hbm.at[pl.ds(bs + cpt * KS, tail)], stail)
            pltpu.sync_copy(ei_hbm.at[pl.ds(bd + cpt * KS, tail)], dtail)
            pltpu.async_copy(y_hbm.at[stail], rtail, gsem).wait()
            pltpu.sync_copy(rtail, acc.at[dtail], add=True)
        plsc.subcore_barrier()
        pltpu.sync_copy(acc.at[pl.ds(sid * zr, zr), :],
                        out_hbm.at[cid, pl.ds(sid * zr, zr), :])

    fn = pl.kernel(
        body,
        out_type=jax.ShapeDtypeStruct((NC, n_pad, f), jnp.float32),
        mesh=plsc.VectorSubcoreMesh(core_axis_name="c", subcore_axis_name="s"),
        scratch_types=[
            pltpu.VMEM((4, KS), jnp.int32),
            pltpu.VMEM((8, KS), jnp.int32),
            pltpu.VMEM((max(tail, 8),), jnp.int32),
            pltpu.VMEM((max(tail, 8),), jnp.int32),
            pltpu.VMEM((4, KS, f), jnp.float32),
            pltpu.VMEM((max(tail, 8), f), jnp.float32),
            pltpu.VMEM((zbr, f), jnp.float32),
            pltpu.VMEM_SHARED((n_pad, f), jnp.float32),
            pltpu.SemaphoreType.DMA,
            pltpu.SemaphoreType.DMA,
            pltpu.SemaphoreType.DMA,
        ],
    )
    return fn(y, eif)


def _tc_matmul(x, em, w0, b0, w1):
    n = x.shape[0]

    def body(x_r, em_r, w0_r, b0_r, w1_r, out_r):
        nw0 = jnp.maximum(w0_r[...] @ em_r[...] + b0_r[...], 0.0)
        m1 = nw0 @ w1_r[...]
        out_r[...] = x_r[...] @ m1

    return pl.pallas_call(
        body,
        out_shape=jax.ShapeDtypeStruct((n, x.shape[1]), jnp.float32),
    )(x, em, w0, b0, w1)


def _tc_scale(xm1, degp):
    n = xm1.shape[0]

    def body(xm_r, deg_r, y1_r, dinv_r):
        dsum = deg_r[0, :n, 0:1] + deg_r[1, :n, 0:1] + 1.0
        dinv = lax.rsqrt(dsum)
        y1_r[...] = xm_r[...] * dinv
        dinv_r[...] = dinv

    return pl.pallas_call(
        body,
        out_shape=[
            jax.ShapeDtypeStruct((n, xm1.shape[1]), jnp.float32),
            jax.ShapeDtypeStruct((n, 1), jnp.float32),
        ],
    )(xm1, degp)


def _tc_mid(z, y, dinv, b, w_next):
    n, f = y.shape

    def body(z_r, y_r, dinv_r, b_r, w_r, out_r):
        ztot = z_r[0, :n] + z_r[1, :n] + y_r[...]
        h = jnp.maximum(ztot * dinv_r[...] + b_r[...], 0.0)
        out_r[...] = (h @ w_r[...]) * dinv_r[...]

    return pl.pallas_call(
        body,
        out_shape=jax.ShapeDtypeStruct((n, f), jnp.float32),
    )(z, y, dinv, b, w_next)


def _tc_post(z, y, dinv, b, ltw, ltb):
    n = y.shape[0]
    c = ltw.shape[0]

    def body(z_r, y_r, dinv_r, b_r, w_r, ltb_r, out_r):
        ztot = z_r[0, :n] + z_r[1, :n] + y_r[...]
        h = jnp.maximum(ztot * dinv_r[...] + b_r[...], 0.0)
        logits = lax.dot_general(h, w_r[...], (((1,), (1,)), ((), ())),
                                 preferred_element_type=jnp.float32)
        logits = logits + ltb_r[...]
        m = jnp.max(logits, axis=1, keepdims=True)
        lse = jnp.log(jnp.sum(jnp.exp(logits - m), axis=1, keepdims=True)) + m
        out_r[...] = logits - lse

    return pl.pallas_call(
        body,
        out_shape=jax.ShapeDtypeStruct((n, c), jnp.float32),
    )(z, y, dinv, b, ltw, ltb)


def kernel(x, edge_index, E_meta, w0, b0, conv1_W, conv1_b, conv2_W, conv2_b,
           lt1_W, lt1_b):
    n, f = x.shape
    e = edge_index.shape[1]

    nblk = NS * 64
    n_pad = ((n + nblk - 1) // nblk) * nblk

    eif = edge_index.astype(jnp.int32).reshape(-1)

    cz_np = np.zeros((n_pad + K, 8), np.float32)
    cz_np[n_pad:] = 1.0
    cz = jnp.asarray(cz_np)

    degp = _sc_degree(eif, cz, e, n_pad)
    xm1 = _tc_matmul(x, E_meta, w0, b0, conv1_W)
    y1, dinv = _tc_scale(xm1, degp)
    z1 = _sc_spmm(y1, eif, e, n_pad)
    y2 = _tc_mid(z1, y1, dinv, conv1_b.reshape(1, -1), conv2_W)
    z2 = _sc_spmm(y2, eif, e, n_pad)
    out = _tc_post(z2, y2, dinv, conv2_b.reshape(1, -1), lt1_W,
                   lt1_b.reshape(1, -1))
    return out

# --- scband reference (transcript-rebuilt; emitter-appended) ---
"""Pipeline reference for scband-net2-3899830305165 (READ-ONLY COPY).

The authoritative reference and input builder live on the scoring server;
editing this copy changes nothing except your own understanding.
"""

import jax, jax.numpy as jnp
import numpy as np

N = 10000
E = 320000
F_IN = 128
HID = 128
C = 64


def gcn_conv(x, edge_index, W, b):
    # PyG GCNConv: linear transform, add self-loops, symmetric normalization, scatter-add, bias
    x = x @ W
    n = x.shape[0]
    loop = jnp.arange(n, dtype=edge_index.dtype)
    src = jnp.concatenate([edge_index[0], loop])
    dst = jnp.concatenate([edge_index[1], loop])
    deg = jax.ops.segment_sum(jnp.ones(src.shape[0], dtype=x.dtype), dst, num_segments=n)
    dinv = jnp.where(deg > 0, deg ** -0.5, 0.0)
    norm = dinv[src] * dinv[dst]
    msg = x[src] * norm[:, None]
    out = jax.ops.segment_sum(msg, dst, num_segments=n)
    return out + b


def setup_inputs(seed: int = 0) -> dict:
    key = jax.random.key(seed)
    ks = jax.random.split(key, 12)
    x = jax.random.normal(ks[0], (N, F_IN), dtype=jnp.float32)
    edge_index = jax.random.randint(ks[1], (2, E), 0, N, dtype=jnp.int32)
    E_meta = jax.random.normal(ks[2], (1, F_IN), dtype=jnp.float32)
    # learned parameters
    w0 = jax.random.normal(ks[3], (F_IN, 1), dtype=jnp.float32) * (1.0 / np.sqrt(F_IN))
    b0 = jax.random.normal(ks[4], (F_IN, F_IN), dtype=jnp.float32) * (1.0 / np.sqrt(F_IN))
    conv1_W = jax.random.normal(ks[5], (F_IN, HID), dtype=jnp.float32) * (1.0 / np.sqrt(F_IN))
    conv1_b = jnp.zeros((HID,), dtype=jnp.float32)
    conv2_W = jax.random.normal(ks[6], (HID, HID), dtype=jnp.float32) * (1.0 / np.sqrt(HID))
    conv2_b = jnp.zeros((HID,), dtype=jnp.float32)
    lt1_W = jax.random.normal(ks[7], (C, HID), dtype=jnp.float32) * (1.0 / np.sqrt(HID))
    lt1_b = jnp.zeros((C,), dtype=jnp.float32)
    return {"x": x, "edge_index": edge_index, "E_meta": E_meta,
            "w0": w0, "b0": b0,
            "conv1_W": conv1_W, "conv1_b": conv1_b,
            "conv2_W": conv2_W, "conv2_b": conv2_b,
            "lt1_W": lt1_W, "lt1_b": lt1_b}


def reference(x, edge_index, E_meta, w0, b0, conv1_W, conv1_b, conv2_W, conv2_b, lt1_W, lt1_b):
    new_w0 = jax.nn.relu(w0 @ E_meta + b0)  # [F_IN, F_IN]
    h = x @ new_w0
    h = jax.nn.relu(gcn_conv(h, edge_index, conv1_W, conv1_b))
    # dropout is identity in eval mode
    h = jax.nn.relu(gcn_conv(h, edge_index, conv2_W, conv2_b))
    h = h @ lt1_W.T + lt1_b
    return jax.nn.log_softmax(h, axis=1)

if __name__ == "__main__":
    import jax
    _d = setup_inputs()
    print(jax.jit(kernel)(*tuple(_d.values())))

</pallas_src>

<mosaic_0001>
#map = affine_map<(d0, d1) -> (0, 0)>
#map1 = affine_map<(d0, d1) -> (0)>
#map2 = affine_map<(d0, d1) -> (0, 0, 0)>
module attributes {stable_mosaic.version = 14 : i64} {
  func.func @body(%arg0: i32, %arg1: i32, %arg2: memref<10000x128xf32, #tpu.memory_space<hbm>>, %arg3: memref<640000xi32, #tpu.memory_space<hbm>>, %arg4: memref<2x10240x128xf32, #tpu.memory_space<hbm>>, %arg5: memref<4x64xi32, #tpu.memory_space<vmem>>, %arg6: memref<8x64xi32, #tpu.memory_space<vmem>>, %arg7: memref<16xi32, #tpu.memory_space<vmem>>, %arg8: memref<16xi32, #tpu.memory_space<vmem>>, %arg9: memref<4x64x128xf32, #tpu.memory_space<vmem>>, %arg10: memref<16x128xf32, #tpu.memory_space<vmem>>, %arg11: memref<64x128xf32, #tpu.memory_space<vmem>>, %arg12: memref<10240x128xf32, #tpu.memory_space<vmem_shared>>, %arg13: memref<!tpu.dma_semaphore, #tpu.memory_space<semaphore_mem>>, %arg14: memref<!tpu.dma_semaphore, #tpu.memory_space<semaphore_mem>>, %arg15: memref<!tpu.dma_semaphore, #tpu.memory_space<semaphore_mem>>) attributes {dimension_semantics = [#tpu.dimension_semantics<core_parallel>, #tpu.dimension_semantics<subcore_parallel>], iteration_bounds = array<i64: 2, 16>, scalar_prefetch = 0 : i64, scratch_operands = 11 : i64, tpu.core_type = #tpu.core_type<sc_vector_subcore>, window_params = [{transform_indices = #map}, {transform_indices = #map1}, {transform_indices = #map2}]} {
    %mul3A = arith.constant 16 : i32
    %mul3A_0 = arith.muli %arg0, %mul3A : i32
    %add3A = arith.addi %mul3A_0, %arg1 : i32
    %mul3A_1 = arith.constant 10000 : i32
    %mul3A_2 = arith.muli %add3A, %mul3A_1 : i32
    %mul3A_3 = arith.constant 10000 : i32
    %mul3A_4 = arith.muli %add3A, %mul3A_3 : i32
    %add3A_5 = arith.constant 320000 : i32
    %add3A_6 = arith.addi %add3A_5, %mul3A_4 : i32
    %scan3A = arith.constant 0 : i32
    %scan3A_7 = arith.constant 0 : i32
    %scan3A_8 = arith.constant 64 : i32
    %scan3A_9 = arith.addi %scan3A_7, %scan3A_8 : i32
    %scan3A_10 = arith.constant 1 : i32
    scf.for %scan3A_194 = %scan3A_7 to %scan3A_9 step %scan3A_10  : i32 {
      %broadcast_in_dim3A = arith.constant 0.000000e+00 : f32
      %broadcast_in_dim3A_195 = vector.broadcast %broadcast_in_dim3A : f32 to vector<16xf32>
      %swap3A = arith.index_cast %scan3A_194 : i32 to index
      %swap3A_196 = arith.constant 0 : index
      %swap3A_197 = tpu.vector_load %arg11[%swap3A, %swap3A_196] {strides = array<i32>} : memref<64x128xf32, #tpu.memory_space<vmem>>, vector<1x16xf32>,
      %swap3A_198 = vector.shape_cast %swap3A_197 : vector<1x16xf32> to vector<16xf32>
      %swap3A_199 = vector.shape_cast %broadcast_in_dim3A_195 : vector<16xf32> to vector<1x16xf32>
      tpu.vector_store %arg11[%swap3A, %swap3A_196], %swap3A_199 {strides = array<i32>} : memref<64x128xf32, #tpu.memory_space<vmem>>, vector<1x16xf32>,
      %broadcast_in_dim3A_200 = arith.constant 0.000000e+00 : f32
      %broadcast_in_dim3A_201 = vector.broadcast %broadcast_in_dim3A_200 : f32 to vector<16xf32>
      %swap3A_202 = arith.index_cast %scan3A_194 : i32 to index
      %swap3A_203 = arith.constant 16 : index
      %swap3A_204 = tpu.vector_load %arg11[%swap3A_202, %swap3A_203] {strides = array<i32>} : memref<64x128xf32, #tpu.memory_space<vmem>>, vector<1x16xf32>,
      %swap3A_205 = vector.shape_cast %swap3A_204 : vector<1x16xf32> to vector<16xf32>
      %swap3A_206 = vector.shape_cast %broadcast_in_dim3A_201 : vector<16xf32> to vector<1x16xf32>
      tpu.vector_store %arg11[%swap3A_202, %swap3A_203], %swap3A_206 {strides = array<i32>} : memref<64x128xf32, #tpu.memory_space<vmem>>, vector<1x16xf32>,
      %broadcast_in_dim3A_207 = arith.constant 0.000000e+00 : f32
      %broadcast_in_dim3A_208 = vector.broadcast %broadcast_in_dim3A_207 : f32 to vector<16xf32>
      %swap3A_209 = arith.index_cast %scan3A_194 : i32 to index
      %swap3A_210 = arith.constant 32 : index
      %swap3A_211 = tpu.vector_load %arg11[%swap3A_209, %swap3A_210] {strides = array<i32>} : memref<64x128xf32, #tpu.memory_space<vmem>>, vector<1x16xf32>,
      %swap3A_212 = vector.shape_cast %swap3A_211 : vector<1x16xf32> to vector<16xf32>
      %swap3A_213 = vector.shape_cast %broadcast_in_dim3A_208 : vector<16xf32> to vector<1x16xf32>
      tpu.vector_store %arg11[%swap3A_209, %swap3A_210], %swap3A_213 {strides = array<i32>} : memref<64x128xf32, #tpu.memory_space<vmem>>, vector<1x16xf32>,
      %broadcast_in_dim3A_214 = arith.constant 0.000000e+00 : f32
      %broadcast_in_dim3A_215 = vector.broadcast %broadcast_in_dim3A_214 : f32 to vector<16xf32>
      %swap3A_216 = arith.index_cast %scan3A_194 : i32 to index
      %swap3A_217 = arith.constant 48 : index
      %swap3A_218 = tpu.vector_load %arg11[%swap3A_216, %swap3A_217] {strides = array<i32>} : memref<64x128xf32, #tpu.memory_space<vmem>>, vector<1x16xf32>,
      %swap3A_219 = vector.shape_cast %swap3A_218 : vector<1x16xf32> to vector<16xf32>
      %swap3A_220 = vector.shape_cast %broadcast_in_dim3A_215 : vector<16xf32> to vector<1x16xf32>
      tpu.vector_store %arg11[%swap3A_216, %swap3A_217], %swap3A_220 {strides = array<i32>} : memref<64x128xf32, #tpu.memory_space<vmem>>, vector<1x16xf32>,
      %broadcast_in_dim3A_221 = arith.constant 0.000000e+00 : f32
      %broadcast_in_dim3A_222 = vector.broadcast %broadcast_in_dim3A_221 : f32 to vector<16xf32>
      %swap3A_223 = arith.index_cast %scan3A_194 : i32 to index
      %swap3A_224 = arith.constant 64 : index
      %swap3A_225 = tpu.vector_load %arg11[%swap3A_223, %swap3A_224] {strides = array<i32>} : memref<64x128xf32, #tpu.memory_space<vmem>>, vector<1x16xf32>,
      %swap3A_226 = vector.shape_cast %swap3A_225 : vector<1x16xf32> to vector<16xf32>
      %swap3A_227 = vector.shape_cast %broadcast_in_dim3A_222 : vector<16xf32> to vector<1x16xf32>
      tpu.vector_store %arg11[%swap3A_223, %swap3A_224], %swap3A_227 {strides = array<i32>} : memref<64x128xf32, #tpu.memory_space<vmem>>, vector<1x16xf32>,
      %broadcast_in_dim3A_228 = arith.constant 0.000000e+00 : f32
      %broadcast_in_dim3A_229 = vector.broadcast %broadcast_in_dim3A_228 : f32 to vector<16xf32>
      %swap3A_230 = arith.index_cast %scan3A_194 : i32 to index
      %swap3A_231 = arith.constant 80 : index
      %swap3A_232 = tpu.vector_load %arg11[%swap3A_230, %swap3A_231] {strides = array<i32>} : memref<64x128xf32, #tpu.memory_space<vmem>>, vector<1x16xf32>,
      %swap3A_233 = vector.shape_cast %swap3A_232 : vector<1x16xf32> to vector<16xf32>
      %swap3A_234 = vector.shape_cast %broadcast_in_dim3A_229 : vector<16xf32> to vector<1x16xf32>
      tpu.vector_store %arg11[%swap3A_230, %swap3A_231], %swap3A_234 {strides = array<i32>} : memref<64x128xf32, #tpu.memory_space<vmem>>, vector<1x16xf32>,
      %broadcast_in_dim3A_235 = arith.constant 0.000000e+00 : f32
      %broadcast_in_dim3A_236 = vector.broadcast %broadcast_in_dim3A_235 : f32 to vector<16xf32>
      %swap3A_237 = arith.index_cast %scan3A_194 : i32 to index
      %swap3A_238 = arith.constant 96 : index
      %swap3A_239 = tpu.vector_load %arg11[%swap3A_237, %swap3A_238] {strides = array<i32>} : memref<64x128xf32, #tpu.memory_space<vmem>>, vector<1x16xf32>,
      %swap3A_240 = vector.shape_cast %swap3A_239 : vector<1x16xf32> to vector<16xf32>
      %swap3A_241 = vector.shape_cast %broadcast_in_dim3A_236 : vector<16xf32> to vector<1x16xf32>
      tpu.vector_store %arg11[%swap3A_237, %swap3A_238], %swap3A_241 {strides = array<i32>} : memref<64x128xf32, #tpu.memory_space<vmem>>, vector<1x16xf32>,
      %broadcast_in_dim3A_242 = arith.constant 0.000000e+00 : f32
      %broadcast_in_dim3A_243 = vector.broadcast %broadcast_in_dim3A_242 : f32 to vector<16xf32>
      %swap3A_244 = arith.index_cast %scan3A_194 : i32 to index
      %swap3A_245 = arith.constant 112 : index
      %swap3A_246 = tpu.vector_load %arg11[%swap3A_244, %swap3A_245] {strides = array<i32>} : memref<64x128xf32, #tpu.memory_space<vmem>>, vector<1x16xf32>,
      %swap3A_247 = vector.shape_cast %swap3A_246 : vector<1x16xf32> to vector<16xf32>
      %swap3A_248 = vector.shape_cast %broadcast_in_dim3A_243 : vector<16xf32> to vector<1x16xf32>
      tpu.vector_store %arg11[%swap3A_244, %swap3A_245], %swap3A_248 {strides = array<i32>} : memref<64x128xf32, #tpu.memory_space<vmem>>, vector<1x16xf32>,
    }
    %scan3A_11 = arith.constant 64 : i32
    %add3A_12 = arith.constant 0 : i32
    %add3A_13 = arith.addi %mul3A_2, %add3A_12 : i32
    %run_scoped3A = arith.constant 0 : i32
    "tpu.region"() ({
      %run_scoped3A_194 = tpu.sem_alloc : memref<!tpu.dma_semaphore, #tpu.memory_space<semaphore_mem>>
      %dma_start3A_195 = arith.constant 0 : i32
      %dma_start3A_196 = tpu.memref_slice %arg5[%run_scoped3A, %dma_start3A_195] : memref<4x64xi32, #tpu.memory_space<vmem>> -> memref<1x64xi32, #tpu.memory_space<vmem>>
      %dma_start3A_197 = tpu.memref_squeeze %dma_start3A_196 : memref<1x64xi32, #tpu.memory_space<vmem>> -> memref<64xi32, #tpu.memory_space<vmem>>
      %dma_start3A_198 = tpu.memref_slice %arg3[%add3A_13] : memref<640000xi32, #tpu.memory_space<hbm>> -> memref<64xi32, #tpu.memory_space<hbm>>
      %dma_start3A_199 = arith.constant 0 : i32
      %dma_start3A_200 = tpu.memref_slice %arg5[%run_scoped3A, %dma_start3A_199] : memref<4x64xi32, #tpu.memory_space<vmem>> -> memref<1x64xi32, #tpu.memory_space<vmem>>
      %dma_start3A_201 = tpu.memref_squeeze %dma_start3A_200 : memref<1x64xi32, #tpu.memory_space<vmem>> -> memref<64xi32, #tpu.memory_space<vmem>>
      %dma_start3A_202 = tpu.memref_slice %arg3[%add3A_13] : memref<640000xi32, #tpu.memory_space<hbm>> -> memref<64xi32, #tpu.memory_space<hbm>>
      tpu.enqueue_dma source(%dma_start3A_202 : memref<64xi32, #tpu.memory_space<hbm>>) target(%dma_start3A_201 : memref<64xi32, #tpu.memory_space<vmem>>) target_semaphore(%run_scoped3A_194 : memref<!tpu.dma_semaphore, #tpu.memory_space<semaphore_mem>>)
      %dma_wait3A_203 = arith.constant 0 : i32
      %dma_wait3A_204 = tpu.memref_slice %arg5[%run_scoped3A, %dma_wait3A_203] : memref<4x64xi32, #tpu.memory_space<vmem>> -> memref<1x64xi32, #tpu.memory_space<vmem>>
      %dma_wait3A_205 = tpu.memref_squeeze %dma_wait3A_204 : memref<1x64xi32, #tpu.memory_space<vmem>> -> memref<64xi32, #tpu.memory_space<vmem>>
      %dma_wait3A_206 = tpu.memref_slice %arg3[%add3A_13] : memref<640000xi32, #tpu.memory_space<hbm>> -> memref<64xi32, #tpu.memory_space<hbm>>
      %dma_wait3A_207 = arith.constant 0 : i32
      %dma_wait3A_208 = tpu.memref_slice %arg5[%run_scoped3A, %dma_wait3A_207] : memref<4x64xi32, #tpu.memory_space<vmem>> -> memref<1x64xi32, #tpu.memory_space<vmem>>
      %dma_wait3A_209 = tpu.memref_squeeze %dma_wait3A_208 : memref<1x64xi32, #tpu.memory_space<vmem>> -> memref<64xi32, #tpu.memory_space<vmem>>
      %dma_wait3A_210 = tpu.memref_slice %arg3[%add3A_13] : memref<640000xi32, #tpu.memory_space<hbm>> -> memref<64xi32, #tpu.memory_space<hbm>>
      tpu.wait_dma2 semaphore(%run_scoped3A_194 : memref<!tpu.dma_semaphore, #tpu.memory_space<semaphore_mem>>) src(%dma_wait3A_210 : memref<64xi32, #tpu.memory_space<hbm>>) dst(%dma_wait3A_209 : memref<64xi32, #tpu.memory_space<vmem>>)
      tpu.yield
    }) : () -> ()
    %add3A_14 = arith.constant 0 : i32
    %add3A_15 = arith.addi %add3A_6, %add3A_14 : i32
    %run_scoped3A_16 = arith.constant 0 : i32
    "tpu.region"() ({
      %run_scoped3A_194 = tpu.sem_alloc : memref<!tpu.dma_semaphore, #tpu.memory_space<semaphore_mem>>
      %dma_start3A_195 = arith.constant 0 : i32
      %dma_start3A_196 = tpu.memref_slice %arg6[%run_scoped3A_16, %dma_start3A_195] : memref<8x64xi32, #tpu.memory_space<vmem>> -> memref<1x64xi32, #tpu.memory_space<vmem>>
      %dma_start3A_197 = tpu.memref_squeeze %dma_start3A_196 : memref<1x64xi32, #tpu.memory_space<vmem>> -> memref<64xi32, #tpu.memory_space<vmem>>
      %dma_start3A_198 = tpu.memref_slice %arg3[%add3A_15] : memref<640000xi32, #tpu.memory_space<hbm>> -> memref<64xi32, #tpu.memory_space<hbm>>
      %dma_start3A_199 = arith.constant 0 : i32
      %dma_start3A_200 = tpu.memref_slice %arg6[%run_scoped3A_16, %dma_start3A_199] : memref<8x64xi32, #tpu.memory_space<vmem>> -> memref<1x64xi32, #tpu.memory_space<vmem>>
      %dma_start3A_201 = tpu.memref_squeeze %dma_start3A_200 : memref<1x64xi32, #tpu.memory_space<vmem>> -> memref<64xi32, #tpu.memory_space<vmem>>
      %dma_start3A_202 = tpu.memref_slice %arg3[%add3A_15] : memref<640000xi32, #tpu.memory_space<hbm>> -> memref<64xi32, #tpu.memory_space<hbm>>
      tpu.enqueue_dma source(%dma_start3A_202 : memref<64xi32, #tpu.memory_space<hbm>>) target(%dma_start3A_201 : memref<64xi32, #tpu.memory_space<vmem>>) target_semaphore(%run_scoped3A_194 : memref<!tpu.dma_semaphore, #tpu.memory_space<semaphore_mem>>)
      %dma_wait3A_203 = arith.constant 0 : i32
      %dma_wait3A_204 = tpu.memref_slice %arg6[%run_scoped3A_16, %dma_wait3A_203] : memref<8x64xi32, #tpu.memory_space<vmem>> -> memref<1x64xi32, #tpu.memory_space<vmem>>
      %dma_wait3A_205 = tpu.memref_squeeze %dma_wait3A_204 : memref<1x64xi32, #tpu.memory_space<vmem>> -> memref<64xi32, #tpu.memory_space<vmem>>
      %dma_wait3A_206 = tpu.memref_slice %arg3[%add3A_15] : memref<640000xi32, #tpu.memory_space<hbm>> -> memref<64xi32, #tpu.memory_space<hbm>>
      %dma_wait3A_207 = arith.constant 0 : i32
      %dma_wait3A_208 = tpu.memref_slice %arg6[%run_scoped3A_16, %dma_wait3A_207] : memref<8x64xi32, #tpu.memory_space<vmem>> -> memref<1x64xi32, #tpu.memory_space<vmem>>
      %dma_wait3A_209 = tpu.memref_squeeze %dma_wait3A_208 : memref<1x64xi32, #tpu.memory_space<vmem>> -> memref<64xi32, #tpu.memory_space<vmem>>
      %dma_wait3A_210 = tpu.memref_slice %arg3[%add3A_15] : memref<640000xi32, #tpu.memory_space<hbm>> -> memref<64xi32, #tpu.memory_space<hbm>>
      tpu.wait_dma2 semaphore(%run_scoped3A_194 : memref<!tpu.dma_semaphore, #tpu.memory_space<semaphore_mem>>) src(%dma_wait3A_210 : memref<64xi32, #tpu.memory_space<hbm>>) dst(%dma_wait3A_209 : memref<64xi32, #tpu.memory_space<vmem>>)
      tpu.yield
    }) : () -> ()
    %add3A_17 = arith.constant 64 : i32
    %add3A_18 = arith.addi %mul3A_2, %add3A_17 : i32
    %run_scoped3A_19 = arith.constant 1 : i32
    "tpu.region"() ({
      %run_scoped3A_194 = tpu.sem_alloc : memref<!tpu.dma_semaphore, #tpu.memory_space<semaphore_mem>>
      %dma_start3A_195 = arith.constant 0 : i32
      %dma_start3A_196 = tpu.memref_slice %arg5[%run_scoped3A_19, %dma_start3A_195] : memref<4x64xi32, #tpu.memory_space<vmem>> -> memref<1x64xi32, #tpu.memory_space<vmem>>
      %dma_start3A_197 = tpu.memref_squeeze %dma_start3A_196 : memref<1x64xi32, #tpu.memory_space<vmem>> -> memref<64xi32, #tpu.memory_space<vmem>>
      %dma_start3A_198 = tpu.memref_slice %arg3[%add3A_18] : memref<640000xi32, #tpu.memory_space<hbm>> -> memref<64xi32, #tpu.memory_space<hbm>>
      %dma_start3A_199 = arith.constant 0 : i32
      %dma_start3A_200 = tpu.memref_slice %arg5[%run_scoped3A_19, %dma_start3A_199] : memref<4x64xi32, #tpu.memory_space<vmem>> -> memref<1x64xi32, #tpu.memory_space<vmem>>
      %dma_start3A_201 = tpu.memref_squeeze %dma_start3A_200 : memref<1x64xi32, #tpu.memory_space<vmem>> -> memref<64xi32, #tpu.memory_space<vmem>>
      %dma_start3A_202 = tpu.memref_slice %arg3[%add3A_18] : memref<640000xi32, #tpu.memory_space<hbm>> -> memref<64xi32, #tpu.memory_space<hbm>>
      tpu.enqueue_dma source(%dma_start3A_202 : memref<64xi32, #tpu.memory_space<hbm>>) target(%dma_start3A_201 : memref<64xi32, #tpu.memory_space<vmem>>) target_semaphore(%run_scoped3A_194 : memref<!tpu.dma_semaphore, #tpu.memory_space<semaphore_mem>>)
      %dma_wait3A_203 = arith.constant 0 : i32
      %dma_wait3A_204 = tpu.memref_slice %arg5[%run_scoped3A_19, %dma_wait3A_203] : memref<4x64xi32, #tpu.memory_space<vmem>> -> memref<1x64xi32, #tpu.memory_space<vmem>>
      %dma_wait3A_205 = tpu.memref_squeeze %dma_wait3A_204 : memref<1x64xi32, #tpu.memory_space<vmem>> -> memref<64xi32, #tpu.memory_space<vmem>>
      %dma_wait3A_206 = tpu.memref_slice %arg3[%add3A_18] : memref<640000xi32, #tpu.memory_space<hbm>> -> memref<64xi32, #tpu.memory_space<hbm>>
      %dma_wait3A_207 = arith.constant 0 : i32
      %dma_wait3A_208 = tpu.memref_slice %arg5[%run_scoped3A_19, %dma_wait3A_207] : memref<4x64xi32, #tpu.memory_space<vmem>> -> memref<1x64xi32, #tpu.memory_space<vmem>>
      %dma_wait3A_209 = tpu.memref_squeeze %dma_wait3A_208 : memref<1x64xi32, #tpu.memory_space<vmem>> -> memref<64xi32, #tpu.memory_space<vmem>>
      %dma_wait3A_210 = tpu.memref_slice %arg3[%add3A_18] : memref<640000xi32, #tpu.memory_space<hbm>> -> memref<64xi32, #tpu.memory_space<hbm>>
      tpu.wait_dma2 semaphore(%run_scoped3A_194 : memref<!tpu.dma_semaphore, #tpu.memory_space<semaphore_mem>>) src(%dma_wait3A_210 : memref<64xi32, #tpu.memory_space<hbm>>) dst(%dma_wait3A_209 : memref<64xi32, #tpu.memory_space<vmem>>)
      tpu.yield
    }) : () -> ()
    %add3A_20 = arith.constant 64 : i32
    %add3A_21 = arith.addi %add3A_6, %add3A_20 : i32
    %run_scoped3A_22 = arith.constant 1 : i32
    "tpu.region"() ({
      %run_scoped3A_194 = tpu.sem_alloc : memref<!tpu.dma_semaphore, #tpu.memory_space<semaphore_mem>>
      %dma_start3A_195 = arith.constant 0 : i32
      %dma_start3A_196 = tpu.memref_slice %arg6[%run_scoped3A_22, %dma_start3A_195] : memref<8x64xi32, #tpu.memory_space<vmem>> -> memref<1x64xi32, #tpu.memory_space<vmem>>
      %dma_start3A_197 = tpu.memref_squeeze %dma_start3A_196 : memref<1x64xi32, #tpu.memory_space<vmem>> -> memref<64xi32, #tpu.memory_space<vmem>>
      %dma_start3A_198 = tpu.memref_slice %arg3[%add3A_21] : memref<640000xi32, #tpu.memory_space<hbm>> -> memref<64xi32, #tpu.memory_space<hbm>>
      %dma_start3A_199 = arith.constant 0 : i32
      %dma_start3A_200 = tpu.memref_slice %arg6[%run_scoped3A_22, %dma_start3A_199] : memref<8x64xi32, #tpu.memory_space<vmem>> -> memref<1x64xi32, #tpu.memory_space<vmem>>
      %dma_start3A_201 = tpu.memref_squeeze %dma_start3A_200 : memref<1x64xi32, #tpu.memory_space<vmem>> -> memref<64xi32, #tpu.memory_space<vmem>>
      %dma_start3A_202 = tpu.memref_slice %arg3[%add3A_21] : memref<640000xi32, #tpu.memory_space<hbm>> -> memref<64xi32, #tpu.memory_space<hbm>>
      tpu.enqueue_dma source(%dma_start3A_202 : memref<64xi32, #tpu.memory_space<hbm>>) target(%dma_start3A_201 : memref<64xi32, #tpu.memory_space<vmem>>) target_semaphore(%run_scoped3A_194 : memref<!tpu.dma_semaphore, #tpu.memory_space<semaphore_mem>>)
      %dma_wait3A_203 = arith.constant 0 : i32
      %dma_wait3A_204 = tpu.memref_slice %arg6[%run_scoped3A_22, %dma_wait3A_203] : memref<8x64xi32, #tpu.memory_space<vmem>> -> memref<1x64xi32, #tpu.memory_space<vmem>>
      %dma_wait3A_205 = tpu.memref_squeeze %dma_wait3A_204 : memref<1x64xi32, #tpu.memory_space<vmem>> -> memref<64xi32, #tpu.memory_space<vmem>>
      %dma_wait3A_206 = tpu.memref_slice %arg3[%add3A_21] : memref<640000xi32, #tpu.memory_space<hbm>> -> memref<64xi32, #tpu.memory_space<hbm>>
      %dma_wait3A_207 = arith.constant 0 : i32
      %dma_wait3A_208 = tpu.memref_slice %arg6[%run_scoped3A_22, %dma_wait3A_207] : memref<8x64xi32, #tpu.memory_space<vmem>> -> memref<1x64xi32, #tpu.memory_space<vmem>>
      %dma_wait3A_209 = tpu.memref_squeeze %dma_wait3A_208 : memref<1x64xi32, #tpu.memory_space<vmem>> -> memref<64xi32, #tpu.memory_space<vmem>>
      %dma_wait3A_210 = tpu.memref_slice %arg3[%add3A_21] : memref<640000xi32, #tpu.memory_space<hbm>> -> memref<64xi32, #tpu.memory_space<hbm>>
      tpu.wait_dma2 semaphore(%run_scoped3A_194 : memref<!tpu.dma_semaphore, #tpu.memory_space<semaphore_mem>>) src(%dma_wait3A_210 : memref<64xi32, #tpu.memory_space<hbm>>) dst(%dma_wait3A_209 : memref<64xi32, #tpu.memory_space<vmem>>)
      tpu.yield
    }) : () -> ()
    %add3A_23 = arith.constant 128 : i32
    %add3A_24 = arith.addi %mul3A_2, %add3A_23 : i32
    %run_scoped3A_25 = arith.constant 2 : i32
    "tpu.region"() ({
      %run_scoped3A_194 = tpu.sem_alloc : memref<!tpu.dma_semaphore, #tpu.memory_space<semaphore_mem>>
      %dma_start3A_195 = arith.constant 0 : i32
      %dma_start3A_196 = tpu.memref_slice %arg5[%run_scoped3A_25, %dma_start3A_195] : memref<4x64xi32, #tpu.memory_space<vmem>> -> memref<1x64xi32, #tpu.memory_space<vmem>>
      %dma_start3A_197 = tpu.memref_squeeze %dma_start3A_196 : memref<1x64xi32, #tpu.memory_space<vmem>> -> memref<64xi32, #tpu.memory_space<vmem>>
      %dma_start3A_198 = tpu.memref_slice %arg3[%add3A_24] : memref<640000xi32, #tpu.memory_space<hbm>> -> memref<64xi32, #tpu.memory_space<hbm>>
      %dma_start3A_199 = arith.constant 0 : i32
      %dma_start3A_200 = tpu.memref_slice %arg5[%run_scoped3A_25, %dma_start3A_199] : memref<4x64xi32, #tpu.memory_space<vmem>> -> memref<1x64xi32, #tpu.memory_space<vmem>>
      %dma_start3A_201 = tpu.memref_squeeze %dma_start3A_200 : memref<1x64xi32, #tpu.memory_space<vmem>> -> memref<64xi32, #tpu.memory_space<vmem>>
      %dma_start3A_202 = tpu.memref_slice %arg3[%add3A_24] : memref<640000xi32, #tpu.memory_space<hbm>> -> memref<64xi32, #tpu.memory_space<hbm>>
      tpu.enqueue_dma source(%dma_start3A_202 : memref<64xi32, #tpu.memory_space<hbm>>) target(%dma_start3A_201 : memref<64xi32, #tpu.memory_space<vmem>>) target_semaphore(%run_scoped3A_194 : memref<!tpu.dma_semaphore, #tpu.memory_space<semaphore_mem>>)
      %dma_wait3A_203 = arith.constant 0 : i32
      %dma_wait3A_204 = tpu.memref_slice %arg5[%run_scoped3A_25, %dma_wait3A_203] : memref<4x64xi32, #tpu.memory_space<vmem>> -> memref<1x64xi32, #tpu.memory_space<vmem>>
      %dma_wait3A_205 = tpu.memref_squeeze %dma_wait3A_204 : memref<1x64xi32, #tpu.memory_space<vmem>> -> memref<64xi32, #tpu.memory_space<vmem>>
      %dma_wait3A_206 = tpu.memref_slice %arg3[%add3A_24] : memref<640000xi32, #tpu.memory_space<hbm>> -> memref<64xi32, #tpu.memory_space<hbm>>
      %dma_wait3A_207 = arith.constant 0 : i32
      %dma_wait3A_208 = tpu.memref_slice %arg5[%run_scoped3A_25, %dma_wait3A_207] : memref<4x64xi32, #tpu.memory_space<vmem>> -> memref<1x64xi32, #tpu.memory_space<vmem>>
      %dma_wait3A_209 = tpu.memref_squeeze %dma_wait3A_208 : memref<1x64xi32, #tpu.memory_space<vmem>> -> memref<64xi32, #tpu.memory_space<vmem>>
      %dma_wait3A_210 = tpu.memref_slice %arg3[%add3A_24] : memref<640000xi32, #tpu.memory_space<hbm>> -> memref<64xi32, #tpu.memory_space<hbm>>
      tpu.wait_dma2 semaphore(%run_scoped3A_194 : memref<!tpu.dma_semaphore, #tpu.memory_space<semaphore_mem>>) src(%dma_wait3A_210 : memref<64xi32, #tpu.memory_space<hbm>>) dst(%dma_wait3A_209 : memref<64xi32, #tpu.memory_space<vmem>>)
      tpu.yield
    }) : () -> ()
    %add3A_26 = arith.constant 128 : i32
    %add3A_27 = arith.addi %add3A_6, %add3A_26 : i32
    %run_scoped3A_28 = arith.constant 2 : i32
    "tpu.region"() ({
      %run_scoped3A_194 = tpu.sem_alloc : memref<!tpu.dma_semaphore, #tpu.memory_space<semaphore_mem>>
      %dma_start3A_195 = arith.constant 0 : i32
      %dma_start3A_196 = tpu.memref_slice %arg6[%run_scoped3A_28, %dma_start3A_195] : memref<8x64xi32, #tpu.memory_space<vmem>> -> memref<1x64xi32, #tpu.memory_space<vmem>>
      %dma_start3A_197 = tpu.memref_squeeze %dma_start3A_196 : memref<1x64xi32, #tpu.memory_space<vmem>> -> memref<64xi32, #tpu.memory_space<vmem>>
      %dma_start3A_198 = tpu.memref_slice %arg3[%add3A_27] : memref<640000xi32, #tpu.memory_space<hbm>> -> memref<64xi32, #tpu.memory_space<hbm>>
      %dma_start3A_199 = arith.constant 0 : i32
      %dma_start3A_200 = tpu.memref_slice %arg6[%run_scoped3A_28, %dma_start3A_199] : memref<8x64xi32, #tpu.memory_space<vmem>> -> memref<1x64xi32, #tpu.memory_space<vmem>>
      %dma_start3A_201 = tpu.memref_squeeze %dma_start3A_200 : memref<1x64xi32, #tpu.memory_space<vmem>> -> memref<64xi32, #tpu.memory_space<vmem>>
      %dma_start3A_202 = tpu.memref_slice %arg3[%add3A_27] : memref<640000xi32, #tpu.memory_space<hbm>> -> memref<64xi32, #tpu.memory_space<hbm>>
      tpu.enqueue_dma source(%dma_start3A_202 : memref<64xi32, #tpu.memory_space<hbm>>) target(%dma_start3A_201 : memref<64xi32, #tpu.memory_space<vmem>>) target_semaphore(%run_scoped3A_194 : memref<!tpu.dma_semaphore, #tpu.memory_space<semaphore_mem>>)
      %dma_wait3A_203 = arith.constant 0 : i32
      %dma_wait3A_204 = tpu.memref_slice %arg6[%run_scoped3A_28, %dma_wait3A_203] : memref<8x64xi32, #tpu.memory_space<vmem>> -> memref<1x64xi32, #tpu.memory_space<vmem>>
      %dma_wait3A_205 = tpu.memref_squeeze %dma_wait3A_204 : memref<1x64xi32, #tpu.memory_space<vmem>> -> memref<64xi32, #tpu.memory_space<vmem>>
      %dma_wait3A_206 = tpu.memref_slice %arg3[%add3A_27] : memref<640000xi32, #tpu.memory_space<hbm>> -> memref<64xi32, #tpu.memory_space<hbm>>
      %dma_wait3A_207 = arith.constant 0 : i32
      %dma_wait3A_208 = tpu.memref_slice %arg6[%run_scoped3A_28, %dma_wait3A_207] : memref<8x64xi32, #tpu.memory_space<vmem>> -> memref<1x64xi32, #tpu.memory_space<vmem>>
      %dma_wait3A_209 = tpu.memref_squeeze %dma_wait3A_208 : memref<1x64xi32, #tpu.memory_space<vmem>> -> memref<64xi32, #tpu.memory_space<vmem>>
      %dma_wait3A_210 = tpu.memref_slice %arg3[%add3A_27] : memref<640000xi32, #tpu.memory_space<hbm>> -> memref<64xi32, #tpu.memory_space<hbm>>
      tpu.wait_dma2 semaphore(%run_scoped3A_194 : memref<!tpu.dma_semaphore, #tpu.memory_space<semaphore_mem>>) src(%dma_wait3A_210 : memref<64xi32, #tpu.memory_space<hbm>>) dst(%dma_wait3A_209 : memref<64xi32, #tpu.memory_space<vmem>>)
      tpu.yield
    }) : () -> ()
    %mul3A_29 = arith.constant 640 : i32
    %mul3A_30 = arith.muli %arg1, %mul3A_29 : i32
    %add3A_31 = arith.constant 0 : i32
    %add3A_32 = arith.addi %mul3A_30, %add3A_31 : i32
    "tpu.region"() ({
      %run_scoped3A_194 = tpu.sem_alloc : memref<!tpu.dma_semaphore, #tpu.memory_space<semaphore_mem>>
      %dma_start3A_195 = arith.constant 0 : i32
      %dma_start3A_196 = tpu.memref_slice %arg12[%add3A_32, %dma_start3A_195] : memref<10240x128xf32, #tpu.memory_space<vmem_shared>> -> memref<64x128xf32, #tpu.memory_space<vmem_shared>>
      %dma_start3A_197 = arith.constant 0 : i32
      %dma_start3A_198 = tpu.memref_slice %arg12[%add3A_32, %dma_start3A_197] : memref<10240x128xf32, #tpu.memory_space<vmem_shared>> -> memref<64x128xf32, #tpu.memory_space<vmem_shared>>
      tpu.enqueue_dma source(%arg11 : memref<64x128xf32, #tpu.memory_space<vmem>>) target(%dma_start3A_198 : memref<64x128xf32, #tpu.memory_space<vmem_shared>>) target_semaphore(%run_scoped3A_194 : memref<!tpu.dma_semaphore, #tpu.memory_space<semaphore_mem>>)
      %dma_wait3A_199 = arith.constant 0 : i32
      %dma_wait3A_200 = tpu.memref_slice %arg12[%add3A_32, %dma_wait3A_199] : memref<10240x128xf32, #tpu.memory_space<vmem_shared>> -> memref<64x128xf32, #tpu.memory_space<vmem_shared>>
      %dma_wait3A_201 = arith.constant 0 : i32
      %dma_wait3A_202 = tpu.memref_slice %arg12[%add3A_32, %dma_wait3A_201] : memref<10240x128xf32, #tpu.memory_space<vmem_shared>> -> memref<64x128xf32, #tpu.memory_space<vmem_shared>>
      tpu.wait_dma2 semaphore(%run_scoped3A_194 : memref<!tpu.dma_semaphore, #tpu.memory_space<semaphore_mem>>) src(%arg11 : memref<64x128xf32, #tpu.memory_space<vmem>>) dst(%dma_wait3A_202 : memref<64x128xf32, #tpu.memory_space<vmem_shared>>)
      tpu.yield
    }) : () -> ()
    %mul3A_33 = arith.constant 640 : i32
    %mul3A_34 = arith.muli %arg1, %mul3A_33 : i32
    %add3A_35 = arith.constant 64 : i32
    %add3A_36 = arith.addi %mul3A_34, %add3A_35 : i32
    "tpu.region"() ({
      %run_scoped3A_194 = tpu.sem_alloc : memref<!tpu.dma_semaphore, #tpu.memory_space<semaphore_mem>>
      %dma_start3A_195 = arith.constant 0 : i32
      %dma_start3A_196 = tpu.memref_slice %arg12[%add3A_36, %dma_start3A_195] : memref<10240x128xf32, #tpu.memory_space<vmem_shared>> -> memref<64x128xf32, #tpu.memory_space<vmem_shared>>
      %dma_start3A_197 = arith.constant 0 : i32
      %dma_start3A_198 = tpu.memref_slice %arg12[%add3A_36, %dma_start3A_197] : memref<10240x128xf32, #tpu.memory_space<vmem_shared>> -> memref<64x128xf32, #tpu.memory_space<vmem_shared>>
      tpu.enqueue_dma source(%arg11 : memref<64x128xf32, #tpu.memory_space<vmem>>) target(%dma_start3A_198 : memref<64x128xf32, #tpu.memory_space<vmem_shared>>) target_semaphore(%run_scoped3A_194 : memref<!tpu.dma_semaphore, #tpu.memory_space<semaphore_mem>>)
      %dma_wait3A_199 = arith.constant 0 : i32
      %dma_wait3A_200 = tpu.memref_slice %arg12[%add3A_36, %dma_wait3A_199] : memref<10240x128xf32, #tpu.memory_space<vmem_shared>> -> memref<64x128xf32, #tpu.memory_space<vmem_shared>>
      %dma_wait3A_201 = arith.constant 0 : i32
      %dma_wait3A_202 = tpu.memref_slice %arg12[%add3A_36, %dma_wait3A_201] : memref<10240x128xf32, #tpu.memory_space<vmem_shared>> -> memref<64x128xf32, #tpu.memory_space<vmem_shared>>
      tpu.wait_dma2 semaphore(%run_scoped3A_194 : memref<!tpu.dma_semaphore, #tpu.memory_space<semaphore_mem>>) src(%arg11 : memref<64x128xf32, #tpu.memory_space<vmem>>) dst(%dma_wait3A_202 : memref<64x128xf32, #tpu.memory_space<vmem_shared>>)
      tpu.yield
    }) : () -> ()
    %mul3A_37 = arith.constant 640 : i32
    %mul3A_38 = arith.muli %arg1, %mul3A_37 : i32
    %add3A_39 = arith.constant 128 : i32
    %add3A_40 = arith.addi %mul3A_38, %add3A_39 : i32
    "tpu.region"() ({
      %run_scoped3A_194 = tpu.sem_alloc : memref<!tpu.dma_semaphore, #tpu.memory_space<semaphore_mem>>
      %dma_start3A_195 = arith.constant 0 : i32
      %dma_start3A_196 = tpu.memref_slice %arg12[%add3A_40, %dma_start3A_195] : memref<10240x128xf32, #tpu.memory_space<vmem_shared>> -> memref<64x128xf32, #tpu.memory_space<vmem_shared>>
      %dma_start3A_197 = arith.constant 0 : i32
      %dma_start3A_198 = tpu.memref_slice %arg12[%add3A_40, %dma_start3A_197] : memref<10240x128xf32, #tpu.memory_space<vmem_shared>> -> memref<64x128xf32, #tpu.memory_space<vmem_shared>>
      tpu.enqueue_dma source(%arg11 : memref<64x128xf32, #tpu.memory_space<vmem>>) target(%dma_start3A_198 : memref<64x128xf32, #tpu.memory_space<vmem_shared>>) target_semaphore(%run_scoped3A_194 : memref<!tpu.dma_semaphore, #tpu.memory_space<semaphore_mem>>)
      %dma_wait3A_199 = arith.constant 0 : i32
      %dma_wait3A_200 = tpu.memref_slice %arg12[%add3A_40, %dma_wait3A_199] : memref<10240x128xf32, #tpu.memory_space<vmem_shared>> -> memref<64x128xf32, #tpu.memory_space<vmem_shared>>
      %dma_wait3A_201 = arith.constant 0 : i32
      %dma_wait3A_202 = tpu.memref_slice %arg12[%add3A_40, %dma_wait3A_201] : memref<10240x128xf32, #tpu.memory_space<vmem_shared>> -> memref<64x128xf32, #tpu.memory_space<vmem_shared>>
      tpu.wait_dma2 semaphore(%run_scoped3A_194 : memref<!tpu.dma_semaphore, #tpu.memory_space<semaphore_mem>>) src(%arg11 : memref<64x128xf32, #tpu.memory_space<vmem>>) dst(%dma_wait3A_202 : memref<64x128xf32, #tpu.memory_space<vmem_shared>>)
      tpu.yield
    }) : () -> ()
    %mul3A_41 = arith.constant 640 : i32
    %mul3A_42 = arith.muli %arg1, %mul3A_41 : i32
    %add3A_43 = arith.constant 192 : i32
    %add3A_44 = arith.addi %mul3A_42, %add3A_43 : i32
    "tpu.region"() ({
      %run_scoped3A_194 = tpu.sem_alloc : memref<!tpu.dma_semaphore, #tpu.memory_space<semaphore_mem>>
      %dma_start3A_195 = arith.constant 0 : i32
      %dma_start3A_196 = tpu.memref_slice %arg12[%add3A_44, %dma_start3A_195] : memref<10240x128xf32, #tpu.memory_space<vmem_shared>> -> memref<64x128xf32, #tpu.memory_space<vmem_shared>>
      %dma_start3A_197 = arith.constant 0 : i32
      %dma_start3A_198 = tpu.memref_slice %arg12[%add3A_44, %dma_start3A_197] : memref<10240x128xf32, #tpu.memory_space<vmem_shared>> -> memref<64x128xf32, #tpu.memory_space<vmem_shared>>
      tpu.enqueue_dma source(%arg11 : memref<64x128xf32, #tpu.memory_space<vmem>>) target(%dma_start3A_198 : memref<64x128xf32, #tpu.memory_space<vmem_shared>>) target_semaphore(%run_scoped3A_194 : memref<!tpu.dma_semaphore, #tpu.memory_space<semaphore_mem>>)
      %dma_wait3A_199 = arith.constant 0 : i32
      %dma_wait3A_200 = tpu.memref_slice %arg12[%add3A_44, %dma_wait3A_199] : memref<10240x128xf32, #tpu.memory_space<vmem_shared>> -> memref<64x128xf32, #tpu.memory_space<vmem_shared>>
      %dma_wait3A_201 = arith.constant 0 : i32
      %dma_wait3A_202 = tpu.memref_slice %arg12[%add3A_44, %dma_wait3A_201] : memref<10240x128xf32, #tpu.memory_space<vmem_shared>> -> memref<64x128xf32, #tpu.memory_space<vmem_shared>>
      tpu.wait_dma2 semaphore(%run_scoped3A_194 : memref<!tpu.dma_semaphore, #tpu.memory_space<semaphore_mem>>) src(%arg11 : memref<64x128xf32, #tpu.memory_space<vmem>>) dst(%dma_wait3A_202 : memref<64x128xf32, #tpu.memory_space<vmem_shared>>)
      tpu.yield
    }) : () -> ()
    %mul3A_45 = arith.constant 640 : i32
    %mul3A_46 = arith.muli %arg1, %mul3A_45 : i32
    %add3A_47 = arith.constant 256 : i32
    %add3A_48 = arith.addi %mul3A_46, %add3A_47 : i32
    "tpu.region"() ({
      %run_scoped3A_194 = tpu.sem_alloc : memref<!tpu.dma_semaphore, #tpu.memory_space<semaphore_mem>>
      %dma_start3A_195 = arith.constant 0 : i32
      %dma_start3A_196 = tpu.memref_slice %arg12[%add3A_48, %dma_start3A_195] : memref<10240x128xf32, #tpu.memory_space<vmem_shared>> -> memref<64x128xf32, #tpu.memory_space<vmem_shared>>
      %dma_start3A_197 = arith.constant 0 : i32
      %dma_start3A_198 = tpu.memref_slice %arg12[%add3A_48, %dma_start3A_197] : memref<10240x128xf32, #tpu.memory_space<vmem_shared>> -> memref<64x128xf32, #tpu.memory_space<vmem_shared>>
      tpu.enqueue_dma source(%arg11 : memref<64x128xf32, #tpu.memory_space<vmem>>) target(%dma_start3A_198 : memref<64x128xf32, #tpu.memory_space<vmem_shared>>) target_semaphore(%run_scoped3A_194 : memref<!tpu.dma_semaphore, #tpu.memory_space<semaphore_mem>>)
      %dma_wait3A_199 = arith.constant 0 : i32
      %dma_wait3A_200 = tpu.memref_slice %arg12[%add3A_48, %dma_wait3A_199] : memref<10240x128xf32, #tpu.memory_space<vmem_shared>> -> memref<64x128xf32, #tpu.memory_space<vmem_shared>>
      %dma_wait3A_201 = arith.constant 0 : i32
      %dma_wait3A_202 = tpu.memref_slice %arg12[%add3A_48, %dma_wait3A_201] : memref<10240x128xf32, #tpu.memory_space<vmem_shared>> -> memref<64x128xf32, #tpu.memory_space<vmem_shared>>
      tpu.wait_dma2 semaphore(%run_scoped3A_194 : memref<!tpu.dma_semaphore, #tpu.memory_space<semaphore_mem>>) src(%arg11 : memref<64x128xf32, #tpu.memory_space<vmem>>) dst(%dma_wait3A_202 : memref<64x128xf32, #tpu.memory_space<vmem_shared>>)
      tpu.yield
    }) : () -> ()
    %mul3A_49 = arith.constant 640 : i32
    %mul3A_50 = arith.muli %arg1, %mul3A_49 : i32
    %add3A_51 = arith.constant 320 : i32
    %add3A_52 = arith.addi %mul3A_50, %add3A_51 : i32
    "tpu.region"() ({
      %run_scoped3A_194 = tpu.sem_alloc : memref<!tpu.dma_semaphore, #tpu.memory_space<semaphore_mem>>
      %dma_start3A_195 = arith.constant 0 : i32
      %dma_start3A_196 = tpu.memref_slice %arg12[%add3A_52, %dma_start3A_195] : memref<10240x128xf32, #tpu.memory_space<vmem_shared>> -> memref<64x128xf32, #tpu.memory_space<vmem_shared>>
      %dma_start3A_197 = arith.constant 0 : i32
      %dma_start3A_198 = tpu.memref_slice %arg12[%add3A_52, %dma_start3A_197] : memref<10240x128xf32, #tpu.memory_space<vmem_shared>> -> memref<64x128xf32, #tpu.memory_space<vmem_shared>>
      tpu.enqueue_dma source(%arg11 : memref<64x128xf32, #tpu.memory_space<vmem>>) target(%dma_start3A_198 : memref<64x128xf32, #tpu.memory_space<vmem_shared>>) target_semaphore(%run_scoped3A_194 : memref<!tpu.dma_semaphore, #tpu.memory_space<semaphore_mem>>)
      %dma_wait3A_199 = arith.constant 0 : i32
      %dma_wait3A_200 = tpu.memref_slice %arg12[%add3A_52, %dma_wait3A_199] : memref<10240x128xf32, #tpu.memory_space<vmem_shared>> -> memref<64x128xf32, #tpu.memory_space<vmem_shared>>
      %dma_wait3A_201 = arith.constant 0 : i32
      %dma_wait3A_202 = tpu.memref_slice %arg12[%add3A_52, %dma_wait3A_201] : memref<10240x128xf32, #tpu.memory_space<vmem_shared>> -> memref<64x128xf32, #tpu.memory_space<vmem_shared>>
      tpu.wait_dma2 semaphore(%run_scoped3A_194 : memref<!tpu.dma_semaphore, #tpu.memory_space<semaphore_mem>>) src(%arg11 : memref<64x128xf32, #tpu.memory_space<vmem>>) dst(%dma_wait3A_202 : memref<64x128xf32, #tpu.memory_space<vmem_shared>>)
      tpu.yield
    }) : () -> ()
    %mul3A_53 = arith.constant 640 : i32
    %mul3A_54 = arith.muli %arg1, %mul3A_53 : i32
    %add3A_55 = arith.constant 384 : i32
    %add3A_56 = arith.addi %mul3A_54, %add3A_55 : i32
    "tpu.region"() ({
      %run_scoped3A_194 = tpu.sem_alloc : memref<!tpu.dma_semaphore, #tpu.memory_space<semaphore_mem>>
      %dma_start3A_195 = arith.constant 0 : i32
      %dma_start3A_196 = tpu.memref_slice %arg12[%add3A_56, %dma_start3A_195] : memref<10240x128xf32, #tpu.memory_space<vmem_shared>> -> memref<64x128xf32, #tpu.memory_space<vmem_shared>>
      %dma_start3A_197 = arith.constant 0 : i32
      %dma_start3A_198 = tpu.memref_slice %arg12[%add3A_56, %dma_start3A_197] : memref<10240x128xf32, #tpu.memory_space<vmem_shared>> -> memref<64x128xf32, #tpu.memory_space<vmem_shared>>
      tpu.enqueue_dma source(%arg11 : memref<64x128xf32, #tpu.memory_space<vmem>>) target(%dma_start3A_198 : memref<64x128xf32, #tpu.memory_space<vmem_shared>>) target_semaphore(%run_scoped3A_194 : memref<!tpu.dma_semaphore, #tpu.memory_space<semaphore_mem>>)
      %dma_wait3A_199 = arith.constant 0 : i32
      %dma_wait3A_200 = tpu.memref_slice %arg12[%add3A_56, %dma_wait3A_199] : memref<10240x128xf32, #tpu.memory_space<vmem_shared>> -> memref<64x128xf32, #tpu.memory_space<vmem_shared>>
      %dma_wait3A_201 = arith.constant 0 : i32
      %dma_wait3A_202 = tpu.memref_slice %arg12[%add3A_56, %dma_wait3A_201] : memref<10240x128xf32, #tpu.memory_space<vmem_shared>> -> memref<64x128xf32, #tpu.memory_space<vmem_shared>>
      tpu.wait_dma2 semaphore(%run_scoped3A_194 : memref<!tpu.dma_semaphore, #tpu.memory_space<semaphore_mem>>) src(%arg11 : memref<64x128xf32, #tpu.memory_space<vmem>>) dst(%dma_wait3A_202 : memref<64x128xf32, #tpu.memory_space<vmem_shared>>)
      tpu.yield
    }) : () -> ()
    %mul3A_57 = arith.constant 640 : i32
    %mul3A_58 = arith.muli %arg1, %mul3A_57 : i32
    %add3A_59 = arith.constant 448 : i32
    %add3A_60 = arith.addi %mul3A_58, %add3A_59 : i32
    "tpu.region"() ({
      %run_scoped3A_194 = tpu.sem_alloc : memref<!tpu.dma_semaphore, #tpu.memory_space<semaphore_mem>>
      %dma_start3A_195 = arith.constant 0 : i32
      %dma_start3A_196 = tpu.memref_slice %arg12[%add3A_60, %dma_start3A_195] : memref<10240x128xf32, #tpu.memory_space<vmem_shared>> -> memref<64x128xf32, #tpu.memory_space<vmem_shared>>
      %dma_start3A_197 = arith.constant 0 : i32
      %dma_start3A_198 = tpu.memref_slice %arg12[%add3A_60, %dma_start3A_197] : memref<10240x128xf32, #tpu.memory_space<vmem_shared>> -> memref<64x128xf32, #tpu.memory_space<vmem_shared>>
      tpu.enqueue_dma source(%arg11 : memref<64x128xf32, #tpu.memory_space<vmem>>) target(%dma_start3A_198 : memref<64x128xf32, #tpu.memory_space<vmem_shared>>) target_semaphore(%run_scoped3A_194 : memref<!tpu.dma_semaphore, #tpu.memory_space<semaphore_mem>>)
      %dma_wait3A_199 = arith.constant 0 : i32
      %dma_wait3A_200 = tpu.memref_slice %arg12[%add3A_60, %dma_wait3A_199] : memref<10240x128xf32, #tpu.memory_space<vmem_shared>> -> memref<64x128xf32, #tpu.memory_space<vmem_shared>>
      %dma_wait3A_201 = arith.constant 0 : i32
      %dma_wait3A_202 = tpu.memref_slice %arg12[%add3A_60, %dma_wait3A_201] : memref<10240x128xf32, #tpu.memory_space<vmem_shared>> -> memref<64x128xf32, #tpu.memory_space<vmem_shared>>
      tpu.wait_dma2 semaphore(%run_scoped3A_194 : memref<!tpu.dma_semaphore, #tpu.memory_space<semaphore_mem>>) src(%arg11 : memref<64x128xf32, #tpu.memory_space<vmem>>) dst(%dma_wait3A_202 : memref<64x128xf32, #tpu.memory_space<vmem_shared>>)
      tpu.yield
    }) : () -> ()
    %mul3A_61 = arith.constant 640 : i32
    %mul3A_62 = arith.muli %arg1, %mul3A_61 : i32
    %add3A_63 = arith.constant 512 : i32
    %add3A_64 = arith.addi %mul3A_62, %add3A_63 : i32
    "tpu.region"() ({
      %run_scoped3A_194 = tpu.sem_alloc : memref<!tpu.dma_semaphore, #tpu.memory_space<semaphore_mem>>
      %dma_start3A_195 = arith.constant 0 : i32
      %dma_start3A_196 = tpu.memref_slice %arg12[%add3A_64, %dma_start3A_195] : memref<10240x128xf32, #tpu.memory_space<vmem_shared>> -> memref<64x128xf32, #tpu.memory_space<vmem_shared>>
      %dma_start3A_197 = arith.constant 0 : i32
      %dma_start3A_198 = tpu.memref_slice %arg12[%add3A_64, %dma_start3A_197] : memref<10240x128xf32, #tpu.memory_space<vmem_shared>> -> memref<64x128xf32, #tpu.memory_space<vmem_shared>>
      tpu.enqueue_dma source(%arg11 : memref<64x128xf32, #tpu.memory_space<vmem>>) target(%dma_start3A_198 : memref<64x128xf32, #tpu.memory_space<vmem_shared>>) target_semaphore(%run_scoped3A_194 : memref<!tpu.dma_semaphore, #tpu.memory_space<semaphore_mem>>)
      %dma_wait3A_199 = arith.constant 0 : i32
      %dma_wait3A_200 = tpu.memref_slice %arg12[%add3A_64, %dma_wait3A_199] : memref<10240x128xf32, #tpu.memory_space<vmem_shared>> -> memref<64x128xf32, #tpu.memory_space<vmem_shared>>
      %dma_wait3A_201 = arith.constant 0 : i32
      %dma_wait3A_202 = tpu.memref_slice %arg12[%add3A_64, %dma_wait3A_201] : memref<10240x128xf32, #tpu.memory_space<vmem_shared>> -> memref<64x128xf32, #tpu.memory_space<vmem_shared>>
      tpu.wait_dma2 semaphore(%run_scoped3A_194 : memref<!tpu.dma_semaphore, #tpu.memory_space<semaphore_mem>>) src(%arg11 : memref<64x128xf32, #tpu.memory_space<vmem>>) dst(%dma_wait3A_202 : memref<64x128xf32, #tpu.memory_space<vmem_shared>>)
      tpu.yield
    }) : () -> ()
    %mul3A_65 = arith.constant 640 : i32
    %mul3A_66 = arith.muli %arg1, %mul3A_65 : i32
    %add3A_67 = arith.constant 576 : i32
    %add3A_68 = arith.addi %mul3A_66, %add3A_67 : i32
    "tpu.region"() ({
      %run_scoped3A_194 = tpu.sem_alloc : memref<!tpu.dma_semaphore, #tpu.memory_space<semaphore_mem>>
      %dma_start3A_195 = arith.constant 0 : i32
      %dma_start3A_196 = tpu.memref_slice %arg12[%add3A_68, %dma_start3A_195] : memref<10240x128xf32, #tpu.memory_space<vmem_shared>> -> memref<64x128xf32, #tpu.memory_space<vmem_shared>>
      %dma_start3A_197 = arith.constant 0 : i32
      %dma_start3A_198 = tpu.memref_slice %arg12[%add3A_68, %dma_start3A_197] : memref<10240x128xf32, #tpu.memory_space<vmem_shared>> -> memref<64x128xf32, #tpu.memory_space<vmem_shared>>
      tpu.enqueue_dma source(%arg11 : memref<64x128xf32, #tpu.memory_space<vmem>>) target(%dma_start3A_198 : memref<64x128xf32, #tpu.memory_space<vmem_shared>>) target_semaphore(%run_scoped3A_194 : memref<!tpu.dma_semaphore, #tpu.memory_space<semaphore_mem>>)
      %dma_wait3A_199 = arith.constant 0 : i32
      %dma_wait3A_200 = tpu.memref_slice %arg12[%add3A_68, %dma_wait3A_199] : memref<10240x128xf32, #tpu.memory_space<vmem_shared>> -> memref<64x128xf32, #tpu.memory_space<vmem_shared>>
      %dma_wait3A_201 = arith.constant 0 : i32
      %dma_wait3A_202 = tpu.memref_slice %arg12[%add3A_68, %dma_wait3A_201] : memref<10240x128xf32, #tpu.memory_space<vmem_shared>> -> memref<64x128xf32, #tpu.memory_space<vmem_shared>>
      tpu.wait_dma2 semaphore(%run_scoped3A_194 : memref<!tpu.dma_semaphore, #tpu.memory_space<semaphore_mem>>) src(%arg11 : memref<64x128xf32, #tpu.memory_space<vmem>>) dst(%dma_wait3A_202 : memref<64x128xf32, #tpu.memory_space<vmem_shared>>)
      tpu.yield
    }) : () -> ()
    %barrier3A = arith.constant 0 : index
    tpu.barrier barrier_id(%barrier3A)
    %dma_start3A = arith.constant 0 : i32
    %dma_start3A_69 = arith.constant 0 : i32
    %dma_start3A_70 = arith.constant 0 : i32
    %dma_start3A_71 = arith.constant 0 : i32
    %dma_start3A_72 = tpu.memref_slice %arg9[%dma_start3A_69, %dma_start3A_70, %dma_start3A_71] : memref<4x64x128xf32, #tpu.memory_space<vmem>> -> memref<1x64x128xf32, #tpu.memory_space<vmem>>
    %dma_start3A_73 = tpu.memref_squeeze %dma_start3A_72 : memref<1x64x128xf32, #tpu.memory_space<vmem>> -> memref<64x128xf32, #tpu.memory_space<vmem>>
    %dma_start3A_74 = arith.constant 0 : i32
    %dma_start3A_75 = tpu.memref_slice %arg5[%dma_start3A, %dma_start3A_74] : memref<4x64xi32, #tpu.memory_space<vmem>> -> memref<1x64xi32, #tpu.memory_space<vmem>>
    %dma_start3A_76 = tpu.memref_squeeze %dma_start3A_75 : memref<1x64xi32, #tpu.memory_space<vmem>> -> memref<64xi32, #tpu.memory_space<vmem>>
    %dma_start3A_77 = arith.constant 0 : i32
    %dma_start3A_78 = arith.constant 0 : i32
    %dma_start3A_79 = tpu.memref_slice %arg2[%dma_start3A_77, %dma_start3A_78] : memref<10000x128xf32, #tpu.memory_space<hbm>> -> memref<10000x128xf32, #tpu.memory_space<hbm>>
    tpu.enqueue_indirect_dma source(%dma_start3A_79 : memref<10000x128xf32, #tpu.memory_space<hbm>>) target(%dma_start3A_73 : memref<64x128xf32, #tpu.memory_space<vmem>>) offsets(%dma_start3A_76 : memref<64xi32, #tpu.memory_space<vmem>>) semaphore(%arg13 : memref<!tpu.dma_semaphore, #tpu.memory_space<semaphore_mem>>)
    %dma_start3A_80 = arith.constant 1 : i32
    %dma_start3A_81 = arith.constant 1 : i32
    %dma_start3A_82 = arith.constant 0 : i32
    %dma_start3A_83 = arith.constant 0 : i32
    %dma_start3A_84 = tpu.memref_slice %arg9[%dma_start3A_81, %dma_start3A_82, %dma_start3A_83] : memref<4x64x128xf32, #tpu.memory_space<vmem>> -> memref<1x64x128xf32, #tpu.memory_space<vmem>>
    %dma_start3A_85 = tpu.memref_squeeze %dma_start3A_84 : memref<1x64x128xf32, #tpu.memory_space<vmem>> -> memref<64x128xf32, #tpu.memory_space<vmem>>
    %dma_start3A_86 = arith.constant 0 : i32
    %dma_start3A_87 = tpu.memref_slice %arg5[%dma_start3A_80, %dma_start3A_86] : memref<4x64xi32, #tpu.memory_space<vmem>> -> memref<1x64xi32, #tpu.memory_space<vmem>>
    %dma_start3A_88 = tpu.memref_squeeze %dma_start3A_87 : memref<1x64xi32, #tpu.memory_space<vmem>> -> memref<64xi32, #tpu.memory_space<vmem>>
    %dma_start3A_89 = arith.constant 0 : i32
    %dma_start3A_90 = arith.constant 0 : i32
    %dma_start3A_91 = tpu.memref_slice %arg2[%dma_start3A_89, %dma_start3A_90] : memref<10000x128xf32, #tpu.memory_space<hbm>> -> memref<10000x128xf32, #tpu.memory_space<hbm>>
    tpu.enqueue_indirect_dma source(%dma_start3A_91 : memref<10000x128xf32, #tpu.memory_space<hbm>>) target(%dma_start3A_85 : memref<64x128xf32, #tpu.memory_space<vmem>>) offsets(%dma_start3A_88 : memref<64xi32, #tpu.memory_space<vmem>>) semaphore(%arg13 : memref<!tpu.dma_semaphore, #tpu.memory_space<semaphore_mem>>)
    %dma_start3A_92 = arith.constant 2 : i32
    %dma_start3A_93 = arith.constant 2 : i32
    %dma_start3A_94 = arith.constant 0 : i32
    %dma_start3A_95 = arith.constant 0 : i32
    %dma_start3A_96 = tpu.memref_slice %arg9[%dma_start3A_93, %dma_start3A_94, %dma_start3A_95] : memref<4x64x128xf32, #tpu.memory_space<vmem>> -> memref<1x64x128xf32, #tpu.memory_space<vmem>>
    %dma_start3A_97 = tpu.memref_squeeze %dma_start3A_96 : memref<1x64x128xf32, #tpu.memory_space<vmem>> -> memref<64x128xf32, #tpu.memory_space<vmem>>
    %dma_start3A_98 = arith.constant 0 : i32
    %dma_start3A_99 = tpu.memref_slice %arg5[%dma_start3A_92, %dma_start3A_98] : memref<4x64xi32, #tpu.memory_space<vmem>> -> memref<1x64xi32, #tpu.memory_space<vmem>>
    %dma_start3A_100 = tpu.memref_squeeze %dma_start3A_99 : memref<1x64xi32, #tpu.memory_space<vmem>> -> memref<64xi32, #tpu.memory_space<vmem>>
    %dma_start3A_101 = arith.constant 0 : i32
    %dma_start3A_102 = arith.constant 0 : i32
    %dma_start3A_103 = tpu.memref_slice %arg2[%dma_start3A_101, %dma_start3A_102] : memref<10000x128xf32, #tpu.memory_space<hbm>> -> memref<10000x128xf32, #tpu.memory_space<hbm>>
    tpu.enqueue_indirect_dma source(%dma_start3A_103 : memref<10000x128xf32, #tpu.memory_space<hbm>>) target(%dma_start3A_97 : memref<64x128xf32, #tpu.memory_space<vmem>>) offsets(%dma_start3A_100 : memref<64xi32, #tpu.memory_space<vmem>>) semaphore(%arg13 : memref<!tpu.dma_semaphore, #tpu.memory_space<semaphore_mem>>)
    %add3A_104 = arith.constant 192 : i32
    %add3A_105 = arith.addi %mul3A_2, %add3A_104 : i32
    %dma_start3A_106 = arith.constant 3 : i32
    %dma_start3A_107 = arith.constant 0 : i32
    %dma_start3A_108 = tpu.memref_slice %arg5[%dma_start3A_106, %dma_start3A_107] : memref<4x64xi32, #tpu.memory_space<vmem>> -> memref<1x64xi32, #tpu.memory_space<vmem>>
    %dma_start3A_109 = tpu.memref_squeeze %dma_start3A_108 : memref<1x64xi32, #tpu.memory_space<vmem>> -> memref<64xi32, #tpu.memory_space<vmem>>
    %dma_start3A_110 = tpu.memref_slice %arg3[%add3A_105] : memref<640000xi32, #tpu.memory_space<hbm>> -> memref<64xi32, #tpu.memory_space<hbm>>
    %dma_start3A_111 = arith.constant 0 : i32
    %dma_start3A_112 = tpu.memref_slice %arg5[%dma_start3A_106, %dma_start3A_111] : memref<4x64xi32, #tpu.memory_space<vmem>> -> memref<1x64xi32, #tpu.memory_space<vmem>>
    %dma_start3A_113 = tpu.memref_squeeze %dma_start3A_112 : memref<1x64xi32, #tpu.memory_space<vmem>> -> memref<64xi32, #tpu.memory_space<vmem>>
    %dma_start3A_114 = tpu.memref_slice %arg3[%add3A_105] : memref<640000xi32, #tpu.memory_space<hbm>> -> memref<64xi32, #tpu.memory_space<hbm>>
    tpu.enqueue_dma source(%dma_start3A_114 : memref<64xi32, #tpu.memory_space<hbm>>) target(%dma_start3A_113 : memref<64xi32, #tpu.memory_space<vmem>>) target_semaphore(%arg14 : memref<!tpu.dma_semaphore, #tpu.memory_space<semaphore_mem>>)
    %add3A_115 = arith.constant 192 : i32
    %add3A_116 = arith.addi %add3A_6, %add3A_115 : i32
    %dma_start3A_117 = arith.constant 3 : i32
    %dma_start3A_118 = arith.constant 0 : i32
    %dma_start3A_119 = tpu.memref_slice %arg6[%dma_start3A_117, %dma_start3A_118] : memref<8x64xi32, #tpu.memory_space<vmem>> -> memref<1x64xi32, #tpu.memory_space<vmem>>
    %dma_start3A_120 = tpu.memref_squeeze %dma_start3A_119 : memref<1x64xi32, #tpu.memory_space<vmem>> -> memref<64xi32, #tpu.memory_space<vmem>>
    %dma_start3A_121 = tpu.memref_slice %arg3[%add3A_116] : memref<640000xi32, #tpu.memory_space<hbm>> -> memref<64xi32, #tpu.memory_space<hbm>>
    %dma_start3A_122 = arith.constant 0 : i32
    %dma_start3A_123 = tpu.memref_slice %arg6[%dma_start3A_117, %dma_start3A_122] : memref<8x64xi32, #tpu.memory_space<vmem>> -> memref<1x64xi32, #tpu.memory_space<vmem>>
    %dma_start3A_124 = tpu.memref_squeeze %dma_start3A_123 : memref<1x64xi32, #tpu.memory_space<vmem>> -> memref<64xi32, #tpu.memory_space<vmem>>
    %dma_start3A_125 = tpu.memref_slice %arg3[%add3A_116] : memref<640000xi32, #tpu.memory_space<hbm>> -> memref<64xi32, #tpu.memory_space<hbm>>
    tpu.enqueue_dma source(%dma_start3A_125 : memref<64xi32, #tpu.memory_space<hbm>>) target(%dma_start3A_124 : memref<64xi32, #tpu.memory_space<vmem>>) target_semaphore(%arg14 : memref<!tpu.dma_semaphore, #tpu.memory_space<semaphore_mem>>)
    %scan3A_126 = arith.constant 0 : i32
    %scan3A_127 = arith.constant 0 : i32
    %scan3A_128 = arith.constant 156 : i32
    %scan3A_129 = arith.addi %scan3A_127, %scan3A_128 : i32
    %scan3A_130 = arith.constant 1 : i32
    scf.for %scan3A_194 = %scan3A_127 to %scan3A_129 step %scan3A_130  : i32 {
      %and3A = arith.constant 3 : i32
      %and3A_195 = arith.andi %scan3A_194, %and3A : i32
      %dma_wait3A_196 = arith.constant 0 : i32
      %dma_wait3A_197 = arith.constant 0 : i32
      %dma_wait3A_198 = tpu.memref_slice %arg9[%and3A_195, %dma_wait3A_196, %dma_wait3A_197] : memref<4x64x128xf32, #tpu.memory_space<vmem>> -> memref<1x64x128xf32, #tpu.memory_space<vmem>>
      %dma_wait3A_199 = tpu.memref_squeeze %dma_wait3A_198 : memref<1x64x128xf32, #tpu.memory_space<vmem>> -> memref<64x128xf32, #tpu.memory_space<vmem>>
      %dma_wait3A_200 = arith.constant 0 : i32
      %dma_wait3A_201 = tpu.memref_slice %arg5[%and3A_195, %dma_wait3A_200] : memref<4x64xi32, #tpu.memory_space<vmem>> -> memref<1x64xi32, #tpu.memory_space<vmem>>
      %dma_wait3A_202 = tpu.memref_squeeze %dma_wait3A_201 : memref<1x64xi32, #tpu.memory_space<vmem>> -> memref<64xi32, #tpu.memory_space<vmem>>
      %dma_wait3A_203 = arith.constant 0 : i32
      %dma_wait3A_204 = arith.constant 0 : i32
      %dma_wait3A_205 = tpu.memref_slice %arg2[%dma_wait3A_203, %dma_wait3A_204] : memref<10000x128xf32, #tpu.memory_space<hbm>> -> memref<10000x128xf32, #tpu.memory_space<hbm>>
      tpu.wait_indirect_dma semaphore(%arg13 : memref<!tpu.dma_semaphore, #tpu.memory_space<semaphore_mem>>) src(%dma_wait3A_205 : memref<10000x128xf32, #tpu.memory_space<hbm>>) dst(%dma_wait3A_199 : memref<64x128xf32, #tpu.memory_space<vmem>>)
      %and3A_206 = arith.constant 7 : i32
      %and3A_207 = arith.andi %scan3A_194, %and3A_206 : i32
      %dma_start3A_208 = arith.constant 0 : i32
      %dma_start3A_209 = arith.constant 0 : i32
      %dma_start3A_210 = tpu.memref_slice %arg9[%and3A_195, %dma_start3A_208, %dma_start3A_209] : memref<4x64x128xf32, #tpu.memory_space<vmem>> -> memref<1x64x128xf32, #tpu.memory_space<vmem>>
      %dma_start3A_211 = tpu.memref_squeeze %dma_start3A_210 : memref<1x64x128xf32, #tpu.memory_space<vmem>> -> memref<64x128xf32, #tpu.memory_space<vmem>>
      %dma_start3A_212 = arith.constant 0 : i32
      %dma_start3A_213 = tpu.memref_slice %arg6[%and3A_207, %dma_start3A_212] : memref<8x64xi32, #tpu.memory_space<vmem>> -> memref<1x64xi32, #tpu.memory_space<vmem>>
      %dma_start3A_214 = tpu.memref_squeeze %dma_start3A_213 : memref<1x64xi32, #tpu.memory_space<vmem>> -> memref<64xi32, #tpu.memory_space<vmem>>
      %dma_start3A_215 = arith.constant 0 : i32
      %dma_start3A_216 = arith.constant 0 : i32
      %dma_start3A_217 = tpu.memref_slice %arg12[%dma_start3A_215, %dma_start3A_216] : memref<10240x128xf32, #tpu.memory_space<vmem_shared>> -> memref<10240x128xf32, #tpu.memory_space<vmem_shared>>
      tpu.enqueue_indirect_dma source(%dma_start3A_211 : memref<64x128xf32, #tpu.memory_space<vmem>>) target(%dma_start3A_217 : memref<10240x128xf32, #tpu.memory_space<vmem_shared>>) offsets(%dma_start3A_214 : memref<64xi32, #tpu.memory_space<vmem>>) semaphore(%arg15 : memref<!tpu.dma_semaphore, #tpu.memory_space<semaphore_mem>>) {add = true}
      %add3A_218 = arith.constant 3 : i32
      %add3A_219 = arith.addi %scan3A_194, %add3A_218 : i32
      %lt3A = arith.constant 156 : i32
      %lt3A_220 = arith.cmpi slt, %add3A_219, %lt3A : i32
      %convert_element_type3A = arith.extui %lt3A_220 : i1 to i32
      %cond3A = arith.constant 0 : i32
      %cond3A_221 = arith.cmpi ne, %convert_element_type3A, %cond3A : i32
      scf.if %cond3A_221 {
        %ge3A = arith.constant 1 : i32
        %ge3A_229 = arith.cmpi sge, %scan3A_194, %ge3A : i32
        %convert_element_type3A_230 = arith.extui %ge3A_229 : i1 to i32
        %cond3A_231 = arith.constant 0 : i32
        %cond3A_232 = arith.cmpi ne, %convert_element_type3A_230, %cond3A_231 : i32
        scf.if %cond3A_232 {
          %dma_wait3A_279 = arith.constant 0 : i32
          %dma_wait3A_280 = arith.constant 0 : i32
          %dma_wait3A_281 = arith.constant 0 : i32
          %dma_wait3A_282 = tpu.memref_slice %arg9[%and3A_195, %dma_wait3A_280, %dma_wait3A_281] : memref<4x64x128xf32, #tpu.memory_space<vmem>> -> memref<1x64x128xf32, #tpu.memory_space<vmem>>
          %dma_wait3A_283 = tpu.memref_squeeze %dma_wait3A_282 : memref<1x64x128xf32, #tpu.memory_space<vmem>> -> memref<64x128xf32, #tpu.memory_space<vmem>>
          %dma_wait3A_284 = arith.constant 0 : i32
          %dma_wait3A_285 = tpu.memref_slice %arg5[%dma_wait3A_279, %dma_wait3A_284] : memref<4x64xi32, #tpu.memory_space<vmem>> -> memref<1x64xi32, #tpu.memory_space<vmem>>
          %dma_wait3A_286 = tpu.memref_squeeze %dma_wait3A_285 : memref<1x64xi32, #tpu.memory_space<vmem>> -> memref<64xi32, #tpu.memory_space<vmem>>
          %dma_wait3A_287 = arith.constant 0 : i32
          %dma_wait3A_288 = arith.constant 0 : i32
          %dma_wait3A_289 = tpu.memref_slice %arg2[%dma_wait3A_287, %dma_wait3A_288] : memref<10000x128xf32, #tpu.memory_space<hbm>> -> memref<10000x128xf32, #tpu.memory_space<hbm>>
          tpu.wait_indirect_dma semaphore(%arg15 : memref<!tpu.dma_semaphore, #tpu.memory_space<semaphore_mem>>) src(%dma_wait3A_289 : memref<10000x128xf32, #tpu.memory_space<hbm>>) dst(%dma_wait3A_283 : memref<64x128xf32, #tpu.memory_space<vmem>>)
        } else {
        }
        %add3A_233 = arith.constant 3 : i32
        %add3A_234 = arith.addi %scan3A_194, %add3A_233 : i32
        %and3A_235 = arith.constant 3 : i32
        %and3A_236 = arith.andi %add3A_234, %and3A_235 : i32
        %dma_wait3A_237 = arith.constant 0 : i32
        %dma_wait3A_238 = tpu.memref_slice %arg5[%and3A_236, %dma_wait3A_237] : memref<4x64xi32, #tpu.memory_space<vmem>> -> memref<1x64xi32, #tpu.memory_space<vmem>>
        %dma_wait3A_239 = tpu.memref_squeeze %dma_wait3A_238 : memref<1x64xi32, #tpu.memory_space<vmem>> -> memref<64xi32, #tpu.memory_space<vmem>>
        %dma_wait3A_240 = arith.constant 0 : i32
        %dma_wait3A_241 = tpu.memref_slice %arg3[%dma_wait3A_240] : memref<640000xi32, #tpu.memory_space<hbm>> -> memref<64xi32, #tpu.memory_space<hbm>>
        %dma_wait3A_242 = arith.constant 0 : i32
        %dma_wait3A_243 = tpu.memref_slice %arg5[%and3A_236, %dma_wait3A_242] : memref<4x64xi32, #tpu.memory_space<vmem>> -> memref<1x64xi32, #tpu.memory_space<vmem>>
        %dma_wait3A_244 = tpu.memref_squeeze %dma_wait3A_243 : memref<1x64xi32, #tpu.memory_space<vmem>> -> memref<64xi32, #tpu.memory_space<vmem>>
        %dma_wait3A_245 = arith.constant 0 : i32
        %dma_wait3A_246 = tpu.memref_slice %arg3[%dma_wait3A_245] : memref<640000xi32, #tpu.memory_space<hbm>> -> memref<64xi32, #tpu.memory_space<hbm>>
        tpu.wait_dma2 semaphore(%arg14 : memref<!tpu.dma_semaphore, #tpu.memory_space<semaphore_mem>>) src(%dma_wait3A_246 : memref<64xi32, #tpu.memory_space<hbm>>) dst(%dma_wait3A_244 : memref<64xi32, #tpu.memory_space<vmem>>)
        %add3A_247 = arith.constant 3 : i32
        %add3A_248 = arith.addi %scan3A_194, %add3A_247 : i32
        %and3A_249 = arith.constant 7 : i32
        %and3A_250 = arith.andi %add3A_248, %and3A_249 : i32
        %dma_wait3A_251 = arith.constant 0 : i32
        %dma_wait3A_252 = tpu.memref_slice %arg6[%and3A_250, %dma_wait3A_251] : memref<8x64xi32, #tpu.memory_space<vmem>> -> memref<1x64xi32, #tpu.memory_space<vmem>>
        %dma_wait3A_253 = tpu.memref_squeeze %dma_wait3A_252 : memref<1x64xi32, #tpu.memory_space<vmem>> -> memref<64xi32, #tpu.memory_space<vmem>>
        %dma_wait3A_254 = arith.constant 0 : i32
        %dma_wait3A_255 = tpu.memref_slice %arg3[%dma_wait3A_254] : memref<640000xi32, #tpu.memory_space<hbm>> -> memref<64xi32, #tpu.memory_space<hbm>>
        %dma_wait3A_256 = arith.constant 0 : i32
        %dma_wait3A_257 = tpu.memref_slice %arg6[%and3A_250, %dma_wait3A_256] : memref<8x64xi32, #tpu.memory_space<vmem>> -> memref<1x64xi32, #tpu.memory_space<vmem>>
        %dma_wait3A_258 = tpu.memref_squeeze %dma_wait3A_257 : memref<1x64xi32, #tpu.memory_space<vmem>> -> memref<64xi32, #tpu.memory_space<vmem>>
        %dma_wait3A_259 = arith.constant 0 : i32
        %dma_wait3A_260 = tpu.memref_slice %arg3[%dma_wait3A_259] : memref<640000xi32, #tpu.memory_space<hbm>> -> memref<64xi32, #tpu.memory_space<hbm>>
        tpu.wait_dma2 semaphore(%arg14 : memref<!tpu.dma_semaphore, #tpu.memory_space<semaphore_mem>>) src(%dma_wait3A_260 : memref<64xi32, #tpu.memory_space<hbm>>) dst(%dma_wait3A_258 : memref<64xi32, #tpu.memory_space<vmem>>)
        %add3A_261 = arith.constant 3 : i32
        %add3A_262 = arith.addi %scan3A_194, %add3A_261 : i32
        %and3A_263 = arith.constant 3 : i32
        %and3A_264 = arith.andi %add3A_262, %and3A_263 : i32
        %add3A_265 = arith.constant 3 : i32
        %add3A_266 = arith.addi %scan3A_194, %add3A_265 : i32
        %and3A_267 = arith.constant 3 : i32
        %and3A_268 = arith.andi %add3A_266, %and3A_267 : i32
        %dma_start3A_269 = arith.constant 0 : i32
        %dma_start3A_270 = arith.constant 0 : i32
        %dma_start3A_271 = tpu.memref_slice %arg9[%and3A_268, %dma_start3A_269, %dma_start3A_270] : memref<4x64x128xf32, #tpu.memory_space<vmem>> -> memref<1x64x128xf32, #tpu.memory_space<vmem>>
        %dma_start3A_272 = tpu.memref_squeeze %dma_start3A_271 : memref<1x64x128xf32, #tpu.memory_space<vmem>> -> memref<64x128xf32, #tpu.memory_space<vmem>>
        %dma_start3A_273 = arith.constant 0 : i32
        %dma_start3A_274 = tpu.memref_slice %arg5[%and3A_264, %dma_start3A_273] : memref<4x64xi32, #tpu.memory_space<vmem>> -> memref<1x64xi32, #tpu.memory_space<vmem>>
        %dma_start3A_275 = tpu.memref_squeeze %dma_start3A_274 : memref<1x64xi32, #tpu.memory_space<vmem>> -> memref<64xi32, #tpu.memory_space<vmem>>
        %dma_start3A_276 = arith.constant 0 : i32
        %dma_start3A_277 = arith.constant 0 : i32
        %dma_start3A_278 = tpu.memref_slice %arg2[%dma_start3A_276, %dma_start3A_277] : memref<10000x128xf32, #tpu.memory_space<hbm>> -> memref<10000x128xf32, #tpu.memory_space<hbm>>
        tpu.enqueue_indirect_dma source(%dma_start3A_278 : memref<10000x128xf32, #tpu.memory_space<hbm>>) target(%dma_start3A_272 : memref<64x128xf32, #tpu.memory_space<vmem>>) offsets(%dma_start3A_275 : memref<64xi32, #tpu.memory_space<vmem>>) semaphore(%arg13 : memref<!tpu.dma_semaphore, #tpu.memory_space<semaphore_mem>>)
      } else {
      }
      %add3A_222 = arith.constant 4 : i32
      %add3A_223 = arith.addi %scan3A_194, %add3A_222 : i32
      %lt3A_224 = arith.constant 156 : i32
      %lt3A_225 = arith.cmpi slt, %add3A_223, %lt3A_224 : i32
      %convert_element_type3A_226 = arith.extui %lt3A_225 : i1 to i32
      %cond3A_227 = arith.constant 0 : i32
      %cond3A_228 = arith.cmpi ne, %convert_element_type3A_226, %cond3A_227 : i32
      scf.if %cond3A_228 {
        %add3A_229 = arith.constant 4 : i32
        %add3A_230 = arith.addi %scan3A_194, %add3A_229 : i32
        %mul3A_231 = arith.constant 64 : i32
        %mul3A_232 = arith.muli %add3A_230, %mul3A_231 : i32
        %add3A_233 = arith.addi %mul3A_2, %mul3A_232 : i32
        %dma_start3A_234 = arith.constant 0 : i32
        %dma_start3A_235 = tpu.memref_slice %arg5[%and3A_195, %dma_start3A_234] : memref<4x64xi32, #tpu.memory_space<vmem>> -> memref<1x64xi32, #tpu.memory_space<vmem>>
        %dma_start3A_236 = tpu.memref_squeeze %dma_start3A_235 : memref<1x64xi32, #tpu.memory_space<vmem>> -> memref<64xi32, #tpu.memory_space<vmem>>
        %dma_start3A_237 = tpu.memref_slice %arg3[%add3A_233] : memref<640000xi32, #tpu.memory_space<hbm>> -> memref<64xi32, #tpu.memory_space<hbm>>
        %dma_start3A_238 = arith.constant 0 : i32
        %dma_start3A_239 = tpu.memref_slice %arg5[%and3A_195, %dma_start3A_238] : memref<4x64xi32, #tpu.memory_space<vmem>> -> memref<1x64xi32, #tpu.memory_space<vmem>>
        %dma_start3A_240 = tpu.memref_squeeze %dma_start3A_239 : memref<1x64xi32, #tpu.memory_space<vmem>> -> memref<64xi32, #tpu.memory_space<vmem>>
        %dma_start3A_241 = tpu.memref_slice %arg3[%add3A_233] : memref<640000xi32, #tpu.memory_space<hbm>> -> memref<64xi32, #tpu.memory_space<hbm>>
        tpu.enqueue_dma source(%dma_start3A_241 : memref<64xi32, #tpu.memory_space<hbm>>) target(%dma_start3A_240 : memref<64xi32, #tpu.memory_space<vmem>>) target_semaphore(%arg14 : memref<!tpu.dma_semaphore, #tpu.memory_space<semaphore_mem>>)
        %add3A_242 = arith.constant 4 : i32
        %add3A_243 = arith.addi %scan3A_194, %add3A_242 : i32
        %mul3A_244 = arith.constant 64 : i32
        %mul3A_245 = arith.muli %add3A_243, %mul3A_244 : i32
        %add3A_246 = arith.addi %add3A_6, %mul3A_245 : i32
        %add3A_247 = arith.constant 4 : i32
        %add3A_248 = arith.addi %scan3A_194, %add3A_247 : i32
        %and3A_249 = arith.constant 7 : i32
        %and3A_250 = arith.andi %add3A_248, %and3A_249 : i32
        %dma_start3A_251 = arith.constant 0 : i32
        %dma_start3A_252 = tpu.memref_slice %arg6[%and3A_250, %dma_start3A_251] : memref<8x64xi32, #tpu.memory_space<vmem>> -> memref<1x64xi32, #tpu.memory_space<vmem>>
        %dma_start3A_253 = tpu.memref_squeeze %dma_start3A_252 : memref<1x64xi32, #tpu.memory_space<vmem>> -> memref<64xi32, #tpu.memory_space<vmem>>
        %dma_start3A_254 = tpu.memref_slice %arg3[%add3A_246] : memref<640000xi32, #tpu.memory_space<hbm>> -> memref<64xi32, #tpu.memory_space<hbm>>
        %dma_start3A_255 = arith.constant 0 : i32
        %dma_start3A_256 = tpu.memref_slice %arg6[%and3A_250, %dma_start3A_255] : memref<8x64xi32, #tpu.memory_space<vmem>> -> memref<1x64xi32, #tpu.memory_space<vmem>>
        %dma_start3A_257 = tpu.memref_squeeze %dma_start3A_256 : memref<1x64xi32, #tpu.memory_space<vmem>> -> memref<64xi32, #tpu.memory_space<vmem>>
        %dma_start3A_258 = tpu.memref_slice %arg3[%add3A_246] : memref<640000xi32, #tpu.memory_space<hbm>> -> memref<64xi32, #tpu.memory_space<hbm>>
        tpu.enqueue_dma source(%dma_start3A_258 : memref<64xi32, #tpu.memory_space<hbm>>) target(%dma_start3A_257 : memref<64xi32, #tpu.memory_space<vmem>>) target_semaphore(%arg14 : memref<!tpu.dma_semaphore, #tpu.memory_space<semaphore_mem>>)
      } else {
      }
    }
    %scan3A_131 = arith.constant 156 : i32
    %dma_wait3A = arith.constant 0 : i32
    %dma_wait3A_132 = arith.constant 0 : i32
    %dma_wait3A_133 = arith.constant 0 : i32
    %dma_wait3A_134 = arith.constant 0 : i32
    %dma_wait3A_135 = tpu.memref_slice %arg9[%dma_wait3A_132, %dma_wait3A_133, %dma_wait3A_134] : memref<4x64x128xf32, #tpu.memory_space<vmem>> -> memref<1x64x128xf32, #tpu.memory_space<vmem>>
    %dma_wait3A_136 = tpu.memref_squeeze %dma_wait3A_135 : memref<1x64x128xf32, #tpu.memory_space<vmem>> -> memref<64x128xf32, #tpu.memory_space<vmem>>
    %dma_wait3A_137 = arith.constant 0 : i32
    %dma_wait3A_138 = tpu.memref_slice %arg5[%dma_wait3A, %dma_wait3A_137] : memref<4x64xi32, #tpu.memory_space<vmem>> -> memref<1x64xi32, #tpu.memory_space<vmem>>
    %dma_wait3A_139 = tpu.memref_squeeze %dma_wait3A_138 : memref<1x64xi32, #tpu.memory_space<vmem>> -> memref<64xi32, #tpu.memory_space<vmem>>
    %dma_wait3A_140 = arith.constant 0 : i32
    %dma_wait3A_141 = arith.constant 0 : i32
    %dma_wait3A_142 = tpu.memref_slice %arg2[%dma_wait3A_140, %dma_wait3A_141] : memref<10000x128xf32, #tpu.memory_space<hbm>> -> memref<10000x128xf32, #tpu.memory_space<hbm>>
    tpu.wait_indirect_dma semaphore(%arg15 : memref<!tpu.dma_semaphore, #tpu.memory_space<semaphore_mem>>) src(%dma_wait3A_142 : memref<10000x128xf32, #tpu.memory_space<hbm>>) dst(%dma_wait3A_136 : memref<64x128xf32, #tpu.memory_space<vmem>>)
    %dma_wait3A_143 = arith.constant 0 : i32
    %dma_wait3A_144 = arith.constant 1 : i32
    %dma_wait3A_145 = arith.constant 0 : i32
    %dma_wait3A_146 = arith.constant 0 : i32
    %dma_wait3A_147 = tpu.memref_slice %arg9[%dma_wait3A_144, %dma_wait3A_145, %dma_wait3A_146] : memref<4x64x128xf32, #tpu.memory_space<vmem>> -> memref<1x64x128xf32, #tpu.memory_space<vmem>>
    %dma_wait3A_148 = tpu.memref_squeeze %dma_wait3A_147 : memref<1x64x128xf32, #tpu.memory_space<vmem>> -> memref<64x128xf32, #tpu.memory_space<vmem>>
    %dma_wait3A_149 = arith.constant 0 : i32
    %dma_wait3A_150 = tpu.memref_slice %arg5[%dma_wait3A_143, %dma_wait3A_149] : memref<4x64xi32, #tpu.memory_space<vmem>> -> memref<1x64xi32, #tpu.memory_space<vmem>>
    %dma_wait3A_151 = tpu.memref_squeeze %dma_wait3A_150 : memref<1x64xi32, #tpu.memory_space<vmem>> -> memref<64xi32, #tpu.memory_space<vmem>>
    %dma_wait3A_152 = arith.constant 0 : i32
    %dma_wait3A_153 = arith.constant 0 : i32
    %dma_wait3A_154 = tpu.memref_slice %arg2[%dma_wait3A_152, %dma_wait3A_153] : memref<10000x128xf32, #tpu.memory_space<hbm>> -> memref<10000x128xf32, #tpu.memory_space<hbm>>
    tpu.wait_indirect_dma semaphore(%arg15 : memref<!tpu.dma_semaphore, #tpu.memory_space<semaphore_mem>>) src(%dma_wait3A_154 : memref<10000x128xf32, #tpu.memory_space<hbm>>) dst(%dma_wait3A_148 : memref<64x128xf32, #tpu.memory_space<vmem>>)
    %dma_wait3A_155 = arith.constant 0 : i32
    %dma_wait3A_156 = arith.constant 2 : i32
    %dma_wait3A_157 = arith.constant 0 : i32
    %dma_wait3A_158 = arith.constant 0 : i32
    %dma_wait3A_159 = tpu.memref_slice %arg9[%dma_wait3A_156, %dma_wait3A_157, %dma_wait3A_158] : memref<4x64x128xf32, #tpu.memory_space<vmem>> -> memref<1x64x128xf32, #tpu.memory_space<vmem>>
    %dma_wait3A_160 = tpu.memref_squeeze %dma_wait3A_159 : memref<1x64x128xf32, #tpu.memory_space<vmem>> -> memref<64x128xf32, #tpu.memory_space<vmem>>
    %dma_wait3A_161 = arith.constant 0 : i32
    %dma_wait3A_162 = tpu.memref_slice %arg5[%dma_wait3A_155, %dma_wait3A_161] : memref<4x64xi32, #tpu.memory_space<vmem>> -> memref<1x64xi32, #tpu.memory_space<vmem>>
    %dma_wait3A_163 = tpu.memref_squeeze %dma_wait3A_162 : memref<1x64xi32, #tpu.memory_space<vmem>> -> memref<64xi32, #tpu.memory_space<vmem>>
    %dma_wait3A_164 = arith.constant 0 : i32
    %dma_wait3A_165 = arith.constant 0 : i32
    %dma_wait3A_166 = tpu.memref_slice %arg2[%dma_wait3A_164, %dma_wait3A_165] : memref<10000x128xf32, #tpu.memory_space<hbm>> -> memref<10000x128xf32, #tpu.memory_space<hbm>>
    tpu.wait_indirect_dma semaphore(%arg15 : memref<!tpu.dma_semaphore, #tpu.memory_space<semaphore_mem>>) src(%dma_wait3A_166 : memref<10000x128xf32, #tpu.memory_space<hbm>>) dst(%dma_wait3A_160 : memref<64x128xf32, #tpu.memory_space<vmem>>)
    %dma_wait3A_167 = arith.constant 0 : i32
    %dma_wait3A_168 = arith.constant 3 : i32
    %dma_wait3A_169 = arith.constant 0 : i32
    %dma_wait3A_170 = arith.constant 0 : i32
    %dma_wait3A_171 = tpu.memref_slice %arg9[%dma_wait3A_168, %dma_wait3A_169, %dma_wait3A_170] : memref<4x64x128xf32, #tpu.memory_space<vmem>> -> memref<1x64x128xf32, #tpu.memory_space<vmem>>
    %dma_wait3A_172 = tpu.memref_squeeze %dma_wait3A_171 : memref<1x64x128xf32, #tpu.memory_space<vmem>> -> memref<64x128xf32, #tpu.memory_space<vmem>>
    %dma_wait3A_173 = arith.constant 0 : i32
    %dma_wait3A_174 = tpu.memref_slice %arg5[%dma_wait3A_167, %dma_wait3A_173] : memref<4x64xi32, #tpu.memory_space<vmem>> -> memref<1x64xi32, #tpu.memory_space<vmem>>
    %dma_wait3A_175 = tpu.memref_squeeze %dma_wait3A_174 : memref<1x64xi32, #tpu.memory_space<vmem>> -> memref<64xi32, #tpu.memory_space<vmem>>
    %dma_wait3A_176 = arith.constant 0 : i32
    %dma_wait3A_177 = arith.constant 0 : i32
    %dma_wait3A_178 = tpu.memref_slice %arg2[%dma_wait3A_176, %dma_wait3A_177] : memref<10000x128xf32, #tpu.memory_space<hbm>> -> memref<10000x128xf32, #tpu.memory_space<hbm>>
    tpu.wait_indirect_dma semaphore(%arg15 : memref<!tpu.dma_semaphore, #tpu.memory_space<semaphore_mem>>) src(%dma_wait3A_178 : memref<10000x128xf32, #tpu.memory_space<hbm>>) dst(%dma_wait3A_172 : memref<64x128xf32, #tpu.memory_space<vmem>>)
    %add3A_179 = arith.constant 9984 : i32
    %add3A_180 = arith.addi %mul3A_2, %add3A_179 : i32
    "tpu.region"() ({
      %run_scoped3A_194 = tpu.sem_alloc : memref<!tpu.dma_semaphore, #tpu.memory_space<semaphore_mem>>
      %dma_start3A_195 = tpu.memref_slice %arg3[%add3A_180] : memref<640000xi32, #tpu.memory_space<hbm>> -> memref<16xi32, #tpu.memory_space<hbm>>
      %dma_start3A_196 = tpu.memref_slice %arg3[%add3A_180] : memref<640000xi32, #tpu.memory_space<hbm>> -> memref<16xi32, #tpu.memory_space<hbm>>
      tpu.enqueue_dma source(%dma_start3A_196 : memref<16xi32, #tpu.memory_space<hbm>>) target(%arg7 : memref<16xi32, #tpu.memory_space<vmem>>) target_semaphore(%run_scoped3A_194 : memref<!tpu.dma_semaphore, #tpu.memory_space<semaphore_mem>>)
      %dma_wait3A_197 = tpu.memref_slice %arg3[%add3A_180] : memref<640000xi32, #tpu.memory_space<hbm>> -> memref<16xi32, #tpu.memory_space<hbm>>
      %dma_wait3A_198 = tpu.memref_slice %arg3[%add3A_180] : memref<640000xi32, #tpu.memory_space<hbm>> -> memref<16xi32, #tpu.memory_space<hbm>>
      tpu.wait_dma2 semaphore(%run_scoped3A_194 : memref<!tpu.dma_semaphore, #tpu.memory_space<semaphore_mem>>) src(%dma_wait3A_198 : memref<16xi32, #tpu.memory_space<hbm>>) dst(%arg7 : memref<16xi32, #tpu.memory_space<vmem>>)
      tpu.yield
    }) : () -> ()
    %add3A_181 = arith.constant 9984 : i32
    %add3A_182 = arith.addi %add3A_6, %add3A_181 : i32
    "tpu.region"() ({
      %run_scoped3A_194 = tpu.sem_alloc : memref<!tpu.dma_semaphore, #tpu.memory_space<semaphore_mem>>
      %dma_start3A_195 = tpu.memref_slice %arg3[%add3A_182] : memref<640000xi32, #tpu.memory_space<hbm>> -> memref<16xi32, #tpu.memory_space<hbm>>
      %dma_start3A_196 = tpu.memref_slice %arg3[%add3A_182] : memref<640000xi32, #tpu.memory_space<hbm>> -> memref<16xi32, #tpu.memory_space<hbm>>
      tpu.enqueue_dma source(%dma_start3A_196 : memref<16xi32, #tpu.memory_space<hbm>>) target(%arg8 : memref<16xi32, #tpu.memory_space<vmem>>) target_semaphore(%run_scoped3A_194 : memref<!tpu.dma_semaphore, #tpu.memory_space<semaphore_mem>>)
      %dma_wait3A_197 = tpu.memref_slice %arg3[%add3A_182] : memref<640000xi32, #tpu.memory_space<hbm>> -> memref<16xi32, #tpu.memory_space<hbm>>
      %dma_wait3A_198 = tpu.memref_slice %arg3[%add3A_182] : memref<640000xi32, #tpu.memory_space<hbm>> -> memref<16xi32, #tpu.memory_space<hbm>>
      tpu.wait_dma2 semaphore(%run_scoped3A_194 : memref<!tpu.dma_semaphore, #tpu.memory_space<semaphore_mem>>) src(%dma_wait3A_198 : memref<16xi32, #tpu.memory_space<hbm>>) dst(%arg8 : memref<16xi32, #tpu.memory_space<vmem>>)
      tpu.yield
    }) : () -> ()
    %dma_start3A_183 = arith.constant 0 : i32
    %dma_start3A_184 = arith.constant 0 : i32
    %dma_start3A_185 = tpu.memref_slice %arg2[%dma_start3A_183, %dma_start3A_184] : memref<10000x128xf32, #tpu.memory_space<hbm>> -> memref<10000x128xf32, #tpu.memory_space<hbm>>
    tpu.enqueue_indirect_dma source(%dma_start3A_185 : memref<10000x128xf32, #tpu.memory_space<hbm>>) target(%arg10 : memref<16x128xf32, #tpu.memory_space<vmem>>) offsets(%arg7 : memref<16xi32, #tpu.memory_space<vmem>>) semaphore(%arg13 : memref<!tpu.dma_semaphore, #tpu.memory_space<semaphore_mem>>)
    %dma_wait3A_186 = arith.constant 0 : i32
    %dma_wait3A_187 = arith.constant 0 : i32
    %dma_wait3A_188 = tpu.memref_slice %arg2[%dma_wait3A_186, %dma_wait3A_187] : memref<10000x128xf32, #tpu.memory_space<hbm>> -> memref<10000x128xf32, #tpu.memory_space<hbm>>
    tpu.wait_indirect_dma semaphore(%arg13 : memref<!tpu.dma_semaphore, #tpu.memory_space<semaphore_mem>>) src(%dma_wait3A_188 : memref<10000x128xf32, #tpu.memory_space<hbm>>) dst(%arg10 : memref<16x128xf32, #tpu.memory_space<vmem>>)
    "tpu.region"() ({
      %run_scoped3A_194 = tpu.sem_alloc : memref<!tpu.dma_semaphore, #tpu.memory_space<semaphore_mem>>
      %dma_start3A_195 = arith.constant 0 : i32
      %dma_start3A_196 = arith.constant 0 : i32
      %dma_start3A_197 = tpu.memref_slice %arg12[%dma_start3A_195, %dma_start3A_196] : memref<10240x128xf32, #tpu.memory_space<vmem_shared>> -> memref<10240x128xf32, #tpu.memory_space<vmem_shared>>
      tpu.enqueue_indirect_dma source(%arg10 : memref<16x128xf32, #tpu.memory_space<vmem>>) target(%dma_start3A_197 : memref<10240x128xf32, #tpu.memory_space<vmem_shared>>) offsets(%arg8 : memref<16xi32, #tpu.memory_space<vmem>>) semaphore(%run_scoped3A_194 : memref<!tpu.dma_semaphore, #tpu.memory_space<semaphore_mem>>) {add = true}
      %dma_wait3A_198 = arith.constant 0 : i32
      %dma_wait3A_199 = arith.constant 0 : i32
      %dma_wait3A_200 = tpu.memref_slice %arg12[%dma_wait3A_198, %dma_wait3A_199] : memref<10240x128xf32, #tpu.memory_space<vmem_shared>> -> memref<10240x128xf32, #tpu.memory_space<vmem_shared>>
      tpu.wait_indirect_dma semaphore(%run_scoped3A_194 : memref<!tpu.dma_semaphore, #tpu.memory_space<semaphore_mem>>) src(%arg10 : memref<16x128xf32, #tpu.memory_space<vmem>>) dst(%dma_wait3A_200 : memref<10240x128xf32, #tpu.memory_space<vmem_shared>>)
      tpu.yield
    }) : () -> ()
    %barrier3A_189 = arith.constant 0 : index
    tpu.barrier barrier_id(%barrier3A_189)
    %mul3A_190 = arith.constant 640 : i32
    %mul3A_191 = arith.muli %arg1, %mul3A_190 : i32
    %mul3A_192 = arith.constant 640 : i32
    %mul3A_193 = arith.muli %arg1, %mul3A_192 : i32
    "tpu.region"() ({
      %run_scoped3A_194 = tpu.sem_alloc : memref<!tpu.dma_semaphore, #tpu.memory_space<semaphore_mem>>
      %dma_start3A_195 = arith.constant 0 : i32
      %dma_start3A_196 = tpu.memref_slice %arg4[%arg0, %mul3A_193, %dma_start3A_195] : memref<2x10240x128xf32, #tpu.memory_space<hbm>> -> memref<1x640x128xf32, #tpu.memory_space<hbm>>
      %dma_start3A_197 = tpu.memref_squeeze %dma_start3A_196 : memref<1x640x128xf32, #tpu.memory_space<hbm>> -> memref<640x128xf32, #tpu.memory_space<hbm>>
      %dma_start3A_198 = arith.constant 0 : i32
      %dma_start3A_199 = tpu.memref_slice %arg12[%mul3A_191, %dma_start3A_198] : memref<10240x128xf32, #tpu.memory_space<vmem_shared>> -> memref<640x128xf32, #tpu.memory_space<vmem_shared>>
      tpu.enqueue_dma source(%dma_start3A_199 : memref<640x128xf32, #tpu.memory_space<vmem_shared>>) target(%dma_start3A_197 : memref<640x128xf32, #tpu.memory_space<hbm>>) target_semaphore(%run_scoped3A_194 : memref<!tpu.dma_semaphore, #tpu.memory_space<semaphore_mem>>)
      %dma_wait3A_200 = arith.constant 0 : i32
      %dma_wait3A_201 = tpu.memref_slice %arg4[%arg0, %mul3A_193, %dma_wait3A_200] : memref<2x10240x128xf32, #tpu.memory_space<hbm>> -> memref<1x640x128xf32, #tpu.memory_space<hbm>>
      %dma_wait3A_202 = tpu.memref_squeeze %dma_wait3A_201 : memref<1x640x128xf32, #tpu.memory_space<hbm>> -> memref<640x128xf32, #tpu.memory_space<hbm>>
      %dma_wait3A_203 = arith.constant 0 : i32
      %dma_wait3A_204 = tpu.memref_slice %arg12[%mul3A_191, %dma_wait3A_203] : memref<10240x128xf32, #tpu.memory_space<vmem_shared>> -> memref<640x128xf32, #tpu.memory_space<vmem_shared>>
      tpu.wait_dma2 semaphore(%run_scoped3A_194 : memref<!tpu.dma_semaphore, #tpu.memory_space<semaphore_mem>>) src(%dma_wait3A_204 : memref<640x128xf32, #tpu.memory_space<vmem_shared>>) dst(%dma_wait3A_202 : memref<640x128xf32, #tpu.memory_space<hbm>>)
      tpu.yield
    }) : () -> ()
    return
  }
}

#map = affine_map<(d0, d1) -> (0)>
#map1 = affine_map<(d0, d1) -> (0, 0)>
#map2 = affine_map<(d0, d1) -> (0, 0, 0)>
module attributes {stable_mosaic.version = 14 : i64} {
  func.func @body(%arg0: i32, %arg1: i32, %arg2: memref<640000xi32, #tpu.memory_space<hbm>>, %arg3: memref<10368x8xf32, #tpu.memory_space<hbm>>, %arg4: memref<2x10240x8xf32, #tpu.memory_space<hbm>>, %arg5: memref<10000xi32, #tpu.memory_space<vmem>>, %arg6: memref<128x8xf32, #tpu.memory_space<vmem>>, %arg7: memref<10240x8xf32, #tpu.memory_space<vmem_shared>>) attributes {dimension_semantics = [#tpu.dimension_semantics<core_parallel>, #tpu.dimension_semantics<subcore_parallel>], iteration_bounds = array<i64: 2, 16>, scalar_prefetch = 0 : i64, scratch_operands = 3 : i64, tpu.core_type = #tpu.core_type<sc_vector_subcore>, window_params = [{transform_indices = #map}, {transform_indices = #map1}, {transform_indices = #map2}]} {
    %mul3A = arith.constant 16 : i32
    %mul3A_0 = arith.muli %arg0, %mul3A : i32
    %add3A = arith.addi %mul3A_0, %arg1 : i32
    %mul3A_1 = arith.constant 10000 : i32
    %mul3A_2 = arith.muli %add3A, %mul3A_1 : i32
    %add3A_3 = arith.constant 320000 : i32
    %add3A_4 = arith.addi %add3A_3, %mul3A_2 : i32
    "tpu.region"() ({
      %run_scoped3A = tpu.sem_alloc : memref<!tpu.dma_semaphore, #tpu.memory_space<semaphore_mem>>
      %dma_start3A = arith.constant 10240 : i32
      %dma_start3A_17 = arith.constant 0 : i32
      %dma_start3A_18 = tpu.memref_slice %arg3[%dma_start3A, %dma_start3A_17] : memref<10368x8xf32, #tpu.memory_space<hbm>> -> memref<128x8xf32, #tpu.memory_space<hbm>>
      %dma_start3A_19 = arith.constant 10240 : i32
      %dma_start3A_20 = arith.constant 0 : i32
      %dma_start3A_21 = tpu.memref_slice %arg3[%dma_start3A_19, %dma_start3A_20] : memref<10368x8xf32, #tpu.memory_space<hbm>> -> memref<128x8xf32, #tpu.memory_space<hbm>>
      tpu.enqueue_dma source(%dma_start3A_21 : memref<128x8xf32, #tpu.memory_space<hbm>>) target(%arg6 : memref<128x8xf32, #tpu.memory_space<vmem>>) target_semaphore(%run_scoped3A : memref<!tpu.dma_semaphore, #tpu.memory_space<semaphore_mem>>)
      %dma_wait3A = arith.constant 10240 : i32
      %dma_wait3A_22 = arith.constant 0 : i32
      %dma_wait3A_23 = tpu.memref_slice %arg3[%dma_wait3A, %dma_wait3A_22] : memref<10368x8xf32, #tpu.memory_space<hbm>> -> memref<128x8xf32, #tpu.memory_space<hbm>>
      %dma_wait3A_24 = arith.constant 10240 : i32
      %dma_wait3A_25 = arith.constant 0 : i32
      %dma_wait3A_26 = tpu.memref_slice %arg3[%dma_wait3A_24, %dma_wait3A_25] : memref<10368x8xf32, #tpu.memory_space<hbm>> -> memref<128x8xf32, #tpu.memory_space<hbm>>
      tpu.wait_dma2 semaphore(%run_scoped3A : memref<!tpu.dma_semaphore, #tpu.memory_space<semaphore_mem>>) src(%dma_wait3A_26 : memref<128x8xf32, #tpu.memory_space<hbm>>) dst(%arg6 : memref<128x8xf32, #tpu.memory_space<vmem>>)
      tpu.yield
    }) : () -> ()
    "tpu.region"() ({
      %run_scoped3A = tpu.sem_alloc : memref<!tpu.dma_semaphore, #tpu.memory_space<semaphore_mem>>
      %dma_start3A = tpu.memref_slice %arg2[%add3A_4] : memref<640000xi32, #tpu.memory_space<hbm>> -> memref<10000xi32, #tpu.memory_space<hbm>>
      %dma_start3A_17 = tpu.memref_slice %arg2[%add3A_4] : memref<640000xi32, #tpu.memory_space<hbm>> -> memref<10000xi32, #tpu.memory_space<hbm>>
      tpu.enqueue_dma source(%dma_start3A_17 : memref<10000xi32, #tpu.memory_space<hbm>>) target(%arg5 : memref<10000xi32, #tpu.memory_space<vmem>>) target_semaphore(%run_scoped3A : memref<!tpu.dma_semaphore, #tpu.memory_space<semaphore_mem>>)
      %dma_wait3A = tpu.memref_slice %arg2[%add3A_4] : memref<640000xi32, #tpu.memory_space<hbm>> -> memref<10000xi32, #tpu.memory_space<hbm>>
      %dma_wait3A_18 = tpu.memref_slice %arg2[%add3A_4] : memref<640000xi32, #tpu.memory_space<hbm>> -> memref<10000xi32, #tpu.memory_space<hbm>>
      tpu.wait_dma2 semaphore(%run_scoped3A : memref<!tpu.dma_semaphore, #tpu.memory_space<semaphore_mem>>) src(%dma_wait3A_18 : memref<10000xi32, #tpu.memory_space<hbm>>) dst(%arg5 : memref<10000xi32, #tpu.memory_space<vmem>>)
      tpu.yield
    }) : () -> ()
    %mul3A_5 = arith.constant 640 : i32
    %mul3A_6 = arith.muli %arg1, %mul3A_5 : i32
    "tpu.region"() ({
      %run_scoped3A = tpu.sem_alloc : memref<!tpu.dma_semaphore, #tpu.memory_space<semaphore_mem>>
      %dma_start3A = arith.constant 0 : i32
      %dma_start3A_17 = tpu.memref_slice %arg7[%mul3A_6, %dma_start3A] : memref<10240x8xf32, #tpu.memory_space<vmem_shared>> -> memref<640x8xf32, #tpu.memory_space<vmem_shared>>
      %dma_start3A_18 = arith.constant 0 : i32
      %dma_start3A_19 = arith.constant 0 : i32
      %dma_start3A_20 = tpu.memref_slice %arg3[%dma_start3A_18, %dma_start3A_19] : memref<10368x8xf32, #tpu.memory_space<hbm>> -> memref<640x8xf32, #tpu.memory_space<hbm>>
      tpu.enqueue_dma source(%dma_start3A_20 : memref<640x8xf32, #tpu.memory_space<hbm>>) target(%dma_start3A_17 : memref<640x8xf32, #tpu.memory_space<vmem_shared>>) target_semaphore(%run_scoped3A : memref<!tpu.dma_semaphore, #tpu.memory_space<semaphore_mem>>)
      %dma_wait3A = arith.constant 0 : i32
      %dma_wait3A_21 = tpu.memref_slice %arg7[%mul3A_6, %dma_wait3A] : memref<10240x8xf32, #tpu.memory_space<vmem_shared>> -> memref<640x8xf32, #tpu.memory_space<vmem_shared>>
      %dma_wait3A_22 = arith.constant 0 : i32
      %dma_wait3A_23 = arith.constant 0 : i32
      %dma_wait3A_24 = tpu.memref_slice %arg3[%dma_wait3A_22, %dma_wait3A_23] : memref<10368x8xf32, #tpu.memory_space<hbm>> -> memref<640x8xf32, #tpu.memory_space<hbm>>
      tpu.wait_dma2 semaphore(%run_scoped3A : memref<!tpu.dma_semaphore, #tpu.memory_space<semaphore_mem>>) src(%dma_wait3A_24 : memref<640x8xf32, #tpu.memory_space<hbm>>) dst(%dma_wait3A_21 : memref<640x8xf32, #tpu.memory_space<vmem_shared>>)
      tpu.yield
    }) : () -> ()
    %barrier3A = arith.constant 0 : index
    tpu.barrier barrier_id(%barrier3A)
    %scan3A = arith.constant 0 : i32
    %scan3A_7 = arith.constant 0 : i32
    %scan3A_8 = arith.constant 78 : i32
    %scan3A_9 = arith.addi %scan3A_7, %scan3A_8 : i32
    %scan3A_10 = arith.constant 1 : i32
    scf.for %scan3A_17 = %scan3A_7 to %scan3A_9 step %scan3A_10  : i32 {
      %mul3A_18 = arith.constant 128 : i32
      %mul3A_19 = arith.muli %scan3A_17, %mul3A_18 : i32
      "tpu.region"() ({
        %run_scoped3A = tpu.sem_alloc : memref<!tpu.dma_semaphore, #tpu.memory_space<semaphore_mem>>
        %dma_start3A = tpu.memref_slice %arg5[%mul3A_19] : memref<10000xi32, #tpu.memory_space<vmem>> -> memref<128xi32, #tpu.memory_space<vmem>>
        %dma_start3A_20 = arith.constant 0 : i32
        %dma_start3A_21 = arith.constant 0 : i32
        %dma_start3A_22 = tpu.memref_slice %arg7[%dma_start3A_20, %dma_start3A_21] : memref<10240x8xf32, #tpu.memory_space<vmem_shared>> -> memref<10240x8xf32, #tpu.memory_space<vmem_shared>>
        tpu.enqueue_indirect_dma source(%arg6 : memref<128x8xf32, #tpu.memory_space<vmem>>) target(%dma_start3A_22 : memref<10240x8xf32, #tpu.memory_space<vmem_shared>>) offsets(%dma_start3A : memref<128xi32, #tpu.memory_space<vmem>>) semaphore(%run_scoped3A : memref<!tpu.dma_semaphore, #tpu.memory_space<semaphore_mem>>) {add = true}
        %dma_wait3A = tpu.memref_slice %arg5[%mul3A_19] : memref<10000xi32, #tpu.memory_space<vmem>> -> memref<128xi32, #tpu.memory_space<vmem>>
        %dma_wait3A_23 = arith.constant 0 : i32
        %dma_wait3A_24 = arith.constant 0 : i32
        %dma_wait3A_25 = tpu.memref_slice %arg7[%dma_wait3A_23, %dma_wait3A_24] : memref<10240x8xf32, #tpu.memory_space<vmem_shared>> -> memref<10240x8xf32, #tpu.memory_space<vmem_shared>>
        tpu.wait_indirect_dma semaphore(%run_scoped3A : memref<!tpu.dma_semaphore, #tpu.memory_space<semaphore_mem>>) src(%arg6 : memref<128x8xf32, #tpu.memory_space<vmem>>) dst(%dma_wait3A_25 : memref<10240x8xf32, #tpu.memory_space<vmem_shared>>)
        tpu.yield
      }) : () -> ()
    }
    %scan3A_11 = arith.constant 78 : i32
    "tpu.region"() ({
      %run_scoped3A = tpu.sem_alloc : memref<!tpu.dma_semaphore, #tpu.memory_space<semaphore_mem>>
      %dma_start3A = arith.constant 0 : i32
      %dma_start3A_17 = arith.constant 0 : i32
      %dma_start3A_18 = tpu.memref_slice %arg6[%dma_start3A, %dma_start3A_17] : memref<128x8xf32, #tpu.memory_space<vmem>> -> memref<16x8xf32, #tpu.memory_space<vmem>>
      %dma_start3A_19 = arith.constant 9984 : i32
      %dma_start3A_20 = tpu.memref_slice %arg5[%dma_start3A_19] : memref<10000xi32, #tpu.memory_space<vmem>> -> memref<16xi32, #tpu.memory_space<vmem>>
      %dma_start3A_21 = arith.constant 0 : i32
      %dma_start3A_22 = arith.constant 0 : i32
      %dma_start3A_23 = tpu.memref_slice %arg7[%dma_start3A_21, %dma_start3A_22] : memref<10240x8xf32, #tpu.memory_space<vmem_shared>> -> memref<10240x8xf32, #tpu.memory_space<vmem_shared>>
      tpu.enqueue_indirect_dma source(%dma_start3A_18 : memref<16x8xf32, #tpu.memory_space<vmem>>) target(%dma_start3A_23 : memref<10240x8xf32, #tpu.memory_space<vmem_shared>>) offsets(%dma_start3A_20 : memref<16xi32, #tpu.memory_space<vmem>>) semaphore(%run_scoped3A : memref<!tpu.dma_semaphore, #tpu.memory_space<semaphore_mem>>) {add = true}
      %dma_wait3A = arith.constant 0 : i32
      %dma_wait3A_24 = arith.constant 0 : i32
      %dma_wait3A_25 = tpu.memref_slice %arg6[%dma_wait3A, %dma_wait3A_24] : memref<128x8xf32, #tpu.memory_space<vmem>> -> memref<16x8xf32, #tpu.memory_space<vmem>>
      %dma_wait3A_26 = arith.constant 9984 : i32
      %dma_wait3A_27 = tpu.memref_slice %arg5[%dma_wait3A_26] : memref<10000xi32, #tpu.memory_space<vmem>> -> memref<16xi32, #tpu.memory_space<vmem>>
      %dma_wait3A_28 = arith.constant 0 : i32
      %dma_wait3A_29 = arith.constant 0 : i32
      %dma_wait3A_30 = tpu.memref_slice %arg7[%dma_wait3A_28, %dma_wait3A_29] : memref<10240x8xf32, #tpu.memory_space<vmem_shared>> -> memref<10240x8xf32, #tpu.memory_space<vmem_shared>>
      tpu.wait_indirect_dma semaphore(%run_scoped3A : memref<!tpu.dma_semaphore, #tpu.memory_space<semaphore_mem>>) src(%dma_wait3A_25 : memref<16x8xf32, #tpu.memory_space<vmem>>) dst(%dma_wait3A_30 : memref<10240x8xf32, #tpu.memory_space<vmem_shared>>)
      tpu.yield
    }) : () -> ()
    %barrier3A_12 = arith.constant 0 : index
    tpu.barrier barrier_id(%barrier3A_12)
    %mul3A_13 = arith.constant 640 : i32
    %mul3A_14 = arith.muli %arg1, %mul3A_13 : i32
    %mul3A_15 = arith.constant 640 : i32
    %mul3A_16 = arith.muli %arg1, %mul3A_15 : i32
    "tpu.region"() ({
      %run_scoped3A = tpu.sem_alloc : memref<!tpu.dma_semaphore, #tpu.memory_space<semaphore_mem>>
      %dma_start3A = arith.constant 0 : i32
      %dma_start3A_17 = tpu.memref_slice %arg4[%arg0, %mul3A_16, %dma_start3A] : memref<2x10240x8xf32, #tpu.memory_space<hbm>> -> memref<1x640x8xf32, #tpu.memory_space<hbm>>
      %dma_start3A_18 = tpu.memref_squeeze %dma_start3A_17 : memref<1x640x8xf32, #tpu.memory_space<hbm>> -> memref<640x8xf32, #tpu.memory_space<hbm>>
      %dma_start3A_19 = arith.constant 0 : i32
      %dma_start3A_20 = tpu.memref_slice %arg7[%mul3A_14, %dma_start3A_19] : memref<10240x8xf32, #tpu.memory_space<vmem_shared>> -> memref<640x8xf32, #tpu.memory_space<vmem_shared>>
      tpu.enqueue_dma source(%dma_start3A_20 : memref<640x8xf32, #tpu.memory_space<vmem_shared>>) target(%dma_start3A_18 : memref<640x8xf32, #tpu.memory_space<hbm>>) target_semaphore(%run_scoped3A : memref<!tpu.dma_semaphore, #tpu.memory_space<semaphore_mem>>)
      %dma_wait3A = arith.constant 0 : i32
      %dma_wait3A_21 = tpu.memref_slice %arg4[%arg0, %mul3A_16, %dma_wait3A] : memref<2x10240x8xf32, #tpu.memory_space<hbm>> -> memref<1x640x8xf32, #tpu.memory_space<hbm>>
      %dma_wait3A_22 = tpu.memref_squeeze %dma_wait3A_21 : memref<1x640x8xf32, #tpu.memory_space<hbm>> -> memref<640x8xf32, #tpu.memory_space<hbm>>
      %dma_wait3A_23 = arith.constant 0 : i32
      %dma_wait3A_24 = tpu.memref_slice %arg7[%mul3A_14, %dma_wait3A_23] : memref<10240x8xf32, #tpu.memory_space<vmem_shared>> -> memref<640x8xf32, #tpu.memory_space<vmem_shared>>
      tpu.wait_dma2 semaphore(%run_scoped3A : memref<!tpu.dma_semaphore, #tpu.memory_space<semaphore_mem>>) src(%dma_wait3A_24 : memref<640x8xf32, #tpu.memory_space<vmem_shared>>) dst(%dma_wait3A_22 : memref<640x8xf32, #tpu.memory_space<hbm>>)
      tpu.yield
    }) : () -> ()
    return
  }
}

#map = affine_map<(d0, d1) -> (0, 0)>
#map1 = affine_map<(d0, d1) -> (0)>
#map2 = affine_map<(d0, d1) -> (0, 0, 0)>
module attributes {stable_mosaic.version = 14 : i64} {
  func.func @body(%arg0: i32, %arg1: i32, %arg2: memref<10000x128xf32, #tpu.memory_space<hbm>>, %arg3: memref<640000xi32, #tpu.memory_space<hbm>>, %arg4: memref<2x10240x128xf32, #tpu.memory_space<hbm>>, %arg5: memref<4x64xi32, #tpu.memory_space<vmem>>, %arg6: memref<8x64xi32, #tpu.memory_space<vmem>>, %arg7: memref<16xi32, #tpu.memory_space<vmem>>, %arg8: memref<16xi32, #tpu.memory_space<vmem>>, %arg9: memref<4x64x128xf32, #tpu.memory_space<vmem>>, %arg10: memref<16x128xf32, #tpu.memory_space<vmem>>, %arg11: memref<64x128xf32, #tpu.memory_space<vmem>>, %arg12: memref<10240x128xf32, #tpu.memory_space<vmem_shared>>, %arg13: memref<!tpu.dma_semaphore, #tpu.memory_space<semaphore_mem>>, %arg14: memref<!tpu.dma_semaphore, #tpu.memory_space<semaphore_mem>>, %arg15: memref<!tpu.dma_semaphore, #tpu.memory_space<semaphore_mem>>) attributes {dimension_semantics = [#tpu.dimension_semantics<core_parallel>, #tpu.dimension_semantics<subcore_parallel>], iteration_bounds = array<i64: 2, 16>, scalar_prefetch = 0 : i64, scratch_operands = 11 : i64, tpu.core_type = #tpu.core_type<sc_vector_subcore>, window_params = [{transform_indices = #map}, {transform_indices = #map1}, {transform_indices = #map2}]} {
    %mul3A = arith.constant 16 : i32
    %mul3A_0 = arith.muli %arg0, %mul3A : i32
    %add3A = arith.addi %mul3A_0, %arg1 : i32
    %mul3A_1 = arith.constant 10000 : i32
    %mul3A_2 = arith.muli %add3A, %mul3A_1 : i32
    %mul3A_3 = arith.constant 10000 : i32
    %mul3A_4 = arith.muli %add3A, %mul3A_3 : i32
    %add3A_5 = arith.constant 320000 : i32
    %add3A_6 = arith.addi %add3A_5, %mul3A_4 : i32
    %scan3A = arith.constant 0 : i32
    %scan3A_7 = arith.constant 0 : i32
    %scan3A_8 = arith.constant 64 : i32
    %scan3A_9 = arith.addi %scan3A_7, %scan3A_8 : i32
    %scan3A_10 = arith.constant 1 : i32
    scf.for %scan3A_194 = %scan3A_7 to %scan3A_9 step %scan3A_10  : i32 {
      %broadcast_in_dim3A = arith.constant 0.000000e+00 : f32
      %broadcast_in_dim3A_195 = vector.broadcast %broadcast_in_dim3A : f32 to vector<16xf32>
      %swap3A = arith.index_cast %scan3A_194 : i32 to index
      %swap3A_196 = arith.constant 0 : index
      %swap3A_197 = tpu.vector_load %arg11[%swap3A, %swap3A_196] {strides = array<i32>} : memref<64x128xf32, #tpu.memory_space<vmem>>, vector<1x16xf32>,
      %swap3A_198 = vector.shape_cast %swap3A_197 : vector<1x16xf32> to vector<16xf32>
      %swap3A_199 = vector.shape_cast %broadcast_in_dim3A_195 : vector<16xf32> to vector<1x16xf32>
      tpu.vector_store %arg11[%swap3A, %swap3A_196], %swap3A_199 {strides = array<i32>} : memref<64x128xf32, #tpu.memory_space<vmem>>, vector<1x16xf32>,
      %broadcast_in_dim3A_200 = arith.constant 0.000000e+00 : f32
      %broadcast_in_dim3A_201 = vector.broadcast %broadcast_in_dim3A_200 : f32 to vector<16xf32>
      %swap3A_202 = arith.index_cast %scan3A_194 : i32 to index
      %swap3A_203 = arith.constant 16 : index
      %swap3A_204 = tpu.vector_load %arg11[%swap3A_202, %swap3A_203] {strides = array<i32>} : memref<64x128xf32, #tpu.memory_space<vmem>>, vector<1x16xf32>,
      %swap3A_205 = vector.shape_cast %swap3A_204 : vector<1x16xf32> to vector<16xf32>
      %swap3A_206 = vector.shape_cast %broadcast_in_dim3A_201 : vector<16xf32> to vector<1x16xf32>
      tpu.vector_store %arg11[%swap3A_202, %swap3A_203], %swap3A_206 {strides = array<i32>} : memref<64x128xf32, #tpu.memory_space<vmem>>, vector<1x16xf32>,
      %broadcast_in_dim3A_207 = arith.constant 0.000000e+00 : f32
      %broadcast_in_dim3A_208 = vector.broadcast %broadcast_in_dim3A_207 : f32 to vector<16xf32>
      %swap3A_209 = arith.index_cast %scan3A_194 : i32 to index
      %swap3A_210 = arith.constant 32 : index
      %swap3A_211 = tpu.vector_load %arg11[%swap3A_209, %swap3A_210] {strides = array<i32>} : memref<64x128xf32, #tpu.memory_space<vmem>>, vector<1x16xf32>,
      %swap3A_212 = vector.shape_cast %swap3A_211 : vector<1x16xf32> to vector<16xf32>
      %swap3A_213 = vector.shape_cast %broadcast_in_dim3A_208 : vector<16xf32> to vector<1x16xf32>
      tpu.vector_store %arg11[%swap3A_209, %swap3A_210], %swap3A_213 {strides = array<i32>} : memref<64x128xf32, #tpu.memory_space<vmem>>, vector<1x16xf32>,
      %broadcast_in_dim3A_214 = arith.constant 0.000000e+00 : f32
      %broadcast_in_dim3A_215 = vector.broadcast %broadcast_in_dim3A_214 : f32 to vector<16xf32>
      %swap3A_216 = arith.index_cast %scan3A_194 : i32 to index
      %swap3A_217 = arith.constant 48 : index
      %swap3A_218 = tpu.vector_load %arg11[%swap3A_216, %swap3A_217] {strides = array<i32>} : memref<64x128xf32, #tpu.memory_space<vmem>>, vector<1x16xf32>,
      %swap3A_219 = vector.shape_cast %swap3A_218 : vector<1x16xf32> to vector<16xf32>
      %swap3A_220 = vector.shape_cast %broadcast_in_dim3A_215 : vector<16xf32> to vector<1x16xf32>
      tpu.vector_store %arg11[%swap3A_216, %swap3A_217], %swap3A_220 {strides = array<i32>} : memref<64x128xf32, #tpu.memory_space<vmem>>, vector<1x16xf32>,
      %broadcast_in_dim3A_221 = arith.constant 0.000000e+00 : f32
      %broadcast_in_dim3A_222 = vector.broadcast %broadcast_in_dim3A_221 : f32 to vector<16xf32>
      %swap3A_223 = arith.index_cast %scan3A_194 : i32 to index
      %swap3A_224 = arith.constant 64 : index
      %swap3A_225 = tpu.vector_load %arg11[%swap3A_223, %swap3A_224] {strides = array<i32>} : memref<64x128xf32, #tpu.memory_space<vmem>>, vector<1x16xf32>,
      %swap3A_226 = vector.shape_cast %swap3A_225 : vector<1x16xf32> to vector<16xf32>
      %swap3A_227 = vector.shape_cast %broadcast_in_dim3A_222 : vector<16xf32> to vector<1x16xf32>
      tpu.vector_store %arg11[%swap3A_223, %swap3A_224], %swap3A_227 {strides = array<i32>} : memref<64x128xf32, #tpu.memory_space<vmem>>, vector<1x16xf32>,
      %broadcast_in_dim3A_228 = arith.constant 0.000000e+00 : f32
      %broadcast_in_dim3A_229 = vector.broadcast %broadcast_in_dim3A_228 : f32 to vector<16xf32>
      %swap3A_230 = arith.index_cast %scan3A_194 : i32 to index
      %swap3A_231 = arith.constant 80 : index
      %swap3A_232 = tpu.vector_load %arg11[%swap3A_230, %swap3A_231] {strides = array<i32>} : memref<64x128xf32, #tpu.memory_space<vmem>>, vector<1x16xf32>,
      %swap3A_233 = vector.shape_cast %swap3A_232 : vector<1x16xf32> to vector<16xf32>
      %swap3A_234 = vector.shape_cast %broadcast_in_dim3A_229 : vector<16xf32> to vector<1x16xf32>
      tpu.vector_store %arg11[%swap3A_230, %swap3A_231], %swap3A_234 {strides = array<i32>} : memref<64x128xf32, #tpu.memory_space<vmem>>, vector<1x16xf32>,
      %broadcast_in_dim3A_235 = arith.constant 0.000000e+00 : f32
      %broadcast_in_dim3A_236 = vector.broadcast %broadcast_in_dim3A_235 : f32 to vector<16xf32>
      %swap3A_237 = arith.index_cast %scan3A_194 : i32 to index
      %swap3A_238 = arith.constant 96 : index
      %swap3A_239 = tpu.vector_load %arg11[%swap3A_237, %swap3A_238] {strides = array<i32>} : memref<64x128xf32, #tpu.memory_space<vmem>>, vector<1x16xf32>,
      %swap3A_240 = vector.shape_cast %swap3A_239 : vector<1x16xf32> to vector<16xf32>
      %swap3A_241 = vector.shape_cast %broadcast_in_dim3A_236 : vector<16xf32> to vector<1x16xf32>
      tpu.vector_store %arg11[%swap3A_237, %swap3A_238], %swap3A_241 {strides = array<i32>} : memref<64x128xf32, #tpu.memory_space<vmem>>, vector<1x16xf32>,
      %broadcast_in_dim3A_242 = arith.constant 0.000000e+00 : f32
      %broadcast_in_dim3A_243 = vector.broadcast %broadcast_in_dim3A_242 : f32 to vector<16xf32>
      %swap3A_244 = arith.index_cast %scan3A_194 : i32 to index
      %swap3A_245 = arith.constant 112 : index
      %swap3A_246 = tpu.vector_load %arg11[%swap3A_244, %swap3A_245] {strides = array<i32>} : memref<64x128xf32, #tpu.memory_space<vmem>>, vector<1x16xf32>,
      %swap3A_247 = vector.shape_cast %swap3A_246 : vector<1x16xf32> to vector<16xf32>
      %swap3A_248 = vector.shape_cast %broadcast_in_dim3A_243 : vector<16xf32> to vector<1x16xf32>
      tpu.vector_store %arg11[%swap3A_244, %swap3A_245], %swap3A_248 {strides = array<i32>} : memref<64x128xf32, #tpu.memory_space<vmem>>, vector<1x16xf32>,
    }
    %scan3A_11 = arith.constant 64 : i32
    %add3A_12 = arith.constant 0 : i32
    %add3A_13 = arith.addi %mul3A_2, %add3A_12 : i32
    %run_scoped3A = arith.constant 0 : i32
    "tpu.region"() ({
      %run_scoped3A_194 = tpu.sem_alloc : memref<!tpu.dma_semaphore, #tpu.memory_space<semaphore_mem>>
      %dma_start3A_195 = arith.constant 0 : i32
      %dma_start3A_196 = tpu.memref_slice %arg5[%run_scoped3A, %dma_start3A_195] : memref<4x64xi32, #tpu.memory_space<vmem>> -> memref<1x64xi32, #tpu.memory_space<vmem>>
      %dma_start3A_197 = tpu.memref_squeeze %dma_start3A_196 : memref<1x64xi32, #tpu.memory_space<vmem>> -> memref<64xi32, #tpu.memory_space<vmem>>
      %dma_start3A_198 = tpu.memref_slice %arg3[%add3A_13] : memref<640000xi32, #tpu.memory_space<hbm>> -> memref<64xi32, #tpu.memory_space<hbm>>
      %dma_start3A_199 = arith.constant 0 : i32
      %dma_start3A_200 = tpu.memref_slice %arg5[%run_scoped3A, %dma_start3A_199] : memref<4x64xi32, #tpu.memory_space<vmem>> -> memref<1x64xi32, #tpu.memory_space<vmem>>
      %dma_start3A_201 = tpu.memref_squeeze %dma_start3A_200 : memref<1x64xi32, #tpu.memory_space<vmem>> -> memref<64xi32, #tpu.memory_space<vmem>>
      %dma_start3A_202 = tpu.memref_slice %arg3[%add3A_13] : memref<640000xi32, #tpu.memory_space<hbm>> -> memref<64xi32, #tpu.memory_space<hbm>>
      tpu.enqueue_dma source(%dma_start3A_202 : memref<64xi32, #tpu.memory_space<hbm>>) target(%dma_start3A_201 : memref<64xi32, #tpu.memory_space<vmem>>) target_semaphore(%run_scoped3A_194 : memref<!tpu.dma_semaphore, #tpu.memory_space<semaphore_mem>>)
      %dma_wait3A_203 = arith.constant 0 : i32
      %dma_wait3A_204 = tpu.memref_slice %arg5[%run_scoped3A, %dma_wait3A_203] : memref<4x64xi32, #tpu.memory_space<vmem>> -> memref<1x64xi32, #tpu.memory_space<vmem>>
      %dma_wait3A_205 = tpu.memref_squeeze %dma_wait3A_204 : memref<1x64xi32, #tpu.memory_space<vmem>> -> memref<64xi32, #tpu.memory_space<vmem>>
      %dma_wait3A_206 = tpu.memref_slice %arg3[%add3A_13] : memref<640000xi32, #tpu.memory_space<hbm>> -> memref<64xi32, #tpu.memory_space<hbm>>
      %dma_wait3A_207 = arith.constant 0 : i32
      %dma_wait3A_208 = tpu.memref_slice %arg5[%run_scoped3A, %dma_wait3A_207] : memref<4x64xi32, #tpu.memory_space<vmem>> -> memref<1x64xi32, #tpu.memory_space<vmem>>
      %dma_wait3A_209 = tpu.memref_squeeze %dma_wait3A_208 : memref<1x64xi32, #tpu.memory_space<vmem>> -> memref<64xi32, #tpu.memory_space<vmem>>
      %dma_wait3A_210 = tpu.memref_slice %arg3[%add3A_13] : memref<640000xi32, #tpu.memory_space<hbm>> -> memref<64xi32, #tpu.memory_space<hbm>>
      tpu.wait_dma2 semaphore(%run_scoped3A_194 : memref<!tpu.dma_semaphore, #tpu.memory_space<semaphore_mem>>) src(%dma_wait3A_210 : memref<64xi32, #tpu.memory_space<hbm>>) dst(%dma_wait3A_209 : memref<64xi32, #tpu.memory_space<vmem>>)
      tpu.yield
    }) : () -> ()
    %add3A_14 = arith.constant 0 : i32
    %add3A_15 = arith.addi %add3A_6, %add3A_14 : i32
    %run_scoped3A_16 = arith.constant 0 : i32
    "tpu.region"() ({
      %run_scoped3A_194 = tpu.sem_alloc : memref<!tpu.dma_semaphore, #tpu.memory_space<semaphore_mem>>
      %dma_start3A_195 = arith.constant 0 : i32
      %dma_start3A_196 = tpu.memref_slice %arg6[%run_scoped3A_16, %dma_start3A_195] : memref<8x64xi32, #tpu.memory_space<vmem>> -> memref<1x64xi32, #tpu.memory_space<vmem>>
      %dma_start3A_197 = tpu.memref_squeeze %dma_start3A_196 : memref<1x64xi32, #tpu.memory_space<vmem>> -> memref<64xi32, #tpu.memory_space<vmem>>
      %dma_start3A_198 = tpu.memref_slice %arg3[%add3A_15] : memref<640000xi32, #tpu.memory_space<hbm>> -> memref<64xi32, #tpu.memory_space<hbm>>
      %dma_start3A_199 = arith.constant 0 : i32
      %dma_start3A_200 = tpu.memref_slice %arg6[%run_scoped3A_16, %dma_start3A_199] : memref<8x64xi32, #tpu.memory_space<vmem>> -> memref<1x64xi32, #tpu.memory_space<vmem>>
      %dma_start3A_201 = tpu.memref_squeeze %dma_start3A_200 : memref<1x64xi32, #tpu.memory_space<vmem>> -> memref<64xi32, #tpu.memory_space<vmem>>
      %dma_start3A_202 = tpu.memref_slice %arg3[%add3A_15] : memref<640000xi32, #tpu.memory_space<hbm>> -> memref<64xi32, #tpu.memory_space<hbm>>
      tpu.enqueue_dma source(%dma_start3A_202 : memref<64xi32, #tpu.memory_space<hbm>>) target(%dma_start3A_201 : memref<64xi32, #tpu.memory_space<vmem>>) target_semaphore(%run_scoped3A_194 : memref<!tpu.dma_semaphore, #tpu.memory_space<semaphore_mem>>)
      %dma_wait3A_203 = arith.constant 0 : i32
      %dma_wait3A_204 = tpu.memref_slice %arg6[%run_scoped3A_16, %dma_wait3A_203] : memref<8x64xi32, #tpu.memory_space<vmem>> -> memref<1x64xi32, #tpu.memory_space<vmem>>
      %dma_wait3A_205 = tpu.memref_squeeze %dma_wait3A_204 : memref<1x64xi32, #tpu.memory_space<vmem>> -> memref<64xi32, #tpu.memory_space<vmem>>
      %dma_wait3A_206 = tpu.memref_slice %arg3[%add3A_15] : memref<640000xi32, #tpu.memory_space<hbm>> -> memref<64xi32, #tpu.memory_space<hbm>>
      %dma_wait3A_207 = arith.constant 0 : i32
      %dma_wait3A_208 = tpu.memref_slice %arg6[%run_scoped3A_16, %dma_wait3A_207] : memref<8x64xi32, #tpu.memory_space<vmem>> -> memref<1x64xi32, #tpu.memory_space<vmem>>
      %dma_wait3A_209 = tpu.memref_squeeze %dma_wait3A_208 : memref<1x64xi32, #tpu.memory_space<vmem>> -> memref<64xi32, #tpu.memory_space<vmem>>
      %dma_wait3A_210 = tpu.memref_slice %arg3[%add3A_15] : memref<640000xi32, #tpu.memory_space<hbm>> -> memref<64xi32, #tpu.memory_space<hbm>>
      tpu.wait_dma2 semaphore(%run_scoped3A_194 : memref<!tpu.dma_semaphore, #tpu.memory_space<semaphore_mem>>) src(%dma_wait3A_210 : memref<64xi32, #tpu.memory_space<hbm>>) dst(%dma_wait3A_209 : memref<64xi32, #tpu.memory_space<vmem>>)
      tpu.yield
    }) : () -> ()
    %add3A_17 = arith.constant 64 : i32
    %add3A_18 = arith.addi %mul3A_2, %add3A_17 : i32
    %run_scoped3A_19 = arith.constant 1 : i32
    "tpu.region"() ({
      %run_scoped3A_194 = tpu.sem_alloc : memref<!tpu.dma_semaphore, #tpu.memory_space<semaphore_mem>>
      %dma_start3A_195 = arith.constant 0 : i32
      %dma_start3A_196 = tpu.memref_slice %arg5[%run_scoped3A_19, %dma_start3A_195] : memref<4x64xi32, #tpu.memory_space<vmem>> -> memref<1x64xi32, #tpu.memory_space<vmem>>
      %dma_start3A_197 = tpu.memref_squeeze %dma_start3A_196 : memref<1x64xi32, #tpu.memory_space<vmem>> -> memref<64xi32, #tpu.memory_space<vmem>>
      %dma_start3A_198 = tpu.memref_slice %arg3[%add3A_18] : memref<640000xi32, #tpu.memory_space<hbm>> -> memref<64xi32, #tpu.memory_space<hbm>>
      %dma_start3A_199 = arith.constant 0 : i32
      %dma_start3A_200 = tpu.memref_slice %arg5[%run_scoped3A_19, %dma_start3A_199] : memref<4x64xi32, #tpu.memory_space<vmem>> -> memref<1x64xi32, #tpu.memory_space<vmem>>
      %dma_start3A_201 = tpu.memref_squeeze %dma_start3A_200 : memref<1x64xi32, #tpu.memory_space<vmem>> -> memref<64xi32, #tpu.memory_space<vmem>>
      %dma_start3A_202 = tpu.memref_slice %arg3[%add3A_18] : memref<640000xi32, #tpu.memory_space<hbm>> -> memref<64xi32, #tpu.memory_space<hbm>>
      tpu.enqueue_dma source(%dma_start3A_202 : memref<64xi32, #tpu.memory_space<hbm>>) target(%dma_start3A_201 : memref<64xi32, #tpu.memory_space<vmem>>) target_semaphore(%run_scoped3A_194 : memref<!tpu.dma_semaphore, #tpu.memory_space<semaphore_mem>>)
      %dma_wait3A_203 = arith.constant 0 : i32
      %dma_wait3A_204 = tpu.memref_slice %arg5[%run_scoped3A_19, %dma_wait3A_203] : memref<4x64xi32, #tpu.memory_space<vmem>> -> memref<1x64xi32, #tpu.memory_space<vmem>>
      %dma_wait3A_205 = tpu.memref_squeeze %dma_wait3A_204 : memref<1x64xi32, #tpu.memory_space<vmem>> -> memref<64xi32, #tpu.memory_space<vmem>>
      %dma_wait3A_206 = tpu.memref_slice %arg3[%add3A_18] : memref<640000xi32, #tpu.memory_space<hbm>> -> memref<64xi32, #tpu.memory_space<hbm>>
      %dma_wait3A_207 = arith.constant 0 : i32
      %dma_wait3A_208 = tpu.memref_slice %arg5[%run_scoped3A_19, %dma_wait3A_207] : memref<4x64xi32, #tpu.memory_space<vmem>> -> memref<1x64xi32, #tpu.memory_space<vmem>>
      %dma_wait3A_209 = tpu.memref_squeeze %dma_wait3A_208 : memref<1x64xi32, #tpu.memory_space<vmem>> -> memref<64xi32, #tpu.memory_space<vmem>>
      %dma_wait3A_210 = tpu.memref_slice %arg3[%add3A_18] : memref<640000xi32, #tpu.memory_space<hbm>> -> memref<64xi32, #tpu.memory_space<hbm>>
      tpu.wait_dma2 semaphore(%run_scoped3A_194 : memref<!tpu.dma_semaphore, #tpu.memory_space<semaphore_mem>>) src(%dma_wait3A_210 : memref<64xi32, #tpu.memory_space<hbm>>) dst(%dma_wait3A_209 : memref<64xi32, #tpu.memory_space<vmem>>)
      tpu.yield
    }) : () -> ()
    %add3A_20 = arith.constant 64 : i32
    %add3A_21 = arith.addi %add3A_6, %add3A_20 : i32
    %run_scoped3A_22 = arith.constant 1 : i32
    "tpu.region"() ({
      %run_scoped3A_194 = tpu.sem_alloc : memref<!tpu.dma_semaphore, #tpu.memory_space<semaphore_mem>>
      %dma_start3A_195 = arith.constant 0 : i32
      %dma_start3A_196 = tpu.memref_slice %arg6[%run_scoped3A_22, %dma_start3A_195] : memref<8x64xi32, #tpu.memory_space<vmem>> -> memref<1x64xi32, #tpu.memory_space<vmem>>
      %dma_start3A_197 = tpu.memref_squeeze %dma_start3A_196 : memref<1x64xi32, #tpu.memory_space<vmem>> -> memref<64xi32, #tpu.memory_space<vmem>>
      %dma_start3A_198 = tpu.memref_slice %arg3[%add3A_21] : memref<640000xi32, #tpu.memory_space<hbm>> -> memref<64xi32, #tpu.memory_space<hbm>>
      %dma_start3A_199 = arith.constant 0 : i32
      %dma_start3A_200 = tpu.memref_slice %arg6[%run_scoped3A_22, %dma_start3A_199] : memref<8x64xi32, #tpu.memory_space<vmem>> -> memref<1x64xi32, #tpu.memory_space<vmem>>
      %dma_start3A_201 = tpu.memref_squeeze %dma_start3A_200 : memref<1x64xi32, #tpu.memory_space<vmem>> -> memref<64xi32, #tpu.memory_space<vmem>>
      %dma_start3A_202 = tpu.memref_slice %arg3[%add3A_21] : memref<640000xi32, #tpu.memory_space<hbm>> -> memref<64xi32, #tpu.memory_space<hbm>>
      tpu.enqueue_dma source(%dma_start3A_202 : memref<64xi32, #tpu.memory_space<hbm>>) target(%dma_start3A_201 : memref<64xi32, #tpu.memory_space<vmem>>) target_semaphore(%run_scoped3A_194 : memref<!tpu.dma_semaphore, #tpu.memory_space<semaphore_mem>>)
      %dma_wait3A_203 = arith.constant 0 : i32
      %dma_wait3A_204 = tpu.memref_slice %arg6[%run_scoped3A_22, %dma_wait3A_203] : memref<8x64xi32, #tpu.memory_space<vmem>> -> memref<1x64xi32, #tpu.memory_space<vmem>>
      %dma_wait3A_205 = tpu.memref_squeeze %dma_wait3A_204 : memref<1x64xi32, #tpu.memory_space<vmem>> -> memref<64xi32, #tpu.memory_space<vmem>>
      %dma_wait3A_206 = tpu.memref_slice %arg3[%add3A_21] : memref<640000xi32, #tpu.memory_space<hbm>> -> memref<64xi32, #tpu.memory_space<hbm>>
      %dma_wait3A_207 = arith.constant 0 : i32
      %dma_wait3A_208 = tpu.memref_slice %arg6[%run_scoped3A_22, %dma_wait3A_207] : memref<8x64xi32, #tpu.memory_space<vmem>> -> memref<1x64xi32, #tpu.memory_space<vmem>>
      %dma_wait3A_209 = tpu.memref_squeeze %dma_wait3A_208 : memref<1x64xi32, #tpu.memory_space<vmem>> -> memref<64xi32, #tpu.memory_space<vmem>>
      %dma_wait3A_210 = tpu.memref_slice %arg3[%add3A_21] : memref<640000xi32, #tpu.memory_space<hbm>> -> memref<64xi32, #tpu.memory_space<hbm>>
      tpu.wait_dma2 semaphore(%run_scoped3A_194 : memref<!tpu.dma_semaphore, #tpu.memory_space<semaphore_mem>>) src(%dma_wait3A_210 : memref<64xi32, #tpu.memory_space<hbm>>) dst(%dma_wait3A_209 : memref<64xi32, #tpu.memory_space<vmem>>)
      tpu.yield
    }) : () -> ()
    %add3A_23 = arith.constant 128 : i32
    %add3A_24 = arith.addi %mul3A_2, %add3A_23 : i32
    %run_scoped3A_25 = arith.constant 2 : i32
    "tpu.region"() ({
      %run_scoped3A_194 = tpu.sem_alloc : memref<!tpu.dma_semaphore, #tpu.memory_space<semaphore_mem>>
      %dma_start3A_195 = arith.constant 0 : i32
      %dma_start3A_196 = tpu.memref_slice %arg5[%run_scoped3A_25, %dma_start3A_195] : memref<4x64xi32, #tpu.memory_space<vmem>> -> memref<1x64xi32, #tpu.memory_space<vmem>>
      %dma_start3A_197 = tpu.memref_squeeze %dma_start3A_196 : memref<1x64xi32, #tpu.memory_space<vmem>> -> memref<64xi32, #tpu.memory_space<vmem>>
      %dma_start3A_198 = tpu.memref_slice %arg3[%add3A_24] : memref<640000xi32, #tpu.memory_space<hbm>> -> memref<64xi32, #tpu.memory_space<hbm>>
      %dma_start3A_199 = arith.constant 0 : i32
      %dma_start3A_200 = tpu.memref_slice %arg5[%run_scoped3A_25, %dma_start3A_199] : memref<4x64xi32, #tpu.memory_space<vmem>> -> memref<1x64xi32, #tpu.memory_space<vmem>>
      %dma_start3A_201 = tpu.memref_squeeze %dma_start3A_200 : memref<1x64xi32, #tpu.memory_space<vmem>> -> memref<64xi32, #tpu.memory_space<vmem>>
      %dma_start3A_202 = tpu.memref_slice %arg3[%add3A_24] : memref<640000xi32, #tpu.memory_space<hbm>> -> memref<64xi32, #tpu.memory_space<hbm>>
      tpu.enqueue_dma source(%dma_start3A_202 : memref<64xi32, #tpu.memory_space<hbm>>) target(%dma_start3A_201 : memref<64xi32, #tpu.memory_space<vmem>>) target_semaphore(%run_scoped3A_194 : memref<!tpu.dma_semaphore, #tpu.memory_space<semaphore_mem>>)
      %dma_wait3A_203 = arith.constant 0 : i32
      %dma_wait3A_204 = tpu.memref_slice %arg5[%run_scoped3A_25, %dma_wait3A_203] : memref<4x64xi32, #tpu.memory_space<vmem>> -> memref<1x64xi32, #tpu.memory_space<vmem>>
      %dma_wait3A_205 = tpu.memref_squeeze %dma_wait3A_204 : memref<1x64xi32, #tpu.memory_space<vmem>> -> memref<64xi32, #tpu.memory_space<vmem>>
      %dma_wait3A_206 = tpu.memref_slice %arg3[%add3A_24] : memref<640000xi32, #tpu.memory_space<hbm>> -> memref<64xi32, #tpu.memory_space<hbm>>
      %dma_wait3A_207 = arith.constant 0 : i32
      %dma_wait3A_208 = tpu.memref_slice %arg5[%run_scoped3A_25, %dma_wait3A_207] : memref<4x64xi32, #tpu.memory_space<vmem>> -> memref<1x64xi32, #tpu.memory_space<vmem>>
      %dma_wait3A_209 = tpu.memref_squeeze %dma_wait3A_208 : memref<1x64xi32, #tpu.memory_space<vmem>> -> memref<64xi32, #tpu.memory_space<vmem>>
      %dma_wait3A_210 = tpu.memref_slice %arg3[%add3A_24] : memref<640000xi32, #tpu.memory_space<hbm>> -> memref<64xi32, #tpu.memory_space<hbm>>
      tpu.wait_dma2 semaphore(%run_scoped3A_194 : memref<!tpu.dma_semaphore, #tpu.memory_space<semaphore_mem>>) src(%dma_wait3A_210 : memref<64xi32, #tpu.memory_space<hbm>>) dst(%dma_wait3A_209 : memref<64xi32, #tpu.memory_space<vmem>>)
      tpu.yield
    }) : () -> ()
    %add3A_26 = arith.constant 128 : i32
    %add3A_27 = arith.addi %add3A_6, %add3A_26 : i32
    %run_scoped3A_28 = arith.constant 2 : i32
    "tpu.region"() ({
      %run_scoped3A_194 = tpu.sem_alloc : memref<!tpu.dma_semaphore, #tpu.memory_space<semaphore_mem>>
      %dma_start3A_195 = arith.constant 0 : i32
      %dma_start3A_196 = tpu.memref_slice %arg6[%run_scoped3A_28, %dma_start3A_195] : memref<8x64xi32, #tpu.memory_space<vmem>> -> memref<1x64xi32, #tpu.memory_space<vmem>>
      %dma_start3A_197 = tpu.memref_squeeze %dma_start3A_196 : memref<1x64xi32, #tpu.memory_space<vmem>> -> memref<64xi32, #tpu.memory_space<vmem>>
      %dma_start3A_198 = tpu.memref_slice %arg3[%add3A_27] : memref<640000xi32, #tpu.memory_space<hbm>> -> memref<64xi32, #tpu.memory_space<hbm>>
      %dma_start3A_199 = arith.constant 0 : i32
      %dma_start3A_200 = tpu.memref_slice %arg6[%run_scoped3A_28, %dma_start3A_199] : memref<8x64xi32, #tpu.memory_space<vmem>> -> memref<1x64xi32, #tpu.memory_space<vmem>>
      %dma_start3A_201 = tpu.memref_squeeze %dma_start3A_200 : memref<1x64xi32, #tpu.memory_space<vmem>> -> memref<64xi32, #tpu.memory_space<vmem>>
      %dma_start3A_202 = tpu.memref_slice %arg3[%add3A_27] : memref<640000xi32, #tpu.memory_space<hbm>> -> memref<64xi32, #tpu.memory_space<hbm>>
      tpu.enqueue_dma source(%dma_start3A_202 : memref<64xi32, #tpu.memory_space<hbm>>) target(%dma_start3A_201 : memref<64xi32, #tpu.memory_space<vmem>>) target_semaphore(%run_scoped3A_194 : memref<!tpu.dma_semaphore, #tpu.memory_space<semaphore_mem>>)
      %dma_wait3A_203 = arith.constant 0 : i32
      %dma_wait3A_204 = tpu.memref_slice %arg6[%run_scoped3A_28, %dma_wait3A_203] : memref<8x64xi32, #tpu.memory_space<vmem>> -> memref<1x64xi32, #tpu.memory_space<vmem>>
      %dma_wait3A_205 = tpu.memref_squeeze %dma_wait3A_204 : memref<1x64xi32, #tpu.memory_space<vmem>> -> memref<64xi32, #tpu.memory_space<vmem>>
      %dma_wait3A_206 = tpu.memref_slice %arg3[%add3A_27] : memref<640000xi32, #tpu.memory_space<hbm>> -> memref<64xi32, #tpu.memory_space<hbm>>
      %dma_wait3A_207 = arith.constant 0 : i32
      %dma_wait3A_208 = tpu.memref_slice %arg6[%run_scoped3A_28, %dma_wait3A_207] : memref<8x64xi32, #tpu.memory_space<vmem>> -> memref<1x64xi32, #tpu.memory_space<vmem>>
      %dma_wait3A_209 = tpu.memref_squeeze %dma_wait3A_208 : memref<1x64xi32, #tpu.memory_space<vmem>> -> memref<64xi32, #tpu.memory_space<vmem>>
      %dma_wait3A_210 = tpu.memref_slice %arg3[%add3A_27] : memref<640000xi32, #tpu.memory_space<hbm>> -> memref<64xi32, #tpu.memory_space<hbm>>
      tpu.wait_dma2 semaphore(%run_scoped3A_194 : memref<!tpu.dma_semaphore, #tpu.memory_space<semaphore_mem>>) src(%dma_wait3A_210 : memref<64xi32, #tpu.memory_space<hbm>>) dst(%dma_wait3A_209 : memref<64xi32, #tpu.memory_space<vmem>>)
      tpu.yield
    }) : () -> ()
    %mul3A_29 = arith.constant 640 : i32
    %mul3A_30 = arith.muli %arg1, %mul3A_29 : i32
    %add3A_31 = arith.constant 0 : i32
    %add3A_32 = arith.addi %mul3A_30, %add3A_31 : i32
    "tpu.region"() ({
      %run_scoped3A_194 = tpu.sem_alloc : memref<!tpu.dma_semaphore, #tpu.memory_space<semaphore_mem>>
      %dma_start3A_195 = arith.constant 0 : i32
      %dma_start3A_196 = tpu.memref_slice %arg12[%add3A_32, %dma_start3A_195] : memref<10240x128xf32, #tpu.memory_space<vmem_shared>> -> memref<64x128xf32, #tpu.memory_space<vmem_shared>>
      %dma_start3A_197 = arith.constant 0 : i32
      %dma_start3A_198 = tpu.memref_slice %arg12[%add3A_32, %dma_start3A_197] : memref<10240x128xf32, #tpu.memory_space<vmem_shared>> -> memref<64x128xf32, #tpu.memory_space<vmem_shared>>
      tpu.enqueue_dma source(%arg11 : memref<64x128xf32, #tpu.memory_space<vmem>>) target(%dma_start3A_198 : memref<64x128xf32, #tpu.memory_space<vmem_shared>>) target_semaphore(%run_scoped3A_194 : memref<!tpu.dma_semaphore, #tpu.memory_space<semaphore_mem>>)
      %dma_wait3A_199 = arith.constant 0 : i32
      %dma_wait3A_200 = tpu.memref_slice %arg12[%add3A_32, %dma_wait3A_199] : memref<10240x128xf32, #tpu.memory_space<vmem_shared>> -> memref<64x128xf32, #tpu.memory_space<vmem_shared>>
      %dma_wait3A_201 = arith.constant 0 : i32
      %dma_wait3A_202 = tpu.memref_slice %arg12[%add3A_32, %dma_wait3A_201] : memref<10240x128xf32, #tpu.memory_space<vmem_shared>> -> memref<64x128xf32, #tpu.memory_space<vmem_shared>>
      tpu.wait_dma2 semaphore(%run_scoped3A_194 : memref<!tpu.dma_semaphore, #tpu.memory_space<semaphore_mem>>) src(%arg11 : memref<64x128xf32, #tpu.memory_space<vmem>>) dst(%dma_wait3A_202 : memref<64x128xf32, #tpu.memory_space<vmem_shared>>)
      tpu.yield
    }) : () -> ()
    %mul3A_33 = arith.constant 640 : i32
    %mul3A_34 = arith.muli %arg1, %mul3A_33 : i32
    %add3A_35 = arith.constant 64 : i32
    %add3A_36 = arith.addi %mul3A_34, %add3A_35 : i32
    "tpu.region"() ({
      %run_scoped3A_194 = tpu.sem_alloc : memref<!tpu.dma_semaphore, #tpu.memory_space<semaphore_mem>>
      %dma_start3A_195 = arith.constant 0 : i32
      %dma_start3A_196 = tpu.memref_slice %arg12[%add3A_36, %dma_start3A_195] : memref<10240x128xf32, #tpu.memory_space<vmem_shared>> -> memref<64x128xf32, #tpu.memory_space<vmem_shared>>
      %dma_start3A_197 = arith.constant 0 : i32
      %dma_start3A_198 = tpu.memref_slice %arg12[%add3A_36, %dma_start3A_197] : memref<10240x128xf32, #tpu.memory_space<vmem_shared>> -> memref<64x128xf32, #tpu.memory_space<vmem_shared>>
      tpu.enqueue_dma source(%arg11 : memref<64x128xf32, #tpu.memory_space<vmem>>) target(%dma_start3A_198 : memref<64x128xf32, #tpu.memory_space<vmem_shared>>) target_semaphore(%run_scoped3A_194 : memref<!tpu.dma_semaphore, #tpu.memory_space<semaphore_mem>>)
      %dma_wait3A_199 = arith.constant 0 : i32
      %dma_wait3A_200 = tpu.memref_slice %arg12[%add3A_36, %dma_wait3A_199] : memref<10240x128xf32, #tpu.memory_space<vmem_shared>> -> memref<64x128xf32, #tpu.memory_space<vmem_shared>>
      %dma_wait3A_201 = arith.constant 0 : i32
      %dma_wait3A_202 = tpu.memref_slice %arg12[%add3A_36, %dma_wait3A_201] : memref<10240x128xf32, #tpu.memory_space<vmem_shared>> -> memref<64x128xf32, #tpu.memory_space<vmem_shared>>
      tpu.wait_dma2 semaphore(%run_scoped3A_194 : memref<!tpu.dma_semaphore, #tpu.memory_space<semaphore_mem>>) src(%arg11 : memref<64x128xf32, #tpu.memory_space<vmem>>) dst(%dma_wait3A_202 : memref<64x128xf32, #tpu.memory_space<vmem_shared>>)
      tpu.yield
    }) : () -> ()
    %mul3A_37 = arith.constant 640 : i32
    %mul3A_38 = arith.muli %arg1, %mul3A_37 : i32
    %add3A_39 = arith.constant 128 : i32
    %add3A_40 = arith.addi %mul3A_38, %add3A_39 : i32
    "tpu.region"() ({
      %run_scoped3A_194 = tpu.sem_alloc : memref<!tpu.dma_semaphore, #tpu.memory_space<semaphore_mem>>
      %dma_start3A_195 = arith.constant 0 : i32
      %dma_start3A_196 = tpu.memref_slice %arg12[%add3A_40, %dma_start3A_195] : memref<10240x128xf32, #tpu.memory_space<vmem_shared>> -> memref<64x128xf32, #tpu.memory_space<vmem_shared>>
      %dma_start3A_197 = arith.constant 0 : i32
      %dma_start3A_198 = tpu.memref_slice %arg12[%add3A_40, %dma_start3A_197] : memref<10240x128xf32, #tpu.memory_space<vmem_shared>> -> memref<64x128xf32, #tpu.memory_space<vmem_shared>>
      tpu.enqueue_dma source(%arg11 : memref<64x128xf32, #tpu.memory_space<vmem>>) target(%dma_start3A_198 : memref<64x128xf32, #tpu.memory_space<vmem_shared>>) target_semaphore(%run_scoped3A_194 : memref<!tpu.dma_semaphore, #tpu.memory_space<semaphore_mem>>)
      %dma_wait3A_199 = arith.constant 0 : i32
      %dma_wait3A_200 = tpu.memref_slice %arg12[%add3A_40, %dma_wait3A_199] : memref<10240x128xf32, #tpu.memory_space<vmem_shared>> -> memref<64x128xf32, #tpu.memory_space<vmem_shared>>
      %dma_wait3A_201 = arith.constant 0 : i32
      %dma_wait3A_202 = tpu.memref_slice %arg12[%add3A_40, %dma_wait3A_201] : memref<10240x128xf32, #tpu.memory_space<vmem_shared>> -> memref<64x128xf32, #tpu.memory_space<vmem_shared>>
      tpu.wait_dma2 semaphore(%run_scoped3A_194 : memref<!tpu.dma_semaphore, #tpu.memory_space<semaphore_mem>>) src(%arg11 : memref<64x128xf32, #tpu.memory_space<vmem>>) dst(%dma_wait3A_202 : memref<64x128xf32, #tpu.memory_space<vmem_shared>>)
      tpu.yield
    }) : () -> ()
    %mul3A_41 = arith.constant 640 : i32
    %mul3A_42 = arith.muli %arg1, %mul3A_41 : i32
    %add3A_43 = arith.constant 192 : i32
    %add3A_44 = arith.addi %mul3A_42, %add3A_43 : i32
    "tpu.region"() ({
      %run_scoped3A_194 = tpu.sem_alloc : memref<!tpu.dma_semaphore, #tpu.memory_space<semaphore_mem>>
      %dma_start3A_195 = arith.constant 0 : i32
      %dma_start3A_196 = tpu.memref_slice %arg12[%add3A_44, %dma_start3A_195] : memref<10240x128xf32, #tpu.memory_space<vmem_shared>> -> memref<64x128xf32, #tpu.memory_space<vmem_shared>>
      %dma_start3A_197 = arith.constant 0 : i32
      %dma_start3A_198 = tpu.memref_slice %arg12[%add3A_44, %dma_start3A_197] : memref<10240x128xf32, #tpu.memory_space<vmem_shared>> -> memref<64x128xf32, #tpu.memory_space<vmem_shared>>
      tpu.enqueue_dma source(%arg11 : memref<64x128xf32, #tpu.memory_space<vmem>>) target(%dma_start3A_198 : memref<64x128xf32, #tpu.memory_space<vmem_shared>>) target_semaphore(%run_scoped3A_194 : memref<!tpu.dma_semaphore, #tpu.memory_space<semaphore_mem>>)
      %dma_wait3A_199 = arith.constant 0 : i32
      %dma_wait3A_200 = tpu.memref_slice %arg12[%add3A_44, %dma_wait3A_199] : memref<10240x128xf32, #tpu.memory_space<vmem_shared>> -> memref<64x128xf32, #tpu.memory_space<vmem_shared>>
      %dma_wait3A_201 = arith.constant 0 : i32
      %dma_wait3A_202 = tpu.memref_slice %arg12[%add3A_44, %dma_wait3A_201] : memref<10240x128xf32, #tpu.memory_space<vmem_shared>> -> memref<64x128xf32, #tpu.memory_space<vmem_shared>>
      tpu.wait_dma2 semaphore(%run_scoped3A_194 : memref<!tpu.dma_semaphore, #tpu.memory_space<semaphore_mem>>) src(%arg11 : memref<64x128xf32, #tpu.memory_space<vmem>>) dst(%dma_wait3A_202 : memref<64x128xf32, #tpu.memory_space<vmem_shared>>)
      tpu.yield
    }) : () -> ()
    %mul3A_45 = arith.constant 640 : i32
    %mul3A_46 = arith.muli %arg1, %mul3A_45 : i32
    %add3A_47 = arith.constant 256 : i32
    %add3A_48 = arith.addi %mul3A_46, %add3A_47 : i32
    "tpu.region"() ({
      %run_scoped3A_194 = tpu.sem_alloc : memref<!tpu.dma_semaphore, #tpu.memory_space<semaphore_mem>>
      %dma_start3A_195 = arith.constant 0 : i32
      %dma_start3A_196 = tpu.memref_slice %arg12[%add3A_48, %dma_start3A_195] : memref<10240x128xf32, #tpu.memory_space<vmem_shared>> -> memref<64x128xf32, #tpu.memory_space<vmem_shared>>
      %dma_start3A_197 = arith.constant 0 : i32
      %dma_start3A_198 = tpu.memref_slice %arg12[%add3A_48, %dma_start3A_197] : memref<10240x128xf32, #tpu.memory_space<vmem_shared>> -> memref<64x128xf32, #tpu.memory_space<vmem_shared>>
      tpu.enqueue_dma source(%arg11 : memref<64x128xf32, #tpu.memory_space<vmem>>) target(%dma_start3A_198 : memref<64x128xf32, #tpu.memory_space<vmem_shared>>) target_semaphore(%run_scoped3A_194 : memref<!tpu.dma_semaphore, #tpu.memory_space<semaphore_mem>>)
      %dma_wait3A_199 = arith.constant 0 : i32
      %dma_wait3A_200 = tpu.memref_slice %arg12[%add3A_48, %dma_wait3A_199] : memref<10240x128xf32, #tpu.memory_space<vmem_shared>> -> memref<64x128xf32, #tpu.memory_space<vmem_shared>>
      %dma_wait3A_201 = arith.constant 0 : i32
      %dma_wait3A_202 = tpu.memref_slice %arg12[%add3A_48, %dma_wait3A_201] : memref<10240x128xf32, #tpu.memory_space<vmem_shared>> -> memref<64x128xf32, #tpu.memory_space<vmem_shared>>
      tpu.wait_dma2 semaphore(%run_scoped3A_194 : memref<!tpu.dma_semaphore, #tpu.memory_space<semaphore_mem>>) src(%arg11 : memref<64x128xf32, #tpu.memory_space<vmem>>) dst(%dma_wait3A_202 : memref<64x128xf32, #tpu.memory_space<vmem_shared>>)
      tpu.yield
    }) : () -> ()
    %mul3A_49 = arith.constant 640 : i32
    %mul3A_50 = arith.muli %arg1, %mul3A_49 : i32
    %add3A_51 = arith.constant 320 : i32
    %add3A_52 = arith.addi %mul3A_50, %add3A_51 : i32
    "tpu.region"() ({
      %run_scoped3A_194 = tpu.sem_alloc : memref<!tpu.dma_semaphore, #tpu.memory_space<semaphore_mem>>
      %dma_start3A_195 = arith.constant 0 : i32
      %dma_start3A_196 = tpu.memref_slice %arg12[%add3A_52, %dma_start3A_195] : memref<10240x128xf32, #tpu.memory_space<vmem_shared>> -> memref<64x128xf32, #tpu.memory_space<vmem_shared>>
      %dma_start3A_197 = arith.constant 0 : i32
      %dma_start3A_198 = tpu.memref_slice %arg12[%add3A_52, %dma_start3A_197] : memref<10240x128xf32, #tpu.memory_space<vmem_shared>> -> memref<64x128xf32, #tpu.memory_space<vmem_shared>>
      tpu.enqueue_dma source(%arg11 : memref<64x128xf32, #tpu.memory_space<vmem>>) target(%dma_start3A_198 : memref<64x128xf32, #tpu.memory_space<vmem_shared>>) target_semaphore(%run_scoped3A_194 : memref<!tpu.dma_semaphore, #tpu.memory_space<semaphore_mem>>)
      %dma_wait3A_199 = arith.constant 0 : i32
      %dma_wait3A_200 = tpu.memref_slice %arg12[%add3A_52, %dma_wait3A_199] : memref<10240x128xf32, #tpu.memory_space<vmem_shared>> -> memref<64x128xf32, #tpu.memory_space<vmem_shared>>
      %dma_wait3A_201 = arith.constant 0 : i32
      %dma_wait3A_202 = tpu.memref_slice %arg12[%add3A_52, %dma_wait3A_201] : memref<10240x128xf32, #tpu.memory_space<vmem_shared>> -> memref<64x128xf32, #tpu.memory_space<vmem_shared>>
      tpu.wait_dma2 semaphore(%run_scoped3A_194 : memref<!tpu.dma_semaphore, #tpu.memory_space<semaphore_mem>>) src(%arg11 : memref<64x128xf32, #tpu.memory_space<vmem>>) dst(%dma_wait3A_202 : memref<64x128xf32, #tpu.memory_space<vmem_shared>>)
      tpu.yield
    }) : () -> ()
    %mul3A_53 = arith.constant 640 : i32
    %mul3A_54 = arith.muli %arg1, %mul3A_53 : i32
    %add3A_55 = arith.constant 384 : i32
    %add3A_56 = arith.addi %mul3A_54, %add3A_55 : i32
    "tpu.region"() ({
      %run_scoped3A_194 = tpu.sem_alloc : memref<!tpu.dma_semaphore, #tpu.memory_space<semaphore_mem>>
      %dma_start3A_195 = arith.constant 0 : i32
      %dma_start3A_196 = tpu.memref_slice %arg12[%add3A_56, %dma_start3A_195] : memref<10240x128xf32, #tpu.memory_space<vmem_shared>> -> memref<64x128xf32, #tpu.memory_space<vmem_shared>>
      %dma_start3A_197 = arith.constant 0 : i32
      %dma_start3A_198 = tpu.memref_slice %arg12[%add3A_56, %dma_start3A_197] : memref<10240x128xf32, #tpu.memory_space<vmem_shared>> -> memref<64x128xf32, #tpu.memory_space<vmem_shared>>
      tpu.enqueue_dma source(%arg11 : memref<64x128xf32, #tpu.memory_space<vmem>>) target(%dma_start3A_198 : memref<64x128xf32, #tpu.memory_space<vmem_shared>>) target_semaphore(%run_scoped3A_194 : memref<!tpu.dma_semaphore, #tpu.memory_space<semaphore_mem>>)
      %dma_wait3A_199 = arith.constant 0 : i32
      %dma_wait3A_200 = tpu.memref_slice %arg12[%add3A_56, %dma_wait3A_199] : memref<10240x128xf32, #tpu.memory_space<vmem_shared>> -> memref<64x128xf32, #tpu.memory_space<vmem_shared>>
      %dma_wait3A_201 = arith.constant 0 : i32
      %dma_wait3A_202 = tpu.memref_slice %arg12[%add3A_56, %dma_wait3A_201] : memref<10240x128xf32, #tpu.memory_space<vmem_shared>> -> memref<64x128xf32, #tpu.memory_space<vmem_shared>>
      tpu.wait_dma2 semaphore(%run_scoped3A_194 : memref<!tpu.dma_semaphore, #tpu.memory_space<semaphore_mem>>) src(%arg11 : memref<64x128xf32, #tpu.memory_space<vmem>>) dst(%dma_wait3A_202 : memref<64x128xf32, #tpu.memory_space<vmem_shared>>)
      tpu.yield
    }) : () -> ()
    %mul3A_57 = arith.constant 640 : i32
    %mul3A_58 = arith.muli %arg1, %mul3A_57 : i32
    %add3A_59 = arith.constant 448 : i32
    %add3A_60 = arith.addi %mul3A_58, %add3A_59 : i32
    "tpu.region"() ({
      %run_scoped3A_194 = tpu.sem_alloc : memref<!tpu.dma_semaphore, #tpu.memory_space<semaphore_mem>>
      %dma_start3A_195 = arith.constant 0 : i32
      %dma_start3A_196 = tpu.memref_slice %arg12[%add3A_60, %dma_start3A_195] : memref<10240x128xf32, #tpu.memory_space<vmem_shared>> -> memref<64x128xf32, #tpu.memory_space<vmem_shared>>
      %dma_start3A_197 = arith.constant 0 : i32
      %dma_start3A_198 = tpu.memref_slice %arg12[%add3A_60, %dma_start3A_197] : memref<10240x128xf32, #tpu.memory_space<vmem_shared>> -> memref<64x128xf32, #tpu.memory_space<vmem_shared>>
      tpu.enqueue_dma source(%arg11 : memref<64x128xf32, #tpu.memory_space<vmem>>) target(%dma_start3A_198 : memref<64x128xf32, #tpu.memory_space<vmem_shared>>) target_semaphore(%run_scoped3A_194 : memref<!tpu.dma_semaphore, #tpu.memory_space<semaphore_mem>>)
      %dma_wait3A_199 = arith.constant 0 : i32
      %dma_wait3A_200 = tpu.memref_slice %arg12[%add3A_60, %dma_wait3A_199] : memref<10240x128xf32, #tpu.memory_space<vmem_shared>> -> memref<64x128xf32, #tpu.memory_space<vmem_shared>>
      %dma_wait3A_201 = arith.constant 0 : i32
      %dma_wait3A_202 = tpu.memref_slice %arg12[%add3A_60, %dma_wait3A_201] : memref<10240x128xf32, #tpu.memory_space<vmem_shared>> -> memref<64x128xf32, #tpu.memory_space<vmem_shared>>
      tpu.wait_dma2 semaphore(%run_scoped3A_194 : memref<!tpu.dma_semaphore, #tpu.memory_space<semaphore_mem>>) src(%arg11 : memref<64x128xf32, #tpu.memory_space<vmem>>) dst(%dma_wait3A_202 : memref<64x128xf32, #tpu.memory_space<vmem_shared>>)
      tpu.yield
    }) : () -> ()
    %mul3A_61 = arith.constant 640 : i32
    %mul3A_62 = arith.muli %arg1, %mul3A_61 : i32
    %add3A_63 = arith.constant 512 : i32
    %add3A_64 = arith.addi %mul3A_62, %add3A_63 : i32
    "tpu.region"() ({
      %run_scoped3A_194 = tpu.sem_alloc : memref<!tpu.dma_semaphore, #tpu.memory_space<semaphore_mem>>
      %dma_start3A_195 = arith.constant 0 : i32
      %dma_start3A_196 = tpu.memref_slice %arg12[%add3A_64, %dma_start3A_195] : memref<10240x128xf32, #tpu.memory_space<vmem_shared>> -> memref<64x128xf32, #tpu.memory_space<vmem_shared>>
      %dma_start3A_197 = arith.constant 0 : i32
      %dma_start3A_198 = tpu.memref_slice %arg12[%add3A_64, %dma_start3A_197] : memref<10240x128xf32, #tpu.memory_space<vmem_shared>> -> memref<64x128xf32, #tpu.memory_space<vmem_shared>>
      tpu.enqueue_dma source(%arg11 : memref<64x128xf32, #tpu.memory_space<vmem>>) target(%dma_start3A_198 : memref<64x128xf32, #tpu.memory_space<vmem_shared>>) target_semaphore(%run_scoped3A_194 : memref<!tpu.dma_semaphore, #tpu.memory_space<semaphore_mem>>)
      %dma_wait3A_199 = arith.constant 0 : i32
      %dma_wait3A_200 = tpu.memref_slice %arg12[%add3A_64, %dma_wait3A_199] : memref<10240x128xf32, #tpu.memory_space<vmem_shared>> -> memref<64x128xf32, #tpu.memory_space<vmem_shared>>
      %dma_wait3A_201 = arith.constant 0 : i32
      %dma_wait3A_202 = tpu.memref_slice %arg12[%add3A_64, %dma_wait3A_201] : memref<10240x128xf32, #tpu.memory_space<vmem_shared>> -> memref<64x128xf32, #tpu.memory_space<vmem_shared>>
      tpu.wait_dma2 semaphore(%run_scoped3A_194 : memref<!tpu.dma_semaphore, #tpu.memory_space<semaphore_mem>>) src(%arg11 : memref<64x128xf32, #tpu.memory_space<vmem>>) dst(%dma_wait3A_202 : memref<64x128xf32, #tpu.memory_space<vmem_shared>>)
      tpu.yield
    }) : () -> ()
    %mul3A_65 = arith.constant 640 : i32
    %mul3A_66 = arith.muli %arg1, %mul3A_65 : i32
    %add3A_67 = arith.constant 576 : i32
    %add3A_68 = arith.addi %mul3A_66, %add3A_67 : i32
    "tpu.region"() ({
      %run_scoped3A_194 = tpu.sem_alloc : memref<!tpu.dma_semaphore, #tpu.memory_space<semaphore_mem>>
      %dma_start3A_195 = arith.constant 0 : i32
      %dma_start3A_196 = tpu.memref_slice %arg12[%add3A_68, %dma_start3A_195] : memref<10240x128xf32, #tpu.memory_space<vmem_shared>> -> memref<64x128xf32, #tpu.memory_space<vmem_shared>>
      %dma_start3A_197 = arith.constant 0 : i32
      %dma_start3A_198 = tpu.memref_slice %arg12[%add3A_68, %dma_start3A_197] : memref<10240x128xf32, #tpu.memory_space<vmem_shared>> -> memref<64x128xf32, #tpu.memory_space<vmem_shared>>
      tpu.enqueue_dma source(%arg11 : memref<64x128xf32, #tpu.memory_space<vmem>>) target(%dma_start3A_198 : memref<64x128xf32, #tpu.memory_space<vmem_shared>>) target_semaphore(%run_scoped3A_194 : memref<!tpu.dma_semaphore, #tpu.memory_space<semaphore_mem>>)
      %dma_wait3A_199 = arith.constant 0 : i32
      %dma_wait3A_200 = tpu.memref_slice %arg12[%add3A_68, %dma_wait3A_199] : memref<10240x128xf32, #tpu.memory_space<vmem_shared>> -> memref<64x128xf32, #tpu.memory_space<vmem_shared>>
      %dma_wait3A_201 = arith.constant 0 : i32
      %dma_wait3A_202 = tpu.memref_slice %arg12[%add3A_68, %dma_wait3A_201] : memref<10240x128xf32, #tpu.memory_space<vmem_shared>> -> memref<64x128xf32, #tpu.memory_space<vmem_shared>>
      tpu.wait_dma2 semaphore(%run_scoped3A_194 : memref<!tpu.dma_semaphore, #tpu.memory_space<semaphore_mem>>) src(%arg11 : memref<64x128xf32, #tpu.memory_space<vmem>>) dst(%dma_wait3A_202 : memref<64x128xf32, #tpu.memory_space<vmem_shared>>)
      tpu.yield
    }) : () -> ()
    %barrier3A = arith.constant 0 : index
    tpu.barrier barrier_id(%barrier3A)
    %dma_start3A = arith.constant 0 : i32
    %dma_start3A_69 = arith.constant 0 : i32
    %dma_start3A_70 = arith.constant 0 : i32
    %dma_start3A_71 = arith.constant 0 : i32
    %dma_start3A_72 = tpu.memref_slice %arg9[%dma_start3A_69, %dma_start3A_70, %dma_start3A_71] : memref<4x64x128xf32, #tpu.memory_space<vmem>> -> memref<1x64x128xf32, #tpu.memory_space<vmem>>
    %dma_start3A_73 = tpu.memref_squeeze %dma_start3A_72 : memref<1x64x128xf32, #tpu.memory_space<vmem>> -> memref<64x128xf32, #tpu.memory_space<vmem>>
    %dma_start3A_74 = arith.constant 0 : i32
    %dma_start3A_75 = tpu.memref_slice %arg5[%dma_start3A, %dma_start3A_74] : memref<4x64xi32, #tpu.memory_space<vmem>> -> memref<1x64xi32, #tpu.memory_space<vmem>>
    %dma_start3A_76 = tpu.memref_squeeze %dma_start3A_75 : memref<1x64xi32, #tpu.memory_space<vmem>> -> memref<64xi32, #tpu.memory_space<vmem>>
    %dma_start3A_77 = arith.constant 0 : i32
    %dma_start3A_78 = arith.constant 0 : i32
    %dma_start3A_79 = tpu.memref_slice %arg2[%dma_start3A_77, %dma_start3A_78] : memref<10000x128xf32, #tpu.memory_space<hbm>> -> memref<10000x128xf32, #tpu.memory_space<hbm>>
    tpu.enqueue_indirect_dma source(%dma_start3A_79 : memref<10000x128xf32, #tpu.memory_space<hbm>>) target(%dma_start3A_73 : memref<64x128xf32, #tpu.memory_space<vmem>>) offsets(%dma_start3A_76 : memref<64xi32, #tpu.memory_space<vmem>>) semaphore(%arg13 : memref<!tpu.dma_semaphore, #tpu.memory_space<semaphore_mem>>)
    %dma_start3A_80 = arith.constant 1 : i32
    %dma_start3A_81 = arith.constant 1 : i32
    %dma_start3A_82 = arith.constant 0 : i32
    %dma_start3A_83 = arith.constant 0 : i32
    %dma_start3A_84 = tpu.memref_slice %arg9[%dma_start3A_81, %dma_start3A_82, %dma_start3A_83] : memref<4x64x128xf32, #tpu.memory_space<vmem>> -> memref<1x64x128xf32, #tpu.memory_space<vmem>>
    %dma_start3A_85 = tpu.memref_squeeze %dma_start3A_84 : memref<1x64x128xf32, #tpu.memory_space<vmem>> -> memref<64x128xf32, #tpu.memory_space<vmem>>
    %dma_start3A_86 = arith.constant 0 : i32
    %dma_start3A_87 = tpu.memref_slice %arg5[%dma_start3A_80, %dma_start3A_86] : memref<4x64xi32, #tpu.memory_space<vmem>> -> memref<1x64xi32, #tpu.memory_space<vmem>>
    %dma_start3A_88 = tpu.memref_squeeze %dma_start3A_87 : memref<1x64xi32, #tpu.memory_space<vmem>> -> memref<64xi32, #tpu.memory_space<vmem>>
    %dma_start3A_89 = arith.constant 0 : i32
    %dma_start3A_90 = arith.constant 0 : i32
    %dma_start3A_91 = tpu.memref_slice %arg2[%dma_start3A_89, %dma_start3A_90] : memref<10000x128xf32, #tpu.memory_space<hbm>> -> memref<10000x128xf32, #tpu.memory_space<hbm>>
    tpu.enqueue_indirect_dma source(%dma_start3A_91 : memref<10000x128xf32, #tpu.memory_space<hbm>>) target(%dma_start3A_85 : memref<64x128xf32, #tpu.memory_space<vmem>>) offsets(%dma_start3A_88 : memref<64xi32, #tpu.memory_space<vmem>>) semaphore(%arg13 : memref<!tpu.dma_semaphore, #tpu.memory_space<semaphore_mem>>)
    %dma_start3A_92 = arith.constant 2 : i32
    %dma_start3A_93 = arith.constant 2 : i32
    %dma_start3A_94 = arith.constant 0 : i32
    %dma_start3A_95 = arith.constant 0 : i32
    %dma_start3A_96 = tpu.memref_slice %arg9[%dma_start3A_93, %dma_start3A_94, %dma_start3A_95] : memref<4x64x128xf32, #tpu.memory_space<vmem>> -> memref<1x64x128xf32, #tpu.memory_space<vmem>>
    %dma_start3A_97 = tpu.memref_squeeze %dma_start3A_96 : memref<1x64x128xf32, #tpu.memory_space<vmem>> -> memref<64x128xf32, #tpu.memory_space<vmem>>
    %dma_start3A_98 = arith.constant 0 : i32
    %dma_start3A_99 = tpu.memref_slice %arg5[%dma_start3A_92, %dma_start3A_98] : memref<4x64xi32, #tpu.memory_space<vmem>> -> memref<1x64xi32, #tpu.memory_space<vmem>>
    %dma_start3A_100 = tpu.memref_squeeze %dma_start3A_99 : memref<1x64xi32, #tpu.memory_space<vmem>> -> memref<64xi32, #tpu.memory_space<vmem>>
    %dma_start3A_101 = arith.constant 0 : i32
    %dma_start3A_102 = arith.constant 0 : i32
    %dma_start3A_103 = tpu.memref_slice %arg2[%dma_start3A_101, %dma_start3A_102] : memref<10000x128xf32, #tpu.memory_space<hbm>> -> memref<10000x128xf32, #tpu.memory_space<hbm>>
    tpu.enqueue_indirect_dma source(%dma_start3A_103 : memref<10000x128xf32, #tpu.memory_space<hbm>>) target(%dma_start3A_97 : memref<64x128xf32, #tpu.memory_space<vmem>>) offsets(%dma_start3A_100 : memref<64xi32, #tpu.memory_space<vmem>>) semaphore(%arg13 : memref<!tpu.dma_semaphore, #tpu.memory_space<semaphore_mem>>)
    %add3A_104 = arith.constant 192 : i32
    %add3A_105 = arith.addi %mul3A_2, %add3A_104 : i32
    %dma_start3A_106 = arith.constant 3 : i32
    %dma_start3A_107 = arith.constant 0 : i32
    %dma_start3A_108 = tpu.memref_slice %arg5[%dma_start3A_106, %dma_start3A_107] : memref<4x64xi32, #tpu.memory_space<vmem>> -> memref<1x64xi32, #tpu.memory_space<vmem>>
    %dma_start3A_109 = tpu.memref_squeeze %dma_start3A_108 : memref<1x64xi32, #tpu.memory_space<vmem>> -> memref<64xi32, #tpu.memory_space<vmem>>
    %dma_start3A_110 = tpu.memref_slice %arg3[%add3A_105] : memref<640000xi32, #tpu.memory_space<hbm>> -> memref<64xi32, #tpu.memory_space<hbm>>
    %dma_start3A_111 = arith.constant 0 : i32
    %dma_start3A_112 = tpu.memref_slice %arg5[%dma_start3A_106, %dma_start3A_111] : memref<4x64xi32, #tpu.memory_space<vmem>> -> memref<1x64xi32, #tpu.memory_space<vmem>>
    %dma_start3A_113 = tpu.memref_squeeze %dma_start3A_112 : memref<1x64xi32, #tpu.memory_space<vmem>> -> memref<64xi32, #tpu.memory_space<vmem>>
    %dma_start3A_114 = tpu.memref_slice %arg3[%add3A_105] : memref<640000xi32, #tpu.memory_space<hbm>> -> memref<64xi32, #tpu.memory_space<hbm>>
    tpu.enqueue_dma source(%dma_start3A_114 : memref<64xi32, #tpu.memory_space<hbm>>) target(%dma_start3A_113 : memref<64xi32, #tpu.memory_space<vmem>>) target_semaphore(%arg14 : memref<!tpu.dma_semaphore, #tpu.memory_space<semaphore_mem>>)
    %add3A_115 = arith.constant 192 : i32
    %add3A_116 = arith.addi %add3A_6, %add3A_115 : i32
    %dma_start3A_117 = arith.constant 3 : i32
    %dma_start3A_118 = arith.constant 0 : i32
    %dma_start3A_119 = tpu.memref_slice %arg6[%dma_start3A_117, %dma_start3A_118] : memref<8x64xi32, #tpu.memory_space<vmem>> -> memref<1x64xi32, #tpu.memory_space<vmem>>
    %dma_start3A_120 = tpu.memref_squeeze %dma_start3A_119 : memref<1x64xi32, #tpu.memory_space<vmem>> -> memref<64xi32, #tpu.memory_space<vmem>>
    %dma_start3A_121 = tpu.memref_slice %arg3[%add3A_116] : memref<640000xi32, #tpu.memory_space<hbm>> -> memref<64xi32, #tpu.memory_space<hbm>>
    %dma_start3A_122 = arith.constant 0 : i32
    %dma_start3A_123 = tpu.memref_slice %arg6[%dma_start3A_117, %dma_start3A_122] : memref<8x64xi32, #tpu.memory_space<vmem>> -> memref<1x64xi32, #tpu.memory_space<vmem>>
    %dma_start3A_124 = tpu.memref_squeeze %dma_start3A_123 : memref<1x64xi32, #tpu.memory_space<vmem>> -> memref<64xi32, #tpu.memory_space<vmem>>
    %dma_start3A_125 = tpu.memref_slice %arg3[%add3A_116] : memref<640000xi32, #tpu.memory_space<hbm>> -> memref<64xi32, #tpu.memory_space<hbm>>
    tpu.enqueue_dma source(%dma_start3A_125 : memref<64xi32, #tpu.memory_space<hbm>>) target(%dma_start3A_124 : memref<64xi32, #tpu.memory_space<vmem>>) target_semaphore(%arg14 : memref<!tpu.dma_semaphore, #tpu.memory_space<semaphore_mem>>)
    %scan3A_126 = arith.constant 0 : i32
    %scan3A_127 = arith.constant 0 : i32
    %scan3A_128 = arith.constant 156 : i32
    %scan3A_129 = arith.addi %scan3A_127, %scan3A_128 : i32
    %scan3A_130 = arith.constant 1 : i32
    scf.for %scan3A_194 = %scan3A_127 to %scan3A_129 step %scan3A_130  : i32 {
      %and3A = arith.constant 3 : i32
      %and3A_195 = arith.andi %scan3A_194, %and3A : i32
      %dma_wait3A_196 = arith.constant 0 : i32
      %dma_wait3A_197 = arith.constant 0 : i32
      %dma_wait3A_198 = tpu.memref_slice %arg9[%and3A_195, %dma_wait3A_196, %dma_wait3A_197] : memref<4x64x128xf32, #tpu.memory_space<vmem>> -> memref<1x64x128xf32, #tpu.memory_space<vmem>>
      %dma_wait3A_199 = tpu.memref_squeeze %dma_wait3A_198 : memref<1x64x128xf32, #tpu.memory_space<vmem>> -> memref<64x128xf32, #tpu.memory_space<vmem>>
      %dma_wait3A_200 = arith.constant 0 : i32
      %dma_wait3A_201 = tpu.memref_slice %arg5[%and3A_195, %dma_wait3A_200] : memref<4x64xi32, #tpu.memory_space<vmem>> -> memref<1x64xi32, #tpu.memory_space<vmem>>
      %dma_wait3A_202 = tpu.memref_squeeze %dma_wait3A_201 : memref<1x64xi32, #tpu.memory_space<vmem>> -> memref<64xi32, #tpu.memory_space<vmem>>
      %dma_wait3A_203 = arith.constant 0 : i32
      %dma_wait3A_204 = arith.constant 0 : i32
      %dma_wait3A_205 = tpu.memref_slice %arg2[%dma_wait3A_203, %dma_wait3A_204] : memref<10000x128xf32, #tpu.memory_space<hbm>> -> memref<10000x128xf32, #tpu.memory_space<hbm>>
      tpu.wait_indirect_dma semaphore(%arg13 : memref<!tpu.dma_semaphore, #tpu.memory_space<semaphore_mem>>) src(%dma_wait3A_205 : memref<10000x128xf32, #tpu.memory_space<hbm>>) dst(%dma_wait3A_199 : memref<64x128xf32, #tpu.memory_space<vmem>>)
      %and3A_206 = arith.constant 7 : i32
      %and3A_207 = arith.andi %scan3A_194, %and3A_206 : i32
      %dma_start3A_208 = arith.constant 0 : i32
      %dma_start3A_209 = arith.constant 0 : i32
      %dma_start3A_210 = tpu.memref_slice %arg9[%and3A_195, %dma_start3A_208, %dma_start3A_209] : memref<4x64x128xf32, #tpu.memory_space<vmem>> -> memref<1x64x128xf32, #tpu.memory_space<vmem>>
      %dma_start3A_211 = tpu.memref_squeeze %dma_start3A_210 : memref<1x64x128xf32, #tpu.memory_space<vmem>> -> memref<64x128xf32, #tpu.memory_space<vmem>>
      %dma_start3A_212 = arith.constant 0 : i32
      %dma_start3A_213 = tpu.memref_slice %arg6[%and3A_207, %dma_start3A_212] : memref<8x64xi32, #tpu.memory_space<vmem>> -> memref<1x64xi32, #tpu.memory_space<vmem>>
      %dma_start3A_214 = tpu.memref_squeeze %dma_start3A_213 : memref<1x64xi32, #tpu.memory_space<vmem>> -> memref<64xi32, #tpu.memory_space<vmem>>
      %dma_start3A_215 = arith.constant 0 : i32
      %dma_start3A_216 = arith.constant 0 : i32
      %dma_start3A_217 = tpu.memref_slice %arg12[%dma_start3A_215, %dma_start3A_216] : memref<10240x128xf32, #tpu.memory_space<vmem_shared>> -> memref<10240x128xf32, #tpu.memory_space<vmem_shared>>
      tpu.enqueue_indirect_dma source(%dma_start3A_211 : memref<64x128xf32, #tpu.memory_space<vmem>>) target(%dma_start3A_217 : memref<10240x128xf32, #tpu.memory_space<vmem_shared>>) offsets(%dma_start3A_214 : memref<64xi32, #tpu.memory_space<vmem>>) semaphore(%arg15 : memref<!tpu.dma_semaphore, #tpu.memory_space<semaphore_mem>>) {add = true}
      %add3A_218 = arith.constant 3 : i32
      %add3A_219 = arith.addi %scan3A_194, %add3A_218 : i32
      %lt3A = arith.constant 156 : i32
      %lt3A_220 = arith.cmpi slt, %add3A_219, %lt3A : i32
      %convert_element_type3A = arith.extui %lt3A_220 : i1 to i32
      %cond3A = arith.constant 0 : i32
      %cond3A_221 = arith.cmpi ne, %convert_element_type3A, %cond3A : i32
      scf.if %cond3A_221 {
        %ge3A = arith.constant 1 : i32
        %ge3A_229 = arith.cmpi sge, %scan3A_194, %ge3A : i32
        %convert_element_type3A_230 = arith.extui %ge3A_229 : i1 to i32
        %cond3A_231 = arith.constant 0 : i32
        %cond3A_232 = arith.cmpi ne, %convert_element_type3A_230, %cond3A_231 : i32
        scf.if %cond3A_232 {
          %dma_wait3A_279 = arith.constant 0 : i32
          %dma_wait3A_280 = arith.constant 0 : i32
          %dma_wait3A_281 = arith.constant 0 : i32
          %dma_wait3A_282 = tpu.memref_slice %arg9[%and3A_195, %dma_wait3A_280, %dma_wait3A_281] : memref<4x64x128xf32, #tpu.memory_space<vmem>> -> memref<1x64x128xf32, #tpu.memory_space<vmem>>
          %dma_wait3A_283 = tpu.memref_squeeze %dma_wait3A_282 : memref<1x64x128xf32, #tpu.memory_space<vmem>> -> memref<64x128xf32, #tpu.memory_space<vmem>>
          %dma_wait3A_284 = arith.constant 0 : i32
          %dma_wait3A_285 = tpu.memref_slice %arg5[%dma_wait3A_279, %dma_wait3A_284] : memref<4x64xi32, #tpu.memory_space<vmem>> -> memref<1x64xi32, #tpu.memory_space<vmem>>
          %dma_wait3A_286 = tpu.memref_squeeze %dma_wait3A_285 : memref<1x64xi32, #tpu.memory_space<vmem>> -> memref<64xi32, #tpu.memory_space<vmem>>
          %dma_wait3A_287 = arith.constant 0 : i32
          %dma_wait3A_288 = arith.constant 0 : i32
          %dma_wait3A_289 = tpu.memref_slice %arg2[%dma_wait3A_287, %dma_wait3A_288] : memref<10000x128xf32, #tpu.memory_space<hbm>> -> memref<10000x128xf32, #tpu.memory_space<hbm>>
          tpu.wait_indirect_dma semaphore(%arg15 : memref<!tpu.dma_semaphore, #tpu.memory_space<semaphore_mem>>) src(%dma_wait3A_289 : memref<10000x128xf32, #tpu.memory_space<hbm>>) dst(%dma_wait3A_283 : memref<64x128xf32, #tpu.memory_space<vmem>>)
        } else {
        }
        %add3A_233 = arith.constant 3 : i32
        %add3A_234 = arith.addi %scan3A_194, %add3A_233 : i32
        %and3A_235 = arith.constant 3 : i32
        %and3A_236 = arith.andi %add3A_234, %and3A_235 : i32
        %dma_wait3A_237 = arith.constant 0 : i32
        %dma_wait3A_238 = tpu.memref_slice %arg5[%and3A_236, %dma_wait3A_237] : memref<4x64xi32, #tpu.memory_space<vmem>> -> memref<1x64xi32, #tpu.memory_space<vmem>>
        %dma_wait3A_239 = tpu.memref_squeeze %dma_wait3A_238 : memref<1x64xi32, #tpu.memory_space<vmem>> -> memref<64xi32, #tpu.memory_space<vmem>>
        %dma_wait3A_240 = arith.constant 0 : i32
        %dma_wait3A_241 = tpu.memref_slice %arg3[%dma_wait3A_240] : memref<640000xi32, #tpu.memory_space<hbm>> -> memref<64xi32, #tpu.memory_space<hbm>>
        %dma_wait3A_242 = arith.constant 0 : i32
        %dma_wait3A_243 = tpu.memref_slice %arg5[%and3A_236, %dma_wait3A_242] : memref<4x64xi32, #tpu.memory_space<vmem>> -> memref<1x64xi32, #tpu.memory_space<vmem>>
        %dma_wait3A_244 = tpu.memref_squeeze %dma_wait3A_243 : memref<1x64xi32, #tpu.memory_space<vmem>> -> memref<64xi32, #tpu.memory_space<vmem>>
        %dma_wait3A_245 = arith.constant 0 : i32
        %dma_wait3A_246 = tpu.memref_slice %arg3[%dma_wait3A_245] : memref<640000xi32, #tpu.memory_space<hbm>> -> memref<64xi32, #tpu.memory_space<hbm>>
        tpu.wait_dma2 semaphore(%arg14 : memref<!tpu.dma_semaphore, #tpu.memory_space<semaphore_mem>>) src(%dma_wait3A_246 : memref<64xi32, #tpu.memory_space<hbm>>) dst(%dma_wait3A_244 : memref<64xi32, #tpu.memory_space<vmem>>)
        %add3A_247 = arith.constant 3 : i32
        %add3A_248 = arith.addi %scan3A_194, %add3A_247 : i32
        %and3A_249 = arith.constant 7 : i32
        %and3A_250 = arith.andi %add3A_248, %and3A_249 : i32
        %dma_wait3A_251 = arith.constant 0 : i32
        %dma_wait3A_252 = tpu.memref_slice %arg6[%and3A_250, %dma_wait3A_251] : memref<8x64xi32, #tpu.memory_space<vmem>> -> memref<1x64xi32, #tpu.memory_space<vmem>>
        %dma_wait3A_253 = tpu.memref_squeeze %dma_wait3A_252 : memref<1x64xi32, #tpu.memory_space<vmem>> -> memref<64xi32, #tpu.memory_space<vmem>>
        %dma_wait3A_254 = arith.constant 0 : i32
        %dma_wait3A_255 = tpu.memref_slice %arg3[%dma_wait3A_254] : memref<640000xi32, #tpu.memory_space<hbm>> -> memref<64xi32, #tpu.memory_space<hbm>>
        %dma_wait3A_256 = arith.constant 0 : i32
        %dma_wait3A_257 = tpu.memref_slice %arg6[%and3A_250, %dma_wait3A_256] : memref<8x64xi32, #tpu.memory_space<vmem>> -> memref<1x64xi32, #tpu.memory_space<vmem>>
        %dma_wait3A_258 = tpu.memref_squeeze %dma_wait3A_257 : memref<1x64xi32, #tpu.memory_space<vmem>> -> memref<64xi32, #tpu.memory_space<vmem>>
        %dma_wait3A_259 = arith.constant 0 : i32
        %dma_wait3A_260 = tpu.memref_slice %arg3[%dma_wait3A_259] : memref<640000xi32, #tpu.memory_space<hbm>> -> memref<64xi32, #tpu.memory_space<hbm>>
        tpu.wait_dma2 semaphore(%arg14 : memref<!tpu.dma_semaphore, #tpu.memory_space<semaphore_mem>>) src(%dma_wait3A_260 : memref<64xi32, #tpu.memory_space<hbm>>) dst(%dma_wait3A_258 : memref<64xi32, #tpu.memory_space<vmem>>)
        %add3A_261 = arith.constant 3 : i32
        %add3A_262 = arith.addi %scan3A_194, %add3A_261 : i32
        %and3A_263 = arith.constant 3 : i32
        %and3A_264 = arith.andi %add3A_262, %and3A_263 : i32
        %add3A_265 = arith.constant 3 : i32
        %add3A_266 = arith.addi %scan3A_194, %add3A_265 : i32
        %and3A_267 = arith.constant 3 : i32
        %and3A_268 = arith.andi %add3A_266, %and3A_267 : i32
        %dma_start3A_269 = arith.constant 0 : i32
        %dma_start3A_270 = arith.constant 0 : i32
        %dma_start3A_271 = tpu.memref_slice %arg9[%and3A_268, %dma_start3A_269, %dma_start3A_270] : memref<4x64x128xf32, #tpu.memory_space<vmem>> -> memref<1x64x128xf32, #tpu.memory_space<vmem>>
        %dma_start3A_272 = tpu.memref_squeeze %dma_start3A_271 : memref<1x64x128xf32, #tpu.memory_space<vmem>> -> memref<64x128xf32, #tpu.memory_space<vmem>>
        %dma_start3A_273 = arith.constant 0 : i32
        %dma_start3A_274 = tpu.memref_slice %arg5[%and3A_264, %dma_start3A_273] : memref<4x64xi32, #tpu.memory_space<vmem>> -> memref<1x64xi32, #tpu.memory_space<vmem>>
        %dma_start3A_275 = tpu.memref_squeeze %dma_start3A_274 : memref<1x64xi32, #tpu.memory_space<vmem>> -> memref<64xi32, #tpu.memory_space<vmem>>
        %dma_start3A_276 = arith.constant 0 : i32
        %dma_start3A_277 = arith.constant 0 : i32
        %dma_start3A_278 = tpu.memref_slice %arg2[%dma_start3A_276, %dma_start3A_277] : memref<10000x128xf32, #tpu.memory_space<hbm>> -> memref<10000x128xf32, #tpu.memory_space<hbm>>
        tpu.enqueue_indirect_dma source(%dma_start3A_278 : memref<10000x128xf32, #tpu.memory_space<hbm>>) target(%dma_start3A_272 : memref<64x128xf32, #tpu.memory_space<vmem>>) offsets(%dma_start3A_275 : memref<64xi32, #tpu.memory_space<vmem>>) semaphore(%arg13 : memref<!tpu.dma_semaphore, #tpu.memory_space<semaphore_mem>>)
      } else {
      }
      %add3A_222 = arith.constant 4 : i32
      %add3A_223 = arith.addi %scan3A_194, %add3A_222 : i32
      %lt3A_224 = arith.constant 156 : i32
      %lt3A_225 = arith.cmpi slt, %add3A_223, %lt3A_224 : i32
      %convert_element_type3A_226 = arith.extui %lt3A_225 : i1 to i32
      %cond3A_227 = arith.constant 0 : i32
      %cond3A_228 = arith.cmpi ne, %convert_element_type3A_226, %cond3A_227 : i32
      scf.if %cond3A_228 {
        %add3A_229 = arith.constant 4 : i32
        %add3A_230 = arith.addi %scan3A_194, %add3A_229 : i32
        %mul3A_231 = arith.constant 64 : i32
        %mul3A_232 = arith.muli %add3A_230, %mul3A_231 : i32
        %add3A_233 = arith.addi %mul3A_2, %mul3A_232 : i32
        %dma_start3A_234 = arith.constant 0 : i32
        %dma_start3A_235 = tpu.memref_slice %arg5[%and3A_195, %dma_start3A_234] : memref<4x64xi32, #tpu.memory_space<vmem>> -> memref<1x64xi32, #tpu.memory_space<vmem>>
        %dma_start3A_236 = tpu.memref_squeeze %dma_start3A_235 : memref<1x64xi32, #tpu.memory_space<vmem>> -> memref<64xi32, #tpu.memory_space<vmem>>
        %dma_start3A_237 = tpu.memref_slice %arg3[%add3A_233] : memref<640000xi32, #tpu.memory_space<hbm>> -> memref<64xi32, #tpu.memory_space<hbm>>
        %dma_start3A_238 = arith.constant 0 : i32
        %dma_start3A_239 = tpu.memref_slice %arg5[%and3A_195, %dma_start3A_238] : memref<4x64xi32, #tpu.memory_space<vmem>> -> memref<1x64xi32, #tpu.memory_space<vmem>>
        %dma_start3A_240 = tpu.memref_squeeze %dma_start3A_239 : memref<1x64xi32, #tpu.memory_space<vmem>> -> memref<64xi32, #tpu.memory_space<vmem>>
        %dma_start3A_241 = tpu.memref_slice %arg3[%add3A_233] : memref<640000xi32, #tpu.memory_space<hbm>> -> memref<64xi32, #tpu.memory_space<hbm>>
        tpu.enqueue_dma source(%dma_start3A_241 : memref<64xi32, #tpu.memory_space<hbm>>) target(%dma_start3A_240 : memref<64xi32, #tpu.memory_space<vmem>>) target_semaphore(%arg14 : memref<!tpu.dma_semaphore, #tpu.memory_space<semaphore_mem>>)
        %add3A_242 = arith.constant 4 : i32
        %add3A_243 = arith.addi %scan3A_194, %add3A_242 : i32
        %mul3A_244 = arith.constant 64 : i32
        %mul3A_245 = arith.muli %add3A_243, %mul3A_244 : i32
        %add3A_246 = arith.addi %add3A_6, %mul3A_245 : i32
        %add3A_247 = arith.constant 4 : i32
        %add3A_248 = arith.addi %scan3A_194, %add3A_247 : i32
        %and3A_249 = arith.constant 7 : i32
        %and3A_250 = arith.andi %add3A_248, %and3A_249 : i32
        %dma_start3A_251 = arith.constant 0 : i32
        %dma_start3A_252 = tpu.memref_slice %arg6[%and3A_250, %dma_start3A_251] : memref<8x64xi32, #tpu.memory_space<vmem>> -> memref<1x64xi32, #tpu.memory_space<vmem>>
        %dma_start3A_253 = tpu.memref_squeeze %dma_start3A_252 : memref<1x64xi32, #tpu.memory_space<vmem>> -> memref<64xi32, #tpu.memory_space<vmem>>
        %dma_start3A_254 = tpu.memref_slice %arg3[%add3A_246] : memref<640000xi32, #tpu.memory_space<hbm>> -> memref<64xi32, #tpu.memory_space<hbm>>
        %dma_start3A_255 = arith.constant 0 : i32
        %dma_start3A_256 = tpu.memref_slice %arg6[%and3A_250, %dma_start3A_255] : memref<8x64xi32, #tpu.memory_space<vmem>> -> memref<1x64xi32, #tpu.memory_space<vmem>>
        %dma_start3A_257 = tpu.memref_squeeze %dma_start3A_256 : memref<1x64xi32, #tpu.memory_space<vmem>> -> memref<64xi32, #tpu.memory_space<vmem>>
        %dma_start3A_258 = tpu.memref_slice %arg3[%add3A_246] : memref<640000xi32, #tpu.memory_space<hbm>> -> memref<64xi32, #tpu.memory_space<hbm>>
        tpu.enqueue_dma source(%dma_start3A_258 : memref<64xi32, #tpu.memory_space<hbm>>) target(%dma_start3A_257 : memref<64xi32, #tpu.memory_space<vmem>>) target_semaphore(%arg14 : memref<!tpu.dma_semaphore, #tpu.memory_space<semaphore_mem>>)
      } else {
      }
    }
    %scan3A_131 = arith.constant 156 : i32
    %dma_wait3A = arith.constant 0 : i32
    %dma_wait3A_132 = arith.constant 0 : i32
    %dma_wait3A_133 = arith.constant 0 : i32
    %dma_wait3A_134 = arith.constant 0 : i32
    %dma_wait3A_135 = tpu.memref_slice %arg9[%dma_wait3A_132, %dma_wait3A_133, %dma_wait3A_134] : memref<4x64x128xf32, #tpu.memory_space<vmem>> -> memref<1x64x128xf32, #tpu.memory_space<vmem>>
    %dma_wait3A_136 = tpu.memref_squeeze %dma_wait3A_135 : memref<1x64x128xf32, #tpu.memory_space<vmem>> -> memref<64x128xf32, #tpu.memory_space<vmem>>
    %dma_wait3A_137 = arith.constant 0 : i32
    %dma_wait3A_138 = tpu.memref_slice %arg5[%dma_wait3A, %dma_wait3A_137] : memref<4x64xi32, #tpu.memory_space<vmem>> -> memref<1x64xi32, #tpu.memory_space<vmem>>
    %dma_wait3A_139 = tpu.memref_squeeze %dma_wait3A_138 : memref<1x64xi32, #tpu.memory_space<vmem>> -> memref<64xi32, #tpu.memory_space<vmem>>
    %dma_wait3A_140 = arith.constant 0 : i32
    %dma_wait3A_141 = arith.constant 0 : i32
    %dma_wait3A_142 = tpu.memref_slice %arg2[%dma_wait3A_140, %dma_wait3A_141] : memref<10000x128xf32, #tpu.memory_space<hbm>> -> memref<10000x128xf32, #tpu.memory_space<hbm>>
    tpu.wait_indirect_dma semaphore(%arg15 : memref<!tpu.dma_semaphore, #tpu.memory_space<semaphore_mem>>) src(%dma_wait3A_142 : memref<10000x128xf32, #tpu.memory_space<hbm>>) dst(%dma_wait3A_136 : memref<64x128xf32, #tpu.memory_space<vmem>>)
    %dma_wait3A_143 = arith.constant 0 : i32
    %dma_wait3A_144 = arith.constant 1 : i32
    %dma_wait3A_145 = arith.constant 0 : i32
    %dma_wait3A_146 = arith.constant 0 : i32
    %dma_wait3A_147 = tpu.memref_slice %arg9[%dma_wait3A_144, %dma_wait3A_145, %dma_wait3A_146] : memref<4x64x128xf32, #tpu.memory_space<vmem>> -> memref<1x64x128xf32, #tpu.memory_space<vmem>>
    %dma_wait3A_148 = tpu.memref_squeeze %dma_wait3A_147 : memref<1x64x128xf32, #tpu.memory_space<vmem>> -> memref<64x128xf32, #tpu.memory_space<vmem>>
    %dma_wait3A_149 = arith.constant 0 : i32
    %dma_wait3A_150 = tpu.memref_slice %arg5[%dma_wait3A_143, %dma_wait3A_149] : memref<4x64xi32, #tpu.memory_space<vmem>> -> memref<1x64xi32, #tpu.memory_space<vmem>>
    %dma_wait3A_151 = tpu.memref_squeeze %dma_wait3A_150 : memref<1x64xi32, #tpu.memory_space<vmem>> -> memref<64xi32, #tpu.memory_space<vmem>>
    %dma_wait3A_152 = arith.constant 0 : i32
    %dma_wait3A_153 = arith.constant 0 : i32
    %dma_wait3A_154 = tpu.memref_slice %arg2[%dma_wait3A_152, %dma_wait3A_153] : memref<10000x128xf32, #tpu.memory_space<hbm>> -> memref<10000x128xf32, #tpu.memory_space<hbm>>
    tpu.wait_indirect_dma semaphore(%arg15 : memref<!tpu.dma_semaphore, #tpu.memory_space<semaphore_mem>>) src(%dma_wait3A_154 : memref<10000x128xf32, #tpu.memory_space<hbm>>) dst(%dma_wait3A_148 : memref<64x128xf32, #tpu.memory_space<vmem>>)
    %dma_wait3A_155 = arith.constant 0 : i32
    %dma_wait3A_156 = arith.constant 2 : i32
    %dma_wait3A_157 = arith.constant 0 : i32
    %dma_wait3A_158 = arith.constant 0 : i32
    %dma_wait3A_159 = tpu.memref_slice %arg9[%dma_wait3A_156, %dma_wait3A_157, %dma_wait3A_158] : memref<4x64x128xf32, #tpu.memory_space<vmem>> -> memref<1x64x128xf32, #tpu.memory_space<vmem>>
    %dma_wait3A_160 = tpu.memref_squeeze %dma_wait3A_159 : memref<1x64x128xf32, #tpu.memory_space<vmem>> -> memref<64x128xf32, #tpu.memory_space<vmem>>
    %dma_wait3A_161 = arith.constant 0 : i32
    %dma_wait3A_162 = tpu.memref_slice %arg5[%dma_wait3A_155, %dma_wait3A_161] : memref<4x64xi32, #tpu.memory_space<vmem>> -> memref<1x64xi32, #tpu.memory_space<vmem>>
    %dma_wait3A_163 = tpu.memref_squeeze %dma_wait3A_162 : memref<1x64xi32, #tpu.memory_space<vmem>> -> memref<64xi32, #tpu.memory_space<vmem>>
    %dma_wait3A_164 = arith.constant 0 : i32
    %dma_wait3A_165 = arith.constant 0 : i32
    %dma_wait3A_166 = tpu.memref_slice %arg2[%dma_wait3A_164, %dma_wait3A_165] : memref<10000x128xf32, #tpu.memory_space<hbm>> -> memref<10000x128xf32, #tpu.memory_space<hbm>>
    tpu.wait_indirect_dma semaphore(%arg15 : memref<!tpu.dma_semaphore, #tpu.memory_space<semaphore_mem>>) src(%dma_wait3A_166 : memref<10000x128xf32, #tpu.memory_space<hbm>>) dst(%dma_wait3A_160 : memref<64x128xf32, #tpu.memory_space<vmem>>)
    %dma_wait3A_167 = arith.constant 0 : i32
    %dma_wait3A_168 = arith.constant 3 : i32
    %dma_wait3A_169 = arith.constant 0 : i32
    %dma_wait3A_170 = arith.constant 0 : i32
    %dma_wait3A_171 = tpu.memref_slice %arg9[%dma_wait3A_168, %dma_wait3A_169, %dma_wait3A_170] : memref<4x64x128xf32, #tpu.memory_space<vmem>> -> memref<1x64x128xf32, #tpu.memory_space<vmem>>
    %dma_wait3A_172 = tpu.memref_squeeze %dma_wait3A_171 : memref<1x64x128xf32, #tpu.memory_space<vmem>> -> memref<64x128xf32, #tpu.memory_space<vmem>>
    %dma_wait3A_173 = arith.constant 0 : i32
    %dma_wait3A_174 = tpu.memref_slice %arg5[%dma_wait3A_167, %dma_wait3A_173] : memref<4x64xi32, #tpu.memory_space<vmem>> -> memref<1x64xi32, #tpu.memory_space<vmem>>
    %dma_wait3A_175 = tpu.memref_squeeze %dma_wait3A_174 : memref<1x64xi32, #tpu.memory_space<vmem>> -> memref<64xi32, #tpu.memory_space<vmem>>
    %dma_wait3A_176 = arith.constant 0 : i32
    %dma_wait3A_177 = arith.constant 0 : i32
    %dma_wait3A_178 = tpu.memref_slice %arg2[%dma_wait3A_176, %dma_wait3A_177] : memref<10000x128xf32, #tpu.memory_space<hbm>> -> memref<10000x128xf32, #tpu.memory_space<hbm>>
    tpu.wait_indirect_dma semaphore(%arg15 : memref<!tpu.dma_semaphore, #tpu.memory_space<semaphore_mem>>) src(%dma_wait3A_178 : memref<10000x128xf32, #tpu.memory_space<hbm>>) dst(%dma_wait3A_172 : memref<64x128xf32, #tpu.memory_space<vmem>>)
    %add3A_179 = arith.constant 9984 : i32
    %add3A_180 = arith.addi %mul3A_2, %add3A_179 : i32
    "tpu.region"() ({
      %run_scoped3A_194 = tpu.sem_alloc : memref<!tpu.dma_semaphore, #tpu.memory_space<semaphore_mem>>
      %dma_start3A_195 = tpu.memref_slice %arg3[%add3A_180] : memref<640000xi32, #tpu.memory_space<hbm>> -> memref<16xi32, #tpu.memory_space<hbm>>
      %dma_start3A_196 = tpu.memref_slice %arg3[%add3A_180] : memref<640000xi32, #tpu.memory_space<hbm>> -> memref<16xi32, #tpu.memory_space<hbm>>
      tpu.enqueue_dma source(%dma_start3A_196 : memref<16xi32, #tpu.memory_space<hbm>>) target(%arg7 : memref<16xi32, #tpu.memory_space<vmem>>) target_semaphore(%run_scoped3A_194 : memref<!tpu.dma_semaphore, #tpu.memory_space<semaphore_mem>>)
      %dma_wait3A_197 = tpu.memref_slice %arg3[%add3A_180] : memref<640000xi32, #tpu.memory_space<hbm>> -> memref<16xi32, #tpu.memory_space<hbm>>
      %dma_wait3A_198 = tpu.memref_slice %arg3[%add3A_180] : memref<640000xi32, #tpu.memory_space<hbm>> -> memref<16xi32, #tpu.memory_space<hbm>>
      tpu.wait_dma2 semaphore(%run_scoped3A_194 : memref<!tpu.dma_semaphore, #tpu.memory_space<semaphore_mem>>) src(%dma_wait3A_198 : memref<16xi32, #tpu.memory_space<hbm>>) dst(%arg7 : memref<16xi32, #tpu.memory_space<vmem>>)
      tpu.yield
    }) : () -> ()
    %add3A_181 = arith.constant 9984 : i32
    %add3A_182 = arith.addi %add3A_6, %add3A_181 : i32
    "tpu.region"() ({
      %run_scoped3A_194 = tpu.sem_alloc : memref<!tpu.dma_semaphore, #tpu.memory_space<semaphore_mem>>
      %dma_start3A_195 = tpu.memref_slice %arg3[%add3A_182] : memref<640000xi32, #tpu.memory_space<hbm>> -> memref<16xi32, #tpu.memory_space<hbm>>
      %dma_start3A_196 = tpu.memref_slice %arg3[%add3A_182] : memref<640000xi32, #tpu.memory_space<hbm>> -> memref<16xi32, #tpu.memory_space<hbm>>
      tpu.enqueue_dma source(%dma_start3A_196 : memref<16xi32, #tpu.memory_space<hbm>>) target(%arg8 : memref<16xi32, #tpu.memory_space<vmem>>) target_semaphore(%run_scoped3A_194 : memref<!tpu.dma_semaphore, #tpu.memory_space<semaphore_mem>>)
      %dma_wait3A_197 = tpu.memref_slice %arg3[%add3A_182] : memref<640000xi32, #tpu.memory_space<hbm>> -> memref<16xi32, #tpu.memory_space<hbm>>
      %dma_wait3A_198 = tpu.memref_slice %arg3[%add3A_182] : memref<640000xi32, #tpu.memory_space<hbm>> -> memref<16xi32, #tpu.memory_space<hbm>>
      tpu.wait_dma2 semaphore(%run_scoped3A_194 : memref<!tpu.dma_semaphore, #tpu.memory_space<semaphore_mem>>) src(%dma_wait3A_198 : memref<16xi32, #tpu.memory_space<hbm>>) dst(%arg8 : memref<16xi32, #tpu.memory_space<vmem>>)
      tpu.yield
    }) : () -> ()
    %dma_start3A_183 = arith.constant 0 : i32
    %dma_start3A_184 = arith.constant 0 : i32
    %dma_start3A_185 = tpu.memref_slice %arg2[%dma_start3A_183, %dma_start3A_184] : memref<10000x128xf32, #tpu.memory_space<hbm>> -> memref<10000x128xf32, #tpu.memory_space<hbm>>
    tpu.enqueue_indirect_dma source(%dma_start3A_185 : memref<10000x128xf32, #tpu.memory_space<hbm>>) target(%arg10 : memref<16x128xf32, #tpu.memory_space<vmem>>) offsets(%arg7 : memref<16xi32, #tpu.memory_space<vmem>>) semaphore(%arg13 : memref<!tpu.dma_semaphore, #tpu.memory_space<semaphore_mem>>)
    %dma_wait3A_186 = arith.constant 0 : i32
    %dma_wait3A_187 = arith.constant 0 : i32
    %dma_wait3A_188 = tpu.memref_slice %arg2[%dma_wait3A_186, %dma_wait3A_187] : memref<10000x128xf32, #tpu.memory_space<hbm>> -> memref<10000x128xf32, #tpu.memory_space<hbm>>
    tpu.wait_indirect_dma semaphore(%arg13 : memref<!tpu.dma_semaphore, #tpu.memory_space<semaphore_mem>>) src(%dma_wait3A_188 : memref<10000x128xf32, #tpu.memory_space<hbm>>) dst(%arg10 : memref<16x128xf32, #tpu.memory_space<vmem>>)
    "tpu.region"() ({
      %run_scoped3A_194 = tpu.sem_alloc : memref<!tpu.dma_semaphore, #tpu.memory_space<semaphore_mem>>
      %dma_start3A_195 = arith.constant 0 : i32
      %dma_start3A_196 = arith.constant 0 : i32
      %dma_start3A_197 = tpu.memref_slice %arg12[%dma_start3A_195, %dma_start3A_196] : memref<10240x128xf32, #tpu.memory_space<vmem_shared>> -> memref<10240x128xf32, #tpu.memory_space<vmem_shared>>
      tpu.enqueue_indirect_dma source(%arg10 : memref<16x128xf32, #tpu.memory_space<vmem>>) target(%dma_start3A_197 : memref<10240x128xf32, #tpu.memory_space<vmem_shared>>) offsets(%arg8 : memref<16xi32, #tpu.memory_space<vmem>>) semaphore(%run_scoped3A_194 : memref<!tpu.dma_semaphore, #tpu.memory_space<semaphore_mem>>) {add = true}
      %dma_wait3A_198 = arith.constant 0 : i32
      %dma_wait3A_199 = arith.constant 0 : i32
      %dma_wait3A_200 = tpu.memref_slice %arg12[%dma_wait3A_198, %dma_wait3A_199] : memref<10240x128xf32, #tpu.memory_space<vmem_shared>> -> memref<10240x128xf32, #tpu.memory_space<vmem_shared>>
      tpu.wait_indirect_dma semaphore(%run_scoped3A_194 : memref<!tpu.dma_semaphore, #tpu.memory_space<semaphore_mem>>) src(%arg10 : memref<16x128xf32, #tpu.memory_space<vmem>>) dst(%dma_wait3A_200 : memref<10240x128xf32, #tpu.memory_space<vmem_shared>>)
      tpu.yield
    }) : () -> ()
    %barrier3A_189 = arith.constant 0 : index
    tpu.barrier barrier_id(%barrier3A_189)
    %mul3A_190 = arith.constant 640 : i32
    %mul3A_191 = arith.muli %arg1, %mul3A_190 : i32
    %mul3A_192 = arith.constant 640 : i32
    %mul3A_193 = arith.muli %arg1, %mul3A_192 : i32
    "tpu.region"() ({
      %run_scoped3A_194 = tpu.sem_alloc : memref<!tpu.dma_semaphore, #tpu.memory_space<semaphore_mem>>
      %dma_start3A_195 = arith.constant 0 : i32
      %dma_start3A_196 = tpu.memref_slice %arg4[%arg0, %mul3A_193, %dma_start3A_195] : memref<2x10240x128xf32, #tpu.memory_space<hbm>> -> memref<1x640x128xf32, #tpu.memory_space<hbm>>
      %dma_start3A_197 = tpu.memref_squeeze %dma_start3A_196 : memref<1x640x128xf32, #tpu.memory_space<hbm>> -> memref<640x128xf32, #tpu.memory_space<hbm>>
      %dma_start3A_198 = arith.constant 0 : i32
      %dma_start3A_199 = tpu.memref_slice %arg12[%mul3A_191, %dma_start3A_198] : memref<10240x128xf32, #tpu.memory_space<vmem_shared>> -> memref<640x128xf32, #tpu.memory_space<vmem_shared>>
      tpu.enqueue_dma source(%dma_start3A_199 : memref<640x128xf32, #tpu.memory_space<vmem_shared>>) target(%dma_start3A_197 : memref<640x128xf32, #tpu.memory_space<hbm>>) target_semaphore(%run_scoped3A_194 : memref<!tpu.dma_semaphore, #tpu.memory_space<semaphore_mem>>)
      %dma_wait3A_200 = arith.constant 0 : i32
      %dma_wait3A_201 = tpu.memref_slice %arg4[%arg0, %mul3A_193, %dma_wait3A_200] : memref<2x10240x128xf32, #tpu.memory_space<hbm>> -> memref<1x640x128xf32, #tpu.memory_space<hbm>>
      %dma_wait3A_202 = tpu.memref_squeeze %dma_wait3A_201 : memref<1x640x128xf32, #tpu.memory_space<hbm>> -> memref<640x128xf32, #tpu.memory_space<hbm>>
      %dma_wait3A_203 = arith.constant 0 : i32
      %dma_wait3A_204 = tpu.memref_slice %arg12[%mul3A_191, %dma_wait3A_203] : memref<10240x128xf32, #tpu.memory_space<vmem_shared>> -> memref<640x128xf32, #tpu.memory_space<vmem_shared>>
      tpu.wait_dma2 semaphore(%run_scoped3A_194 : memref<!tpu.dma_semaphore, #tpu.memory_space<semaphore_mem>>) src(%dma_wait3A_204 : memref<640x128xf32, #tpu.memory_space<vmem_shared>>) dst(%dma_wait3A_202 : memref<640x128xf32, #tpu.memory_space<hbm>>)
      tpu.yield
    }) : () -> ()
    return
  }
}

module attributes {stable_mosaic.version = 14 : i64} {
  func.func @body(%arg0: memref<10000x128xf32, #tpu.memory_space<vmem>>, %arg1: memref<1x128xf32, #tpu.memory_space<vmem>>, %arg2: memref<128x1xf32, #tpu.memory_space<vmem>>, %arg3: memref<128x128xf32, #tpu.memory_space<vmem>>, %arg4: memref<128x128xf32, #tpu.memory_space<vmem>>, %arg5: memref<10000x128xf32, #tpu.memory_space<vmem>>) attributes {dimension_semantics = [], scalar_prefetch = 0 : i64, scratch_operands = 0 : i64, tpu.core_type = #tpu.core_type<tc>} {
    %get3A = arith.constant 0 : index
    %get3A_0 = arith.constant 0 : index
    %get3A_1 = vector.load %arg2[%get3A, %get3A_0] : memref<128x1xf32, #tpu.memory_space<vmem>>, vector<128x1xf32>
    %get3A_2 = arith.constant 0 : index
    %get3A_3 = arith.constant 0 : index
    %get3A_4 = vector.load %arg1[%get3A_2, %get3A_3] : memref<1x128xf32, #tpu.memory_space<vmem>>, vector<1x128xf32>
    %dot_general3A = arith.constant dense<0.000000e+00> : vector<128x128xf32>
    %dot_general3A_5 = tpu.matmul %get3A_1, %get3A_4, %dot_general3A {dimension_numbers = #tpu.dot_dimension_numbers<[1], [0], [0], [1], [0, 0, 1, 1], [], []>, transpose_lhs_hint = false} : vector<128x1xf32>, vector<1x128xf32>, vector<128x128xf32> -> vector<128x128xf32>
    %get3A_6 = arith.constant 0 : index
    %get3A_7 = arith.constant 0 : index
    %get3A_8 = vector.load %arg3[%get3A_6, %get3A_7] : memref<128x128xf32, #tpu.memory_space<vmem>>, vector<128x128xf32>
    %add3A = arith.addf %dot_general3A_5, %get3A_8 : vector<128x128xf32>
    %max3A = arith.constant 0.000000e+00 : f32
    %max3A_9 = vector.broadcast %max3A : f32 to vector<128x128xf32>
    %max3A_10 = arith.maximumf %add3A, %max3A_9 : vector<128x128xf32>
    %get3A_11 = arith.constant 0 : index
    %get3A_12 = arith.constant 0 : index
    %get3A_13 = vector.load %arg4[%get3A_11, %get3A_12] : memref<128x128xf32, #tpu.memory_space<vmem>>, vector<128x128xf32>
    %dot_general3A_14 = arith.constant dense<0.000000e+00> : vector<128x128xf32>
    %dot_general3A_15 = tpu.matmul %max3A_10, %get3A_13, %dot_general3A_14 {dimension_numbers = #tpu.dot_dimension_numbers<[1], [0], [0], [1], [0, 0, 1, 1], [], []>, transpose_lhs_hint = false} : vector<128x128xf32>, vector<128x128xf32>, vector<128x128xf32> -> vector<128x128xf32>
    %get3A_16 = arith.constant 0 : index
    %get3A_17 = arith.constant 0 : index
    %get3A_18 = vector.load %arg0[%get3A_16, %get3A_17] : memref<10000x128xf32, #tpu.memory_space<vmem>>, vector<10000x128xf32>
    %dot_general3A_19 = arith.constant dense<0.000000e+00> : vector<10000x128xf32>
    %dot_general3A_20 = tpu.matmul %get3A_18, %dot_general3A_15, %dot_general3A_19 {dimension_numbers = #tpu.dot_dimension_numbers<[1], [0], [0], [1], [0, 0, 1, 1], [], []>, transpose_lhs_hint = false} : vector<10000x128xf32>, vector<128x128xf32>, vector<10000x128xf32> -> vector<10000x128xf32>
    %swap3A = arith.constant 0 : index
    %swap3A_21 = arith.constant 0 : index
    %swap3A_22 = vector.load %arg5[%swap3A, %swap3A_21] : memref<10000x128xf32, #tpu.memory_space<vmem>>, vector<10000x128xf32>
    tpu.vector_store %arg5[%swap3A, %swap3A_21], %dot_general3A_20 {strides = array<i32>} : memref<10000x128xf32, #tpu.memory_space<vmem>>, vector<10000x128xf32>,
    return
  }
}

module attributes {stable_mosaic.version = 14 : i64} {
  func.func @body(%arg0: memref<10000x128xf32, #tpu.memory_space<vmem>>, %arg1: memref<2x10240x8xf32, #tpu.memory_space<vmem>>, %arg2: memref<10000x128xf32, #tpu.memory_space<vmem>>, %arg3: memref<10000x1xf32, #tpu.memory_space<vmem>>) attributes {dimension_semantics = [], scalar_prefetch = 0 : i64, scratch_operands = 0 : i64, tpu.core_type = #tpu.core_type<tc>} {
    %get3A = arith.constant 0 : index
    %get3A_0 = arith.constant 0 : index
    %get3A_1 = arith.constant 0 : index
    %get3A_2 = vector.load %arg1[%get3A, %get3A_0, %get3A_1] : memref<2x10240x8xf32, #tpu.memory_space<vmem>>, vector<1x10000x1xf32>
    %get3A_3 = vector.shape_cast %get3A_2 : vector<1x10000x1xf32> to vector<10000x1xf32>
    %get3A_4 = arith.constant 1 : index
    %get3A_5 = arith.constant 0 : index
    %get3A_6 = arith.constant 0 : index
    %get3A_7 = vector.load %arg1[%get3A_4, %get3A_5, %get3A_6] : memref<2x10240x8xf32, #tpu.memory_space<vmem>>, vector<1x10000x1xf32>
    %get3A_8 = vector.shape_cast %get3A_7 : vector<1x10000x1xf32> to vector<10000x1xf32>
    %add3A = arith.addf %get3A_3, %get3A_8 : vector<10000x1xf32>
    %add3A_9 = arith.constant 1.000000e+00 : f32
    %add3A_10 = vector.broadcast %add3A_9 : f32 to vector<10000x1xf32>
    %add3A_11 = arith.addf %add3A, %add3A_10 : vector<10000x1xf32>
    %rsqrt3A = math.rsqrt %add3A_11 : vector<10000x1xf32>
    %get3A_12 = arith.constant 0 : index
    %get3A_13 = arith.constant 0 : index
    %get3A_14 = vector.load %arg0[%get3A_12, %get3A_13] : memref<10000x128xf32, #tpu.memory_space<vmem>>, vector<10000x128xf32>
    %mul3A = vector.broadcast %rsqrt3A : vector<10000x1xf32> to vector<10000x128xf32>
    %mul3A_15 = arith.mulf %get3A_14, %mul3A : vector<10000x128xf32>
    %swap3A = arith.constant 0 : index
    %swap3A_16 = arith.constant 0 : index
    %swap3A_17 = vector.load %arg2[%swap3A, %swap3A_16] : memref<10000x128xf32, #tpu.memory_space<vmem>>, vector<10000x128xf32>
    tpu.vector_store %arg2[%swap3A, %swap3A_16], %mul3A_15 {strides = array<i32>} : memref<10000x128xf32, #tpu.memory_space<vmem>>, vector<10000x128xf32>,
    %swap3A_18 = arith.constant 0 : index
    %swap3A_19 = arith.constant 0 : index
    %swap3A_20 = vector.load %arg3[%swap3A_18, %swap3A_19] : memref<10000x1xf32, #tpu.memory_space<vmem>>, vector<10000x1xf32>
    tpu.vector_store %arg3[%swap3A_18, %swap3A_19], %rsqrt3A {strides = array<i32>} : memref<10000x1xf32, #tpu.memory_space<vmem>>, vector<10000x1xf32>,
    return
  }
}

module attributes {stable_mosaic.version = 14 : i64} {
  func.func @body(%arg0: memref<2x10240x128xf32, #tpu.memory_space<vmem>>, %arg1: memref<10000x128xf32, #tpu.memory_space<vmem>>, %arg2: memref<10000x1xf32, #tpu.memory_space<vmem>>, %arg3: memref<1x128xf32, #tpu.memory_space<vmem>>, %arg4: memref<128x128xf32, #tpu.memory_space<vmem>>, %arg5: memref<10000x128xf32, #tpu.memory_space<vmem>>) attributes {dimension_semantics = [], scalar_prefetch = 0 : i64, scratch_operands = 0 : i64, tpu.core_type = #tpu.core_type<tc>} {
    %get3A = arith.constant 0 : index
    %get3A_0 = arith.constant 0 : index
    %get3A_1 = arith.constant 0 : index
    %get3A_2 = vector.load %arg0[%get3A, %get3A_0, %get3A_1] : memref<2x10240x128xf32, #tpu.memory_space<vmem>>, vector<1x10000x128xf32>
    %get3A_3 = vector.shape_cast %get3A_2 : vector<1x10000x128xf32> to vector<10000x128xf32>
    %get3A_4 = arith.constant 1 : index
    %get3A_5 = arith.constant 0 : index
    %get3A_6 = arith.constant 0 : index
    %get3A_7 = vector.load %arg0[%get3A_4, %get3A_5, %get3A_6] : memref<2x10240x128xf32, #tpu.memory_space<vmem>>, vector<1x10000x128xf32>
    %get3A_8 = vector.shape_cast %get3A_7 : vector<1x10000x128xf32> to vector<10000x128xf32>
    %add3A = arith.addf %get3A_3, %get3A_8 : vector<10000x128xf32>
    %get3A_9 = arith.constant 0 : index
    %get3A_10 = arith.constant 0 : index
    %get3A_11 = vector.load %arg1[%get3A_9, %get3A_10] : memref<10000x128xf32, #tpu.memory_space<vmem>>, vector<10000x128xf32>
    %add3A_12 = arith.addf %add3A, %get3A_11 : vector<10000x128xf32>
    %get3A_13 = arith.constant 0 : index
    %get3A_14 = arith.constant 0 : index
    %get3A_15 = vector.load %arg2[%get3A_13, %get3A_14] : memref<10000x1xf32, #tpu.memory_space<vmem>>, vector<10000x1xf32>
    %mul3A = vector.broadcast %get3A_15 : vector<10000x1xf32> to vector<10000x128xf32>
    %mul3A_16 = arith.mulf %add3A_12, %mul3A : vector<10000x128xf32>
    %get3A_17 = arith.constant 0 : index
    %get3A_18 = arith.constant 0 : index
    %get3A_19 = vector.load %arg3[%get3A_17, %get3A_18] : memref<1x128xf32, #tpu.memory_space<vmem>>, vector<1x128xf32>
    %add3A_20 = vector.broadcast %get3A_19 : vector<1x128xf32> to vector<10000x128xf32>
    %add3A_21 = arith.addf %mul3A_16, %add3A_20 : vector<10000x128xf32>
    %max3A = arith.constant 0.000000e+00 : f32
    %max3A_22 = vector.broadcast %max3A : f32 to vector<10000x128xf32>
    %max3A_23 = arith.maximumf %add3A_21, %max3A_22 : vector<10000x128xf32>
    %get3A_24 = arith.constant 0 : index
    %get3A_25 = arith.constant 0 : index
    %get3A_26 = vector.load %arg4[%get3A_24, %get3A_25] : memref<128x128xf32, #tpu.memory_space<vmem>>, vector<128x128xf32>
    %dot_general3A = arith.constant dense<0.000000e+00> : vector<10000x128xf32>
    %dot_general3A_27 = tpu.matmul %max3A_23, %get3A_26, %dot_general3A {dimension_numbers = #tpu.dot_dimension_numbers<[1], [0], [0], [1], [0, 0, 1, 1], [], []>, transpose_lhs_hint = false} : vector<10000x128xf32>, vector<128x128xf32>, vector<10000x128xf32> -> vector<10000x128xf32>
    %get3A_28 = arith.constant 0 : index
    %get3A_29 = arith.constant 0 : index
    %get3A_30 = vector.load %arg2[%get3A_28, %get3A_29] : memref<10000x1xf32, #tpu.memory_space<vmem>>, vector<10000x1xf32>
    %mul3A_31 = vector.broadcast %get3A_30 : vector<10000x1xf32> to vector<10000x128xf32>
    %mul3A_32 = arith.mulf %dot_general3A_27, %mul3A_31 : vector<10000x128xf32>
    %swap3A = arith.constant 0 : index
    %swap3A_33 = arith.constant 0 : index
    %swap3A_34 = vector.load %arg5[%swap3A, %swap3A_33] : memref<10000x128xf32, #tpu.memory_space<vmem>>, vector<10000x128xf32>
    tpu.vector_store %arg5[%swap3A, %swap3A_33], %mul3A_32 {strides = array<i32>} : memref<10000x128xf32, #tpu.memory_space<vmem>>, vector<10000x128xf32>,
    return
  }
}

module attributes {stable_mosaic.version = 14 : i64} {
  func.func @body(%arg0: memref<2x10240x128xf32, #tpu.memory_space<vmem>>, %arg1: memref<10000x128xf32, #tpu.memory_space<vmem>>, %arg2: memref<10000x1xf32, #tpu.memory_space<vmem>>, %arg3: memref<1x128xf32, #tpu.memory_space<vmem>>, %arg4: memref<64x128xf32, #tpu.memory_space<vmem>>, %arg5: memref<1x64xf32, #tpu.memory_space<vmem>>, %arg6: memref<10000x64xf32, #tpu.memory_space<vmem>>) attributes {dimension_semantics = [], scalar_prefetch = 0 : i64, scratch_operands = 0 : i64, tpu.core_type = #tpu.core_type<tc>} {
    %get3A = arith.constant 0 : index
    %get3A_0 = arith.constant 0 : index
    %get3A_1 = arith.constant 0 : index
    %get3A_2 = vector.load %arg0[%get3A, %get3A_0, %get3A_1] : memref<2x10240x128xf32, #tpu.memory_space<vmem>>, vector<1x10000x128xf32>
    %get3A_3 = vector.shape_cast %get3A_2 : vector<1x10000x128xf32> to vector<10000x128xf32>
    %get3A_4 = arith.constant 1 : index
    %get3A_5 = arith.constant 0 : index
    %get3A_6 = arith.constant 0 : index
    %get3A_7 = vector.load %arg0[%get3A_4, %get3A_5, %get3A_6] : memref<2x10240x128xf32, #tpu.memory_space<vmem>>, vector<1x10000x128xf32>
    %get3A_8 = vector.shape_cast %get3A_7 : vector<1x10000x128xf32> to vector<10000x128xf32>
    %add3A = arith.addf %get3A_3, %get3A_8 : vector<10000x128xf32>
    %get3A_9 = arith.constant 0 : index
    %get3A_10 = arith.constant 0 : index
    %get3A_11 = vector.load %arg1[%get3A_9, %get3A_10] : memref<10000x128xf32, #tpu.memory_space<vmem>>, vector<10000x128xf32>
    %add3A_12 = arith.addf %add3A, %get3A_11 : vector<10000x128xf32>
    %get3A_13 = arith.constant 0 : index
    %get3A_14 = arith.constant 0 : index
    %get3A_15 = vector.load %arg2[%get3A_13, %get3A_14] : memref<10000x1xf32, #tpu.memory_space<vmem>>, vector<10000x1xf32>
    %mul3A = vector.broadcast %get3A_15 : vector<10000x1xf32> to vector<10000x128xf32>
    %mul3A_16 = arith.mulf %add3A_12, %mul3A : vector<10000x128xf32>
    %get3A_17 = arith.constant 0 : index
    %get3A_18 = arith.constant 0 : index
    %get3A_19 = vector.load %arg3[%get3A_17, %get3A_18] : memref<1x128xf32, #tpu.memory_space<vmem>>, vector<1x128xf32>
    %add3A_20 = vector.broadcast %get3A_19 : vector<1x128xf32> to vector<10000x128xf32>
    %add3A_21 = arith.addf %mul3A_16, %add3A_20 : vector<10000x128xf32>
    %max3A = arith.constant 0.000000e+00 : f32
    %max3A_22 = vector.broadcast %max3A : f32 to vector<10000x128xf32>
    %max3A_23 = arith.maximumf %add3A_21, %max3A_22 : vector<10000x128xf32>
    %get3A_24 = arith.constant 0 : index
    %get3A_25 = arith.constant 0 : index
    %get3A_26 = vector.load %arg4[%get3A_24, %get3A_25] : memref<64x128xf32, #tpu.memory_space<vmem>>, vector<64x128xf32>
    %dot_general3A = arith.constant dense<0.000000e+00> : vector<10000x64xf32>
    %dot_general3A_27 = tpu.matmul %max3A_23, %get3A_26, %dot_general3A {dimension_numbers = #tpu.dot_dimension_numbers<[1], [1], [0], [0], [0, 0, 1, 0], [], []>, transpose_lhs_hint = false} : vector<10000x128xf32>, vector<64x128xf32>, vector<10000x64xf32> -> vector<10000x64xf32>
    %get3A_28 = arith.constant 0 : index
    %get3A_29 = arith.constant 0 : index
    %get3A_30 = vector.load %arg5[%get3A_28, %get3A_29] : memref<1x64xf32, #tpu.memory_space<vmem>>, vector<1x64xf32>
    %add3A_31 = vector.broadcast %get3A_30 : vector<1x64xf32> to vector<10000x64xf32>
    %add3A_32 = arith.addf %dot_general3A_27, %add3A_31 : vector<10000x64xf32>
    %reduce_max3A = arith.constant dense<0xFF800000> : vector<10000xf32>
    %reduce_max3A_33 = vector.multi_reduction <maximumf>, %add3A_32, %reduce_max3A [1] : vector<10000x64xf32> to vector<10000xf32>
    %broadcast_in_dim3A = vector.shape_cast %reduce_max3A_33 : vector<10000xf32> to vector<10000x1xf32>
    %sub3A = vector.broadcast %broadcast_in_dim3A : vector<10000x1xf32> to vector<10000x64xf32>
    %sub3A_34 = arith.subf %add3A_32, %sub3A : vector<10000x64xf32>
    %exp3A = math.exp %sub3A_34 : vector<10000x64xf32>
    %reduce_sum3A = arith.constant dense<0.000000e+00> : vector<10000xf32>
    %reduce_sum3A_35 = vector.multi_reduction <add>, %exp3A, %reduce_sum3A [1] : vector<10000x64xf32> to vector<10000xf32>
    %broadcast_in_dim3A_36 = vector.shape_cast %reduce_sum3A_35 : vector<10000xf32> to vector<10000x1xf32>
    %log3A = math.log %broadcast_in_dim3A_36 : vector<10000x1xf32>
    %add3A_37 = arith.addf %log3A, %broadcast_in_dim3A : vector<10000x1xf32>
    %sub3A_38 = vector.broadcast %add3A_37 : vector<10000x1xf32> to vector<10000x64xf32>
    %sub3A_39 = arith.subf %add3A_32, %sub3A_38 : vector<10000x64xf32>
    %swap3A = arith.constant 0 : index
    %swap3A_40 = arith.constant 0 : index
    %swap3A_41 = vector.load %arg6[%swap3A, %swap3A_40] : memref<10000x64xf32, #tpu.memory_space<vmem>>, vector<10000x64xf32>
    tpu.vector_store %arg6[%swap3A, %swap3A_40], %sub3A_39 {strides = array<i32>} : memref<10000x64xf32, #tpu.memory_space<vmem>>, vector<10000x64xf32>,
    return
  }
}

</mosaic_0001>

<sc_bundles>
// kernel: kernel.12.cloned.1.call-start
scs
__scs_entry_jumppad:
0x0: {  	(pc) =	sbr.rel $0x88, $3  }
0x1: {  	(tag) =	ssettag $0x0;
	lr =	simm.s32 $0x1  }
0x2: {  	[smem:$0x3F96] =	sst lr;
	_ =	strace $0xD0000000  }
0x3: {  	_ = 	snop  }
0x4: {  	_ = 	snop  }
0x5: {  	_ = 	snop  }
0x6: {  	_ = 	snop  }
0x7: {  	_ = 	snop  }
__scs_overlays_trampoline_lowered:
0x8: {  	[smem:$0x3FA5] =	sst s0  }
0x9: {  	[smem:$0x3FA6] =	sst s1  }
0xa: {  	[smem:$0x3FA7] =	sst s2  }
0xb: {  	[smem:$0x3FA8] =	sst s3  }
0xc: {  	[smem:$0x3FA9] =	sst s4  }
0xd: {  	[smem:$0x3FAA] =	sst s5  }
0xe: {  	[smem:$0x3FAB] =	sst s6  }
0xf: {  	[smem:$0x3FAC] =	sst s7  }
0x10: {  	[smem:$0x3FAD] =	sst s8  }
0x11: {  	[smem:$0x3FAE] =	sst s9;
	s0 =	simm.s32 @!p0 $0x0  }
0x12: {  	s1 =	sld [smem:$0x3F94];
	s0 =	simm.s32 @p0 $0x1  }
0x13: {  	[smem:$0x3FAF] =	sst s0;
	s0 =	simm.s32 @!p1 $0x0  }
0x14: {  	s2 =	sld [smem:$0x3F93];
	s0 =	simm.s32 @p1 $0x1  }
0x15: {  	[smem:$0x3FB0] =	sst s0;
	s0 =	simm.s32 @!p2 $0x0  }
0x16: {  	s3 =	sld [smem:$0x3FDB];
	s0 =	simm.s32 @p2 $0x1  }
0x17: {  	s4 =	simm.s32 $0x1BF5;
	[smem:$0x3FB2] =	sst s0  }
0x18: {  	s0 =	sld [smem:$0x3F95];
	_ =	swait.ge [sflag:s4], $0x0  }
0x19: {  	s7 =	sld [smem:$0x3F96]  }
0x1a: {  	s8 =	sadd.s32 $0xFFFFE003, lr  }
0x1b: {  	s9 =	sadd.s32 $0xFFFFFEF7, lr;
	s5 =	simm.s32 $0xFFFFFFFF;
	p2 =	slt.u32 s8, $0xFFFFF086  }
0x1c: {  	p1 =	slt.u32 s9, $0xF7A;
	s5 =	simm.s32 @!p2 $0x0  }
0x1d: {  	s5 =	simm.s32 @p1 $0x1;
	p0 =	seq.s32 s7, s2  }
0x1e: {  	s7 =	smul.u32 @!p0 $0xF7A, s2;
	p2 =	seq.s32 @!p0 s5, $0x0  }
0x1f: {  	s9 =	smul.u32 $0xF7A, s1;
	s8 =	simm.s32 @!p0 $0x1BF5;
	p2 =	por !p2, p0  }
0x20: {  	[sflag:s8] =	ssyncset.s32 @!p0 $0xFFFFF086;
	s6 =	sadd.s32 @!p0 s3, s7;
	s7 =	simm.s32 @!p0 $0x108  }
0x21: {  	s3 =	sadd.s32 s3, s9;
	s6 =	sadd.s32 @!p0 $0x88, s6;
	s7 =	simm.s32 @p2 $0x1082  }
0x22: {  	[simem:s7], [sflag:s8] =	dma.local @!p0 [hbm:s6], $0xF7A  }
0x23: {  	s9 =	sor.u32 $0xD0000000, s2;
	s6 =	simm.s32 $0x108;
	_ =	swait.ge @!p0 [sflag:s8], $0x0  }
0x24: {  	s3 =	sadd.s32 $0x88, s3;
	s6 =	simm.s32 @!p1 $0x1082;
	[sflag:s4] =	ssyncset.s32 $0xFFFFF086  }
0x25: {  	[simem:s6], [sflag:s4] =	dma.local [hbm:s3], $0xF7A  }
0x26: {  	[smem:$0x3F96] =	sst s1;
	(tag) =	ssettag s2;
	_ =	strace s9  }
0x27: {  	s1 =	sld [smem:$0x3FA6]  }
0x28: {  	s2 =	sld [smem:$0x3FA7]  }
0x29: {  	s4 =	sld [smem:$0x3FA9]  }
0x2a: {  	p0 =	seq.s32 s5, $0x0;
	s5 =	sld [smem:$0x3FAA]  }
0x2b: {  	s6 =	sld [smem:$0x3FAB]  }
0x2c: {  	s7 =	sld [smem:$0x3FAC]  }
0x2d: {  	s3 =	simm.s32 $0x108;
	s8 =	sld [smem:$0x3FAD]  }
0x2e: {  	s3 =	simm.s32 @!p0 $0x1082;
	s9 =	sld [smem:$0x3FAE]  }
0x2f: {  	lr =	sadd.s32 s0, s3;
	s0 =	sld [smem:$0x3FA5]  }
0x30: {  	s3 =	sld [smem:$0x3FA8]  }
0x31: {  	[smem:$0x3FB1] =	sst s10  }
0x32: {  	s10 =	sld [smem:$0x3FAF];
	_ =	sdelay $0x3  }
0x33: {  	p0 =	seq.s32 s10, $0x1;
	s10 =	sld [smem:$0x3FB1];
	_ =	sdelay $0x3  }
0x34: {  	[smem:$0x3FB1] =	sst s10  }
0x35: {  	s10 =	sld [smem:$0x3FB0];
	_ =	sdelay $0x3  }
0x36: {  	p1 =	seq.s32 s10, $0x1;
	s10 =	sld [smem:$0x3FB1];
	_ =	sdelay $0x3  }
0x37: {  	[smem:$0x3FB1] =	sst s10  }
0x38: {  	s10 =	sld [smem:$0x3FB2]  }
0x39: {  	_ = 	snop;
	(pc) =	sbr.ind lr, $3  }
0x3a: {  	_ = 	snop  }
0x3b: {  	_ = 	snop  }
0x3c: {  	p2 =	seq.s32 s10, $0x1;
	s10 =	sld [smem:$0x3FB1]  }
0x3d: {  	_ =	shalt  }
0x3e: {  	_ =	shalt  }
0x3f: {  	_ =	shalt  }
0x40: {  	_ =	shalt  }
0x41: {  	_ =	shalt  }
0x42: {  	_ =	shalt  }
0x43: {  	_ =	shalt  }
0x44: {  	_ =	shalt  }
0x45: {  	_ =	shalt  }
0x46: {  	_ =	shalt  }
0x47: {  	_ =	shalt  }
0x48: {  	_ =	shalt  }
0x49: {  	_ =	shalt  }
0x4a: {  	_ =	shalt  }
0x4b: {  	_ =	shalt  }
0x4c: {  	_ =	shalt  }
0x4d: {  	_ =	shalt  }
0x4e: {  	_ =	shalt  }
0x4f: {  	_ =	shalt  }
0x50: {  	_ =	shalt  }
0x51: {  	_ =	shalt  }
0x52: {  	_ =	shalt  }
0x53: {  	_ =	shalt  }
0x54: {  	_ =	shalt  }
0x55: {  	_ =	shalt  }
0x56: {  	_ =	shalt  }
0x57: {  	_ =	shalt  }
0x58: {  	_ =	shalt  }
0x59: {  	_ =	shalt  }
0x5a: {  	_ =	shalt  }
0x5b: {  	_ =	shalt  }
0x5c: {  	_ =	shalt  }
0x5d: {  	_ =	shalt  }
0x5e: {  	_ =	shalt  }
0x5f: {  	_ =	shalt  }
0x60: {  	_ =	shalt  }
0x61: {  	_ =	shalt  }
0x62: {  	_ =	shalt  }
0x63: {  	_ =	shalt  }
0x64: {  	_ =	shalt  }
0x65: {  	_ =	shalt  }
0x66: {  	_ =	shalt  }
0x67: {  	_ =	shalt  }
0x68: {  	_ =	shalt  }
0x69: {  	_ =	shalt  }
0x6a: {  	_ =	shalt  }
0x6b: {  	_ =	shalt  }
0x6c: {  	_ =	shalt  }
0x6d: {  	_ =	shalt  }
0x6e: {  	_ =	shalt  }
0x6f: {  	_ =	shalt  }
0x70: {  	_ =	shalt  }
0x71: {  	_ =	shalt  }
0x72: {  	_ =	shalt  }
0x73: {  	_ =	shalt  }
0x74: {  	_ =	shalt  }
0x75: {  	_ =	shalt  }
0x76: {  	_ =	shalt  }
0x77: {  	_ =	shalt  }
0x78: {  	_ =	shalt  }
0x79: {  	_ =	shalt  }
0x7a: {  	_ =	shalt  }
0x7b: {  	_ =	shalt  }
0x7c: {  	_ =	shalt  }
0x7d: {  	_ =	shalt  }
0x7e: {  	_ =	shalt  }
0x7f: {  	_ =	shalt  }
0x80: {  	_ =	shalt  }
0x81: {  	_ =	shalt  }
0x82: {  	_ =	shalt  }
0x83: {  	_ =	shalt  }
0x84: {  	_ =	shalt  }
0x85: {  	_ =	shalt  }
0x86: {  	_ =	shalt  }
0x87: {  	_ =	shalt  }
.Lfunc_end0:
.L_simem_size_0:
called_computation.1_lowered:
.L_overlay_start_0:
0x88: {  	s2 =	sld [smem:$0x3FD9]  }
0x89: {  	s3 =	sld [smem:$0x3FFE];
	_ =	sdelay $0x1  }
0x8a: {  	s1 =	srdreg.scid  }
0x8b: {  	s0 =	sand.u32 $0x1, s1  }
0x8c: {  	s17 =	sshll.u32 s0, $0xA;
	s2 =	sadd.s32 s3, s2  }
0x8d: {  	s2 =	sadd.s32 s2, s17  }
0x8e: {  	[smem:$0x3FBD] =	sst s2  }
0x8f: {  	_ = 	snop  }
0x90: {  	s2 =	sld [smem:$0x3FD0];
	(tm) =	ssettm $0x1  }
0x91: {  	s18 =	sld [smem:$0x3FFB];
	_ =	sdelay $0x3  }
0x92: {  	_ =	strace s18  }
0x93: {  	s3 =	sld [smem:$0x3FFC];
	_ =	sdelay $0x3  }
0x94: {  	_ =	strace s3  }
0x95: {  	s3 =	sld [smem:$0x3FFD];
	_ =	sdelay $0x3  }
0x96: {  	_ =	strace s3  }
0x97: {  	_ =	strace $0x8FFFFFFF  }
0x98: {  	s19 =	sld [smem:$0x3FDB];
	_ =	sdelay $0x1  }
0x99: {  	s4 =	simm.s32 $_scs_section_size  }
0x9a: {  	s5 =	simm.s32 $_size__tile_overlayer_lowered;
	s6 =	simm.s32 $_tile_overlayer_lowered  }
0x9b: {  	s22 =	simm.s32 $0x1BFF;
	s21 =	sshll.u32 s6, $0x1;
	s3 =	sadd.s32 s4, s19  }
0x9c: {  	s7 =	simm.s32 $0x0;
	s20 =	sshll.u32 s5, $0x1;
	s5 =	sadd.s32 s21, s3  }
0x9d: {  	[timem:s7], [sflag:s22] =	dma.local [hbm:s5], s20  }
0x9e: {  	_ =	swait.ge [sflag:s22], s20  }
0x9f: {  	s4 =	ssub.s32 $0x0, s20;
	[sflag:s22] =	ssyncset.done $0x0  }
0xa0: {  	[sflag:s22] =	ssyncadd.s32 s4;
	_ =	sdelay $0x1  }
0xa1: {  	s23 =	simm.s32 $0x1B8B  }
0xa2: {  	_ =	swait.ge [sflag:s23], $0x1  }
0xa3: {  	[sflag:s23] =	ssyncset.done $0x0  }
0xa4: {  	s25 =	simm.s32 $0x1B8E;
	s24 =	sld [smem:$0x3FFE];
	[sflag:s23] =	ssyncadd.s32 $0xFFFFFFFF  }
0xa5: {  	s26 =	simm.s32 $execute0_lowered;
	[smem:$0x3FD2] =	sst s25  }
0xa6: {  	s5 =	sshll.u32 s26, $0x1;
	_ =	strace $0x80000049;
	[dreg:$0x1] =	wrdreg $0xFFFFFFFF  }
0xa7: {  	s28 =	simm.s32 $_size_execute0_lowered;
	s3 =	sadd.s32 s3, s5;
	[dreg:$0x0] =	wrdreg $0x0  }
0xa8: {  	s5 =	sshll.u32 s28, $0x1;
	[dreg:$0x2] =	wrdreg s3  }
0xa9: {  	[dreg:$0x3] =	wrdreg s5  }
0xaa: {  	[dreg:$0x4] =	wrdreg $0xC0  }
0xab: {  	_ =	task [dreg:s7], $0x5FFFF  }
0xac: {  	[dreg:$0x1] =	wrdreg $0xFFFFFFFF  }
0xad: {  	[dreg:$0x0] =	wrdreg $0x60  }
0xae: {  	[dreg:$0x2] =	wrdreg s24  }
0xaf: {  	[dreg:$0x3] =	wrdreg s2  }
0xb0: {  	[dreg:$0x4] =	wrdreg $0xAF000  }
0xb1: {  	[dreg:$0x5] =	wrdreg $0x9  }
0xb2: {  	_ =	task.clear_ibuf [dreg:s7], $0x6FFFF;
	_ =	strace $0x90000049  }
0xb3: {  	s29 =	simm.s32 $0x9;
	_ =	strace $0x8000004B  }
0xb4: {  	_ =	swait.ge [sflag:s29], $0x1  }
0xb5: {  	[sflag:s29] =	ssyncadd.s32 $0xFFFFFFFF  }
0xb6: {  	_ =	strace $0x9000004B  }
0xb7: {  	_ =	sfence  }
0xb8: {  	s30 =	sld [smem:$0x0];
	_ =	sdelay $0x2  }
0xb9: {  	s31 =	sshll.u32 s1, $0xD;
	s1 =	sshrl.u32 s1, $0x2  }
0xba: {  	s3 =	sand.u32 $0x4000, s31;
	s1 =	sadd.s32 s1, s30  }
0xbb: {  	s0 =	sor.u32 s3, s0;
	s1 =	sshll.u32 s1, $0x11  }
0xbc: {  	s0 =	sor.u32 s1, s0  }
0xbd: {  	s0 =	sadd.s32 $0x8F2B, s0  }
0xbe: {  	[sflag:s0] =	ssyncadd.remote.s32 $0x1  }
0xbf: {  	_ =	sfence.sel $0xFFFF  }
0xc0: {  	[dreg:$0x0] =	wrdreg $0xFFFFFFFF;
	(pc) =	sbr.abs _section_cstart, $3  }
0xc1: {  	[dreg:$0x1] =	wrdreg $0xFFFFFFFF  }
0xc2: {  	_ =	task.clear_ibuf [dreg:s7], $0x2FFFF;
	_ =	strace $0x9FFFFFFF  }
0xc3: {  	(tm) =	ssettm $0x7FFFFFFF  }
tec
execute0_lowered:
.L_overlay_start_1:
0x0: {  	(tag) =	ssettag $0x1  }
0x1: {  	s11 =	stileid.u32  }
0x2: {  	s0 =	rddreg [dreg:$0x0];
	s7 =	smul.u32 $0x14000, s11  }
0x3: {  	s3 =	srdreg.scid;
	s10 =	smul.u32 $0x50000, s11  }
0x4: {  	s1 =	rddreg [dreg:$0x1];
	s6 =	sand.u32 $0x1, s3;
	s13 =	smul.u32 $0x2710, s11  }
0x5: {  	s2 =	rddreg [dreg:$0x2];
	s3 =	simm.s32 $0x0;
	s5 =	smul.u32 $0x140000, s6  }
0x6: {  	s4 =	sshll.u32 s6, $0x4;
	[smem:$0x7FF] =	sst s3;
	s9 =	ssub.s32 $0x2, s6  }
0x7: {  	s6 =	smul.u32 $0x27100, s6;
	s4 =	sor.u32 s11, s4;
	s30 =	sshrl.u32 s10, $0x2  }
0x8: {  	_ =	strace $0x8000004A;
	s23 =	sshrl.u32 s9, $0x1;
	s10 =	sadd.s32 s30, s2  }
0x9: {  	s8 =	smul.u32 $0x2710, s4;
	s4 =	sadd.s32 $0x3000, s0;
	s12 =	sadd.s32 $0x2000, s10  }
0xa: {  	s5 =	sadd.s32 s7, s5;
	s14 =	sadd.s32 $0x4000, s10;
	[dreg:$0x9] =	wrdreg s12  }
0xb: {  	s24 =	ssub.s32 s9, s23;
	s15 =	sadd.s32 $0x6000, s10;
	[dreg:$0xa] =	wrdreg s14  }
0xc: {  	s6 =	sadd.s32 s13, s6;
	s16 =	sadd.s32 $0x8000, s10;
	[dreg:$0xb] =	wrdreg s15  }
0xd: {  	s13 =	simm.s32 $0x2;
	s17 =	sadd.s32 $0xA000, s10;
	[dreg:$0xc] =	wrdreg s16  }
0xe: {  	s7 =	sshrl.u32 s5, $0x3;
	s18 =	sadd.s32 $0xC000, s10;
	[dreg:$0xd] =	wrdreg s17  }
0xf: {  	s19 =	sadd.s32 $0xE000, s10;
	s20 =	sadd.s32 $0x140, s6;
	[dreg:$0xe] =	wrdreg s18  }
0x10: {  	s21 =	sadd.s32 $0x10000, s10;
	s24 =	smax.u32 s24, $0x1;
	[dreg:$0xf] =	wrdreg s19  }
0x11: {  	s22 =	sshrl.u32 s8, $0x3;
	s0 =	sadd.s32 s7, s0;
	[dreg:$0x10] =	wrdreg s21  }
0x12: {  	[dreg:$0x14] =	wrdreg s24;
	s5 =	sadd.s32 s1, s22;
	s22 =	sadd.s32 $0x12000, s10  }
0x13: {  	s6 =	sadd.s32 $0x4E340, s6;
	s0 =	sadd.s32 $0x2A200, s0;
	[dreg:$0x11] =	wrdreg s22  }
0x14: {  	s8 =	sshrl.u32 s20, $0x3;
	s25 =	sadd.s32 $0x9C40, s5;
	[dreg:$0x13] =	wrdreg s0  }
0x15: {  	s6 =	sshrl.u32 s6, $0x3;
	s26 =	sadd.s32 $0x8, s5;
	[dreg:$0x4] =	wrdreg s25  }
0x16: {  	s7 =	simm.s32 $0x8F00;
	s28 =	sadd.s32 $0x9C48, s5;
	[dreg:$0x5] =	wrdreg s26  }
0x17: {  	s12 =	simm.s32 $0x1;
	s31 =	sadd.s32 $0x10, s5;
	[dreg:$0x6] =	wrdreg s28  }
0x18: {  	s14 =	simm.s32 $0x3;
	s9 =	sadd.s32 $0x9C50, s5;
	[dreg:$0x7] =	wrdreg s31  }
0x19: {  	s16 =	simm.s32 $0x4;
	s23 =	sadd.s32 $0x18, s5;
	[dreg:$0x8] =	wrdreg s9  }
0x1a: {  	s17 =	simm.s32 $0x680;
	s30 =	sadd.s32 $0x20, s5;
	[dreg:$0x12] =	wrdreg s23  }
0x1b: {  	s18 =	simm.s32 $0x10;
	s25 =	sadd.s32 $0x9C58, s5;
	[dreg:$0x18] =	wrdreg s30  }
0x1c: {  	s19 =	simm.s32 $0x8700;
	s26 =	sadd.s32 $0x4E0, s5;
	[dreg:$0x15] =	wrdreg s25  }
0x1d: {  	s20 =	simm.s32 $0x0;
	s28 =	sadd.s32 $0xA120, s5;
	[dreg:$0x16] =	wrdreg s26  }
0x1e: {  	s29 =	sadd.s32 s8, s1;
	s31 =	sadd.s32 $0x9C60, s5;
	[dreg:$0x17] =	wrdreg s28  }
0x1f: {  	v0 =	vimm.f32 $0.0e+00;
	s1 =	sadd.s32 s6, s1;
	s8 =	simm.s32 $0x40;
	[dreg:$0x19] =	wrdreg s31  }
.LBB2_1:
0x20: {  	s0 =	simm.s32 $0x0;
	s6 =	simm.s32 $0x200  }
.LBB2_2:
0x21: {  	p0 =	sne.s32 s6, $0x7E00;
	[tilespmem:s0+$0x8F70] =	vst v0  }
0x22: {  	[tilespmem:s0+$0x8F00] =	vst v0  }
0x23: {  	[tilespmem:s0+$0x8F10] =	vst v0  }
.Ltmp0:
0x24: {  	[tilespmem:s0+$0x8F20] =	vst v0;
	(pc) =	sbr.rel @p0 .LBB2_2-.Ltmp0, $4  }
0x25: {  	[tilespmem:s0+$0x8F30] =	vst v0  }
0x26: {  	[tilespmem:s0+$0x8F40] =	vst v0  }
0x27: {  	[tilespmem:s0+$0x8F50] =	vst v0  }
0x28: {  	[tilespmem:s0+$0x8F60] =	vst v0;
	s0 =	sshra.s32 s6, $0x2;
	s6 =	sadd.s32 $0x200, s6  }
0x29: {  	[tilespmem:s0+$0x8F70] =	vst v0  }
0x2a: {  	[tilespmem:s0+$0x8F00] =	vst v0  }
0x2b: {  	[tilespmem:s0+$0x8F10] =	vst v0  }
0x2c: {  	[tilespmem:s0+$0x8F20] =	vst v0  }
0x2d: {  	[tilespmem:s0+$0x8F30] =	vst v0  }
0x2e: {  	[tilespmem:s0+$0x8F40] =	vst v0  }
0x2f: {  	[tilespmem:s0+$0x8F50] =	vst v0  }
0x30: {  	[tilespmem:s0+$0x8F60] =	vst v0;
	s24 =	simm.s32 $0x4  }
0x31: {  	[tilespmem:s3], [sflag:$0x4] =	stream.linear.gather [hbm4b:s5+s3], $0x40, $0x38;
	[tilespmem:$0x1EF00] =	vst v63  }
0x32: {  	_ =	swait.ge [sflag:s24], $0x40  }
0x33: {  	[sflag:s24] =	ssyncset.done $0x0  }
0x34: {  	s6 =	simm.s32 $0x200;
	s15 =	rddreg [dreg:$0x4];
	[sflag:s24] =	ssyncadd.s32 $0xFFFFFFC0  }
0x35: {  	[tilespmem:s6], [sflag:$0x4] =	stream.linear.gather [hbm4b:s15+s3], $0x40, $0x38;
	[tilespmem:$0x1EF00] =	vst v63  }
0x36: {  	_ =	swait.ge [sflag:s24], $0x40  }
0x37: {  	[sflag:s24] =	ssyncset.done $0x0  }
0x38: {  	s9 =	simm.s32 $0x80;
	s21 =	rddreg [dreg:$0x5];
	[sflag:s24] =	ssyncadd.s32 $0xFFFFFFC0  }
0x39: {  	[tilespmem:s9], [sflag:$0x4] =	stream.linear.gather [hbm4b:s21+s3], $0x40, $0x38;
	[tilespmem:$0x1EF00] =	vst v63  }
0x3a: {  	_ =	swait.ge [sflag:s24], $0x40  }
0x3b: {  	[sflag:s24] =	ssyncset.done $0x0  }
0x3c: {  	s23 =	simm.s32 $0x280;
	s22 =	rddreg [dreg:$0x6];
	[sflag:s24] =	ssyncadd.s32 $0xFFFFFFC0  }
0x3d: {  	[tilespmem:s23], [sflag:$0x4] =	stream.linear.gather [hbm4b:s22+s3], $0x40, $0x38;
	[tilespmem:$0x1EF00] =	vst v63  }
0x3e: {  	_ =	swait.ge [sflag:s24], $0x40  }
0x3f: {  	[sflag:s24] =	ssyncset.done $0x0  }
0x40: {  	s11 =	simm.s32 $0x100;
	s25 =	rddreg [dreg:$0x7];
	[sflag:s24] =	ssyncadd.s32 $0xFFFFFFC0  }
0x41: {  	[tilespmem:s11], [sflag:$0x4] =	stream.linear.gather [hbm4b:s25+s3], $0x40, $0x38;
	[tilespmem:$0x1EF00] =	vst v63  }
0x42: {  	_ =	swait.ge [sflag:s24], $0x40  }
0x43: {  	[sflag:s24] =	ssyncset.done $0x0  }
0x44: {  	s15 =	simm.s32 $0x300;
	s26 =	rddreg [dreg:$0x8];
	[sflag:s24] =	ssyncadd.s32 $0xFFFFFFC0  }
0x45: {  	[tilespmem:s15], [sflag:$0x4] =	stream.linear.gather [hbm4b:s26+s3], $0x40, $0x38;
	[tilespmem:$0x1EF00] =	vst v63  }
0x46: {  	_ =	swait.ge [sflag:s24], $0x40  }
0x47: {  	[sflag:s24] =	ssyncset.done $0x0  }
0x48: {  	[sflag:s24] =	ssyncadd.s32 $0xFFFFFFC0  }
0x49: {  	[spmem:s10] =	stream.linear.scatter [tilespmem:s7], [sflag:$0x4], $0x2000, $0x38;
	[tilespmem:$0x1EF00] =	vst v63  }
0x4a: {  	_ =	swait.ge [sflag:s24], $0x2000  }
0x4b: {  	[sflag:s24] =	ssyncset.done $0x0  }
0x4c: {  	s15 =	rddreg [dreg:$0x9];
	[sflag:s24] =	ssyncadd.s32 $0xFFFFE000  }
0x4d: {  	[spmem:s15] =	stream.linear.scatter [tilespmem:s7], [sflag:$0x4], $0x2000, $0x38;
	[tilespmem:$0x1EF00] =	vst v63  }
0x4e: {  	_ =	swait.ge [sflag:s24], $0x2000  }
0x4f: {  	[sflag:s24] =	ssyncset.done $0x0  }
0x50: {  	s21 =	rddreg [dreg:$0xa];
	[sflag:s24] =	ssyncadd.s32 $0xFFFFE000  }
0x51: {  	[spmem:s21] =	stream.linear.scatter [tilespmem:s7], [sflag:$0x4], $0x2000, $0x38;
	[tilespmem:$0x1EF00] =	vst v63  }
0x52: {  	_ =	swait.ge [sflag:s24], $0x2000  }
0x53: {  	[sflag:s24] =	ssyncset.done $0x0  }
0x54: {  	s22 =	rddreg [dreg:$0xb];
	[sflag:s24] =	ssyncadd.s32 $0xFFFFE000  }
0x55: {  	[spmem:s22] =	stream.linear.scatter [tilespmem:s7], [sflag:$0x4], $0x2000, $0x38;
	[tilespmem:$0x1EF00] =	vst v63  }
0x56: {  	_ =	swait.ge [sflag:s24], $0x2000  }
0x57: {  	[sflag:s24] =	ssyncset.done $0x0  }
0x58: {  	s25 =	rddreg [dreg:$0xc];
	[sflag:s24] =	ssyncadd.s32 $0xFFFFE000  }
0x59: {  	[spmem:s25] =	stream.linear.scatter [tilespmem:s7], [sflag:$0x4], $0x2000, $0x38;
	[tilespmem:$0x1EF00] =	vst v63  }
0x5a: {  	_ =	swait.ge [sflag:s24], $0x2000  }
0x5b: {  	[sflag:s24] =	ssyncset.done $0x0  }
0x5c: {  	s26 =	rddreg [dreg:$0xd];
	[sflag:s24] =	ssyncadd.s32 $0xFFFFE000  }
0x5d: {  	[spmem:s26] =	stream.linear.scatter [tilespmem:s7], [sflag:$0x4], $0x2000, $0x38;
	[tilespmem:$0x1EF00] =	vst v63  }
0x5e: {  	_ =	swait.ge [sflag:s24], $0x2000  }
0x5f: {  	[sflag:s24] =	ssyncset.done $0x0  }
0x60: {  	s15 =	rddreg [dreg:$0xe];
	[sflag:s24] =	ssyncadd.s32 $0xFFFFE000  }
0x61: {  	[spmem:s15] =	stream.linear.scatter [tilespmem:s7], [sflag:$0x4], $0x2000, $0x38;
	[tilespmem:$0x1EF00] =	vst v63  }
0x62: {  	_ =	swait.ge [sflag:s24], $0x2000  }
0x63: {  	[sflag:s24] =	ssyncset.done $0x0  }
0x64: {  	s21 =	rddreg [dreg:$0xf];
	[sflag:s24] =	ssyncadd.s32 $0xFFFFE000  }
0x65: {  	[spmem:s21] =	stream.linear.scatter [tilespmem:s7], [sflag:$0x4], $0x2000, $0x38;
	[tilespmem:$0x1EF00] =	vst v63  }
0x66: {  	_ =	swait.ge [sflag:s24], $0x2000  }
0x67: {  	[sflag:s24] =	ssyncset.done $0x0  }
0x68: {  	s22 =	rddreg [dreg:$0x10];
	[sflag:s24] =	ssyncadd.s32 $0xFFFFE000  }
0x69: {  	[spmem:s22] =	stream.linear.scatter [tilespmem:s7], [sflag:$0x4], $0x2000, $0x38;
	[tilespmem:$0x1EF00] =	vst v63  }
0x6a: {  	_ =	swait.ge [sflag:s24], $0x2000  }
0x6b: {  	[sflag:s24] =	ssyncset.done $0x0  }
0x6c: {  	s25 =	rddreg [dreg:$0x11];
	[sflag:s24] =	ssyncadd.s32 $0xFFFFE000  }
0x6d: {  	[spmem:s25] =	stream.linear.scatter [tilespmem:s7], [sflag:$0x4], $0x2000, $0x38;
	[tilespmem:$0x1EF00] =	vst v63  }
0x6e: {  	_ =	swait.ge [sflag:s24], $0x2000  }
0x6f: {  	[sflag:s24] =	ssyncset.done $0x0  }
0x70: {  	[sflag:s24] =	ssyncadd.s32 $0xFFFFE000  }
0x71: {  	s15 =	simm.s32 $0x700;
	[bflag:$0x0] =	sbarrier.arrive $0xFFFF  }
0x72: {  	[tilespmem:s15], [sflag:$0x1] =	stream.indirect.gather [hbm4b:s4+s8], $0x80, s3, s8, $0xb8;
	[tilespmem:$0x1EF00] =	vst v63  }
0x73: {  	s26 =	simm.s32 $0x2700  }
0x74: {  	[tilespmem:s26], [sflag:$0x1] =	stream.indirect.gather [hbm4b:s4+s8], $0x80, s9, s8, $0xb8;
	[tilespmem:$0x1EF00] =	vst v63  }
0x75: {  	s9 =	simm.s32 $0x4700  }
0x76: {  	[tilespmem:s9], [sflag:$0x1] =	stream.indirect.gather [hbm4b:s4+s8], $0x80, s11, s8, $0xb8;
	[tilespmem:$0x1EF00] =	vst v63  }
0x77: {  	s22 =	simm.s32 $0x180;
	s21 =	rddreg [dreg:$0x12]  }
0x78: {  	[tilespmem:s22], [sflag:$0x2] =	stream.linear.gather [hbm4b:s21+s3], $0x40, $0x38;
	[tilespmem:$0x1EF00] =	vst v63  }
0x79: {  	s25 =	rddreg [dreg:$0x15];
	s26 =	simm.s32 $0x380  }
0x7a: {  	[tilespmem:s26], [sflag:$0x2] =	stream.linear.gather [hbm4b:s25+s3], $0x40, $0x38;
	[tilespmem:$0x1EF00] =	vst v63  }
0x7b: {  	_ =	swait.ge [sflag:s12], $0x2000  }
0x7c: {  	[sflag:s12] =	ssyncset.done $0x0  }
0x7d: {  	[sflag:s12] =	ssyncadd.s32 $0xFFFFE000  }
0x7e: {  	[spmem:s2] =	stream.indirect.scatter.add.f32 [tilespmem:s15], [sflag:$0x3], $0x80, s6, s8, $0xb8;
	[tilespmem:$0x1EF00] =	vst v63  }
0x7f: {  	_ =	swait.ge [sflag:s13], $0x40  }
0x80: {  	[sflag:s13] =	ssyncset.done $0x0  }
0x81: {  	[sflag:s13] =	ssyncadd.s32 $0xFFFFFFC0  }
0x82: {  	_ =	swait.ge [sflag:s13], $0x40  }
0x83: {  	[sflag:s13] =	ssyncset.done $0x0  }
0x84: {  	p0 =	por $0x0, $0x0;
	s6 =	simm.s32 $0x6700;
	[sflag:s13] =	ssyncadd.s32 $0xFFFFFFC0  }
0x85: {  	[tilespmem:s6], [sflag:$0x1] =	stream.indirect.gather [hbm4b:s4+s8], $0x80, s22, s8, $0xb8;
	[tilespmem:$0x1EF00] =	vst v63  }
0x86: {  	p1 =	por @!p0 $0x0, $0x0;
	s21 =	simm.s32 $0x1;
	s9 =	rddreg [dreg:$0x18]  }
0x87: {  	[tilespmem:s3], [sflag:$0x2] =	stream.linear.gather [hbm4b:s9+s3], $0x40, $0x38;
	[tilespmem:$0x1EF00] =	vst v63  }
0x88: {  	s15 =	simm.s32 $0x400;
	s11 =	rddreg [dreg:$0x19];
	s22 =	simm.s32 $0x80  }
0x89: {  	[tilespmem:s15], [sflag:$0x2] =	stream.linear.gather [hbm4b:s11+s3], $0x40, $0x38;
	[tilespmem:$0x1EF00] =	vst v63  }
0x8a: {  	s25 =	sand.u32 $0x380, s22;
	s9 =	sand.u32 $0x3, s21;
	_ =	swait.ge [sflag:s12], $0x2000  }
0x8b: {  	s0 =	sadd.s32 $0x200, s25;
	s26 =	sshll.u32 s9, $0xD;
	[sflag:s12] =	ssyncset.done $0x0  }
0x8c: {  	s21 =	simm.s32 @!p0 $0x3;
	s6 =	sor.u32 $0x700, s26;
	[sflag:s12] =	ssyncadd.s32 $0xFFFFE000  }
0x8d: {  	[spmem:s2] =	stream.indirect.scatter.add.f32 [tilespmem:s6], [sflag:$0x3], $0x80, s0, s8, $0xb8;
	[tilespmem:$0x1EF00] =	vst v63  }
0x8e: {  	p1 =	por p1, p0;
	_ =	swait.ge @!p0 [sflag:s21], $0x2000  }
0x8f: {  	s30 =	simm.s32 @!p1 $0x0;
	s22 =	simm.s32 @!p0 $0x2;
	[sflag:s21] =	ssyncset.done @!p0 $0x0  }
0x90: {  	s25 =	simm.s32 $0x300;
	s31 =	sshll.u32 @!p1 s9, $0x7;
	[sflag:s21] =	ssyncadd.s32 @!p0 $0xFFFFE000  }
0x91: {  	s9 =	sand.u32 @!p1 $0x380, s23;
	s23 =	sadd.s32 $0x8, s29;
	_ =	swait.ge @!p0 [sflag:s22], $0x40  }
0x92: {  	s9 =	sadd.s32 @!p1 $0x200, s9;
	s26 =	simm.s32 $0x5;
	[sflag:s22] =	ssyncset.done @!p0 $0x0  }
0x93: {  	s0 =	sand.u32 @!p0 $0x3, s24;
	s24 =	sadd.s32 $0x8, s1;
	[sflag:s22] =	ssyncadd.s32 @!p0 $0xFFFFFFC0  }
0x94: {  	s6 =	sshll.u32 @!p0 s0, $0xD;
	s0 =	sshll.u32 @!p0 s0, $0x7;
	_ =	swait.ge @!p0 [sflag:s22], $0x40  }
0x95: {  	s28 =	sor.u32 @!p0 $0x700, s6;
	s6 =	simm.s32 @!p0 $0x40;
	[sflag:s22] =	ssyncset.done @!p0 $0x0  }
0x96: {  	s21 =	smov.u32 s29;
	[sflag:s22] =	ssyncadd.s32 @!p0 $0xFFFFFFC0;
	s22 =	smov.u32 s1  }
.LBB2_4:
0x97: {  	[tilespmem:s28], [sflag:$0x1] =	stream.indirect.gather @!p0 [hbm4b:s4+s6], $0x80, s0, s6, $0xb8;
	[tilespmem:$0x1EF00] =	vst v63  }
0x98: {  	s11 =	smov.u32 s25  }
0x99: {  	s0 =	sadd.s32 $0xFFFFFFFD, s26;
	s25 =	sadd.s32 $0x80, s25;
	s6 =	sadd.s32 $0xFFFFFE00, s11  }
0x9a: {  	[tilespmem:s31], [sflag:$0x2] =	stream.linear.gather @!p1 [hbm4b:s21+s30], $0x40, $0x38;
	[tilespmem:$0x1EF00] =	vst v63  }
0x9b: {  	p0 =	sgt.u32 s0, $0x98;
	s31 =	sand.u32 $0x3, s0;
	s6 =	sand.u32 $0x380, s6  }
0x9c: {  	[tilespmem:s9], [sflag:$0x2] =	stream.linear.gather @!p1 [hbm4b:s22+s30], $0x40, $0x38;
	[tilespmem:$0x1EF00] =	vst v63  }
0x9d: {  	s21 =	sand.u32 @!p0 $0x3, s26;
	s9 =	sshll.u32 s31, $0xD;
	_ =	swait.ge [sflag:s12], $0x2000  }
0x9e: {  	s0 =	sshll.u32 @!p0 s21, $0x7;
	s21 =	sshll.u32 @!p0 s21, $0xD;
	[sflag:s12] =	ssyncset.done $0x0  }
0x9f: {  	s6 =	sadd.s32 $0x200, s6;
	s30 =	simm.s32 @!p0 $0x3;
	[sflag:s12] =	ssyncadd.s32 $0xFFFFE000  }
0xa0: {  	s15 =	simm.s32 @!p0 $0x2;
	s28 =	sor.u32 @!p0 $0x700, s21;
	s9 =	sor.u32 $0x700, s9  }
0xa1: {  	[spmem:s2] =	stream.indirect.scatter.add.f32 [tilespmem:s9], [sflag:$0x3], $0x80, s6, s8, $0xb8;
	[tilespmem:$0x1EF00] =	vst v63  }
0xa2: {  	p2 =	sne.s32 s25, $0x5000;
	s22 =	smov.u32 s24;
	_ =	swait.ge @!p0 [sflag:s30], $0x2000  }
0xa3: {  	s21 =	smov.u32 s23;
	[sflag:s30] =	ssyncset.done @!p0 $0x0  }
0xa4: {  	[sflag:s30] =	ssyncadd.s32 @!p0 $0xFFFFE000  }
0xa5: {  	p1 =	seq.s32 @!p0 s11, $0x4E00;
	_ =	swait.ge @!p0 [sflag:s15], $0x40  }
.Ltmp1:
0xa6: {  	s6 =	simm.s32 @!p0 $0x40;
	[sflag:s15] =	ssyncset.done @!p0 $0x0;
	(pc) =	sbr.rel @p2 .LBB2_4-.Ltmp1, $4  }
0xa7: {  	s24 =	sadd.s32 $0x8, s24;
	p1 =	por p1, p0;
	[sflag:s15] =	ssyncadd.s32 @!p0 $0xFFFFFFC0  }
0xa8: {  	s31 =	sshll.u32 @!p1 s31, $0x7;
	s30 =	simm.s32 @!p1 $0x0;
	_ =	swait.ge @!p0 [sflag:s15], $0x40  }
0xa9: {  	s23 =	sadd.s32 $0x8, s23;
	s9 =	sand.u32 @!p1 $0x380, s11;
	[sflag:s15] =	ssyncset.done @!p0 $0x0  }
0xaa: {  	s26 =	sadd.s32 $0x1, s26;
	s9 =	sadd.s32 @!p1 $0x200, s9;
	[sflag:s15] =	ssyncadd.s32 @!p0 $0xFFFFFFC0  }
0xab: {  	[tilespmem:s28], [sflag:$0x1] =	stream.indirect.gather @!p0 [hbm4b:s4+s6], $0x80, s0, s6, $0xb8;
	[tilespmem:$0x1EF00] =	vst v63  }
0xac: {  	_ = 	snop  }
0xad: {  	[tilespmem:s31], [sflag:$0x2] =	stream.linear.gather @!p1 [hbm4b:s21+s30], $0x40, $0x38;
	[tilespmem:$0x1EF00] =	vst v63  }
0xae: {  	_ = 	snop  }
0xaf: {  	[tilespmem:s9], [sflag:$0x2] =	stream.linear.gather @!p1 [hbm4b:s22+s30], $0x40, $0x38;
	[tilespmem:$0x1EF00] =	vst v63  }
0xb0: {  	_ =	swait.ge [sflag:s14], $0x2000  }
0xb1: {  	[sflag:s14] =	ssyncset.done $0x0  }
0xb2: {  	[sflag:s14] =	ssyncadd.s32 $0xFFFFE000  }
0xb3: {  	_ =	swait.ge [sflag:s14], $0x2000  }
0xb4: {  	[sflag:s14] =	ssyncset.done $0x0  }
0xb5: {  	[sflag:s14] =	ssyncadd.s32 $0xFFFFE000  }
0xb6: {  	_ =	swait.ge [sflag:s14], $0x2000  }
0xb7: {  	[sflag:s14] =	ssyncset.done $0x0  }
0xb8: {  	[sflag:s14] =	ssyncadd.s32 $0xFFFFE000  }
0xb9: {  	_ =	swait.ge [sflag:s14], $0x2000  }
0xba: {  	[sflag:s14] =	ssyncset.done $0x0  }
0xbb: {  	s24 =	simm.s32 $0x600;
	s23 =	rddreg [dreg:$0x16];
	[sflag:s14] =	ssyncadd.s32 $0xFFFFE000  }
0xbc: {  	[tilespmem:s24], [sflag:$0x4] =	stream.linear.gather [hbm4b:s23+s3], $0x10, $0x38;
	[tilespmem:$0x1EF00] =	vst v63  }
0xbd: {  	_ =	swait.ge [sflag:s16], $0x10  }
0xbe: {  	[sflag:s16] =	ssyncset.done $0x0  }
0xbf: {  	s25 =	rddreg [dreg:$0x17];
	[sflag:s16] =	ssyncadd.s32 $0xFFFFFFF0  }
0xc0: {  	[tilespmem:s17], [sflag:$0x4] =	stream.linear.gather [hbm4b:s25+s3], $0x10, $0x38;
	[tilespmem:$0x1EF00] =	vst v63  }
0xc1: {  	_ =	swait.ge [sflag:s16], $0x10  }
0xc2: {  	[sflag:s16] =	ssyncset.done $0x0  }
0xc3: {  	[sflag:s16] =	ssyncadd.s32 $0xFFFFFFF0  }
0xc4: {  	[tilespmem:s19], [sflag:$0x1] =	stream.indirect.gather [hbm4b:s4+s18], $0x80, s24, s18, $0xb8;
	[tilespmem:$0x1EF00] =	vst v63  }
0xc5: {  	_ =	swait.ge [sflag:s12], $0x800  }
0xc6: {  	[sflag:s12] =	ssyncset.done $0x0  }
0xc7: {  	[sflag:s12] =	ssyncadd.s32 $0xFFFFF800  }
0xc8: {  	[spmem:s2] =	stream.indirect.scatter.add.f32 [tilespmem:s19], [sflag:$0x4], $0x80, s17, s18, $0xb8;
	[tilespmem:$0x1EF00] =	vst v63  }
0xc9: {  	_ =	swait.ge [sflag:s16], $0x800  }
0xca: {  	[sflag:s16] =	ssyncset.done $0x0  }
0xcb: {  	s26 =	stileid.u32;
	[sflag:s16] =	ssyncadd.s32 $0xFFFFF800  }
0xcc: {  	s0 =	sshll.u32 s26, $0x6;
	[bflag:$0x0] =	sbarrier.arrive $0xFFFF  }
0xcd: {  	s28 =	sshrl.u32 s10, $0x3;
	s0 =	sor.u32 $0x1C04, s0;
	s30 =	rddreg [dreg:$0x13]  }
0xce: {  	[hbm:s30], [sflag:s0] =	dma.local [spmem:s28], $0x2800  }
0xcf: {  	_ =	swait.ge [sflag:s16], $0x2800  }
0xd0: {  	s20 =	sadd.s32 $0x1, s20;
	s31 =	rddreg [dreg:$0x14]  }
0xd1: {  	p0 =	sne.s32 s20, s31  }
.Ltmp2:
0xd2: {  	_ = 	snop;
	(pc) =	sbr.rel @p0 .LBB2_1-.Ltmp2, $3  }
0xd3: {  	_ =	sdelay $0x1  }
0xd4: {  	[sflag:s16] =	ssyncset.done $0x0  }
0xd5: {  	[sflag:s16] =	ssyncadd.s32 $0xFFFFD800  }
0xd6: {  	_ =	sfence.sel $0x180000  }
0xd7: {  	[bflag:$0x0] =	sbarrier.arrive $0xFFFF  }
0xd8: {  	_ =	strace $0x9000004A  }
0xd9: {  	s0 =	stileid.u32;
	[bflag:$0x2] =	sbarrier.arrive $0xFFFF  }
0xda: {  	p0 =	sne.s32 s0, $0x0;
	s0 =	rddreg [dreg:$0x3]  }
0xdb: {  	s0 =	sadd.s32 @!p0 $0x100000, s0  }
0xdc: {  	[sflag:s0] =	ssyncadd.tile.s32 @!p0 $0x1;
	_ =	shalt  }
.Lfunc_end2:
_tile_overlayer_lowered:
.L_overlay_start_2:
0xdd: {  	(tag) =	ssettag $0x2  }
0xde: {  	s0 =	rddreg [dreg:$0x0];
	s2 =	stileid.u32  }
0xdf: {  	s1 =	rddreg [dreg:$0x1];
	p0 =	sne.s32 s2, $0x0  }
0xe0: {  	s3 =	rddreg [dreg:$0x2];
	[bflag:$0x3] =	sbarrier.arrive $0xFFFF;
	s2 =	simm.s32 @!p0 $0x1C04  }
0xe1: {  	[timem:s3], [sflag:s2] =	dma.local @!p0 [hbm:s0], s1  }
0xe2: {  	s0 =	simm.s32 @!p0 $0x4  }
0xe3: {  	_ =	swait.ge @!p0 [sflag:s0], s1  }
0xe4: {  	s1 =	ssub.s32 @!p0 $0x0, s1;
	[sflag:s0] =	ssyncset.done @!p0 $0x0  }
0xe5: {  	[sflag:s0] =	ssyncadd.s32 @!p0 s1  }
0xe6: {  	[bflag:$0x3] =	sbarrier.arrive $0xFFFF  }
0xe7: {  	_ =	shalt  }

// kernel: kernel.15.cloned.1.call-start
scs
__scs_entry_jumppad:
0x0: {  	(pc) =	sbr.rel $0x88, $3  }
0x1: {  	(tag) =	ssettag $0x0;
	lr =	simm.s32 $0x1  }
0x2: {  	[smem:$0x3F96] =	sst lr;
	_ =	strace $0xD0000000  }
0x3: {  	_ = 	snop  }
0x4: {  	_ = 	snop  }
0x5: {  	_ = 	snop  }
0x6: {  	_ = 	snop  }
0x7: {  	_ = 	snop  }
__scs_overlays_trampoline_lowered:
0x8: {  	[smem:$0x3FA5] =	sst s0  }
0x9: {  	[smem:$0x3FA6] =	sst s1  }
0xa: {  	[smem:$0x3FA7] =	sst s2  }
0xb: {  	[smem:$0x3FA8] =	sst s3  }
0xc: {  	[smem:$0x3FA9] =	sst s4  }
0xd: {  	[smem:$0x3FAA] =	sst s5  }
0xe: {  	[smem:$0x3FAB] =	sst s6  }
0xf: {  	[smem:$0x3FAC] =	sst s7  }
0x10: {  	[smem:$0x3FAD] =	sst s8  }
0x11: {  	[smem:$0x3FAE] =	sst s9;
	s0 =	simm.s32 @!p0 $0x0  }
0x12: {  	s1 =	sld [smem:$0x3F94];
	s0 =	simm.s32 @p0 $0x1  }
0x13: {  	[smem:$0x3FAF] =	sst s0;
	s0 =	simm.s32 @!p1 $0x0  }
0x14: {  	s2 =	sld [smem:$0x3F93];
	s0 =	simm.s32 @p1 $0x1  }
0x15: {  	[smem:$0x3FB0] =	sst s0;
	s0 =	simm.s32 @!p2 $0x0  }
0x16: {  	s3 =	sld [smem:$0x3FDB];
	s0 =	simm.s32 @p2 $0x1  }
0x17: {  	s4 =	simm.s32 $0x1BF5;
	[smem:$0x3FB2] =	sst s0  }
0x18: {  	s0 =	sld [smem:$0x3F95];
	_ =	swait.ge [sflag:s4], $0x0  }
0x19: {  	s7 =	sld [smem:$0x3F96]  }
0x1a: {  	s8 =	sadd.s32 $0xFFFFE003, lr  }
0x1b: {  	s9 =	sadd.s32 $0xFFFFFEF7, lr;
	s5 =	simm.s32 $0xFFFFFFFF;
	p2 =	slt.u32 s8, $0xFFFFF086  }
0x1c: {  	p1 =	slt.u32 s9, $0xF7A;
	s5 =	simm.s32 @!p2 $0x0  }
0x1d: {  	s5 =	simm.s32 @p1 $0x1;
	p0 =	seq.s32 s7, s2  }
0x1e: {  	s7 =	smul.u32 @!p0 $0xF7A, s2;
	p2 =	seq.s32 @!p0 s5, $0x0  }
0x1f: {  	s9 =	smul.u32 $0xF7A, s1;
	s8 =	simm.s32 @!p0 $0x1BF5;
	p2 =	por !p2, p0  }
0x20: {  	[sflag:s8] =	ssyncset.s32 @!p0 $0xFFFFF086;
	s6 =	sadd.s32 @!p0 s3, s7;
	s7 =	simm.s32 @!p0 $0x108  }
0x21: {  	s3 =	sadd.s32 s3, s9;
	s6 =	sadd.s32 @!p0 $0x88, s6;
	s7 =	simm.s32 @p2 $0x1082  }
0x22: {  	[simem:s7], [sflag:s8] =	dma.local @!p0 [hbm:s6], $0xF7A  }
0x23: {  	s9 =	sor.u32 $0xD0000000, s2;
	s6 =	simm.s32 $0x108;
	_ =	swait.ge @!p0 [sflag:s8], $0x0  }
0x24: {  	s3 =	sadd.s32 $0x88, s3;
	s6 =	simm.s32 @!p1 $0x1082;
	[sflag:s4] =	ssyncset.s32 $0xFFFFF086  }
0x25: {  	[simem:s6], [sflag:s4] =	dma.local [hbm:s3], $0xF7A  }
0x26: {  	[smem:$0x3F96] =	sst s1;
	(tag) =	ssettag s2;
	_ =	strace s9  }
0x27: {  	s1 =	sld [smem:$0x3FA6]  }
0x28: {  	s2 =	sld [smem:$0x3FA7]  }
0x29: {  	s4 =	sld [smem:$0x3FA9]  }
0x2a: {  	p0 =	seq.s32 s5, $0x0;
	s5 =	sld [smem:$0x3FAA]  }
0x2b: {  	s6 =	sld [smem:$0x3FAB]  }
0x2c: {  	s7 =	sld [smem:$0x3FAC]  }
0x2d: {  	s3 =	simm.s32 $0x108;
	s8 =	sld [smem:$0x3FAD]  }
0x2e: {  	s3 =	simm.s32 @!p0 $0x1082;
	s9 =	sld [smem:$0x3FAE]  }
0x2f: {  	lr =	sadd.s32 s0, s3;
	s0 =	sld [smem:$0x3FA5]  }
0x30: {  	s3 =	sld [smem:$0x3FA8]  }
0x31: {  	[smem:$0x3FB1] =	sst s10  }
0x32: {  	s10 =	sld [smem:$0x3FAF];
	_ =	sdelay $0x3  }
0x33: {  	p0 =	seq.s32 s10, $0x1;
	s10 =	sld [smem:$0x3FB1];
	_ =	sdelay $0x3  }
0x34: {  	[smem:$0x3FB1] =	sst s10  }
0x35: {  	s10 =	sld [smem:$0x3FB0];
	_ =	sdelay $0x3  }
0x36: {  	p1 =	seq.s32 s10, $0x1;
	s10 =	sld [smem:$0x3FB1];
	_ =	sdelay $0x3  }
0x37: {  	[smem:$0x3FB1] =	sst s10  }
0x38: {  	s10 =	sld [smem:$0x3FB2]  }
0x39: {  	_ = 	snop;
	(pc) =	sbr.ind lr, $3  }
0x3a: {  	_ = 	snop  }
0x3b: {  	_ = 	snop  }
0x3c: {  	p2 =	seq.s32 s10, $0x1;
	s10 =	sld [smem:$0x3FB1]  }
0x3d: {  	_ =	shalt  }
0x3e: {  	_ =	shalt  }
0x3f: {  	_ =	shalt  }
0x40: {  	_ =	shalt  }
0x41: {  	_ =	shalt  }
0x42: {  	_ =	shalt  }
0x43: {  	_ =	shalt  }
0x44: {  	_ =	shalt  }
0x45: {  	_ =	shalt  }
0x46: {  	_ =	shalt  }
0x47: {  	_ =	shalt  }
0x48: {  	_ =	shalt  }
0x49: {  	_ =	shalt  }
0x4a: {  	_ =	shalt  }
0x4b: {  	_ =	shalt  }
0x4c: {  	_ =	shalt  }
0x4d: {  	_ =	shalt  }
0x4e: {  	_ =	shalt  }
0x4f: {  	_ =	shalt  }
0x50: {  	_ =	shalt  }
0x51: {  	_ =	shalt  }
0x52: {  	_ =	shalt  }
0x53: {  	_ =	shalt  }
0x54: {  	_ =	shalt  }
0x55: {  	_ =	shalt  }
0x56: {  	_ =	shalt  }
0x57: {  	_ =	shalt  }
0x58: {  	_ =	shalt  }
0x59: {  	_ =	shalt  }
0x5a: {  	_ =	shalt  }
0x5b: {  	_ =	shalt  }
0x5c: {  	_ =	shalt  }
0x5d: {  	_ =	shalt  }
0x5e: {  	_ =	shalt  }
0x5f: {  	_ =	shalt  }
0x60: {  	_ =	shalt  }
0x61: {  	_ =	shalt  }
0x62: {  	_ =	shalt  }
0x63: {  	_ =	shalt  }
0x64: {  	_ =	shalt  }
0x65: {  	_ =	shalt  }
0x66: {  	_ =	shalt  }
0x67: {  	_ =	shalt  }
0x68: {  	_ =	shalt  }
0x69: {  	_ =	shalt  }
0x6a: {  	_ =	shalt  }
0x6b: {  	_ =	shalt  }
0x6c: {  	_ =	shalt  }
0x6d: {  	_ =	shalt  }
0x6e: {  	_ =	shalt  }
0x6f: {  	_ =	shalt  }
0x70: {  	_ =	shalt  }
0x71: {  	_ =	shalt  }
0x72: {  	_ =	shalt  }
0x73: {  	_ =	shalt  }
0x74: {  	_ =	shalt  }
0x75: {  	_ =	shalt  }
0x76: {  	_ =	shalt  }
0x77: {  	_ =	shalt  }
0x78: {  	_ =	shalt  }
0x79: {  	_ =	shalt  }
0x7a: {  	_ =	shalt  }
0x7b: {  	_ =	shalt  }
0x7c: {  	_ =	shalt  }
0x7d: {  	_ =	shalt  }
0x7e: {  	_ =	shalt  }
0x7f: {  	_ =	shalt  }
0x80: {  	_ =	shalt  }
0x81: {  	_ =	shalt  }
0x82: {  	_ =	shalt  }
0x83: {  	_ =	shalt  }
0x84: {  	_ =	shalt  }
0x85: {  	_ =	shalt  }
0x86: {  	_ =	shalt  }
0x87: {  	_ =	shalt  }
.Lfunc_end0:
.L_simem_size_0:
called_computation.2_lowered:
.L_overlay_start_0:
0x88: {  	s2 =	sld [smem:$0x3FD9]  }
0x89: {  	s3 =	sld [smem:$0x3FFE];
	_ =	sdelay $0x1  }
0x8a: {  	s1 =	srdreg.scid  }
0x8b: {  	s0 =	sand.u32 $0x1, s1  }
0x8c: {  	s17 =	sshll.u32 s0, $0xA;
	s2 =	sadd.s32 s3, s2  }
0x8d: {  	s2 =	sadd.s32 s2, s17  }
0x8e: {  	[smem:$0x3FBD] =	sst s2  }
0x8f: {  	_ = 	snop  }
0x90: {  	s2 =	sld [smem:$0x3FD0];
	(tm) =	ssettm $0x1  }
0x91: {  	s18 =	sld [smem:$0x3FFB];
	_ =	sdelay $0x3  }
0x92: {  	_ =	strace s18  }
0x93: {  	s3 =	sld [smem:$0x3FFC];
	_ =	sdelay $0x3  }
0x94: {  	_ =	strace s3  }
0x95: {  	s3 =	sld [smem:$0x3FFD];
	_ =	sdelay $0x3  }
0x96: {  	_ =	strace s3  }
0x97: {  	_ =	strace $0x8FFFFFFF  }
0x98: {  	s19 =	sld [smem:$0x3FDB];
	_ =	sdelay $0x1  }
0x99: {  	s4 =	simm.s32 $_scs_section_size  }
0x9a: {  	s5 =	simm.s32 $_size__tile_overlayer_lowered;
	s6 =	simm.s32 $_tile_overlayer_lowered  }
0x9b: {  	s22 =	simm.s32 $0x1BFF;
	s21 =	sshll.u32 s6, $0x1;
	s3 =	sadd.s32 s4, s19  }
0x9c: {  	s7 =	simm.s32 $0x0;
	s20 =	sshll.u32 s5, $0x1;
	s5 =	sadd.s32 s21, s3  }
0x9d: {  	[timem:s7], [sflag:s22] =	dma.local [hbm:s5], s20  }
0x9e: {  	_ =	swait.ge [sflag:s22], s20  }
0x9f: {  	s4 =	ssub.s32 $0x0, s20;
	[sflag:s22] =	ssyncset.done $0x0  }
0xa0: {  	[sflag:s22] =	ssyncadd.s32 s4;
	_ =	sdelay $0x1  }
0xa1: {  	s23 =	simm.s32 $0x1B8B  }
0xa2: {  	_ =	swait.ge [sflag:s23], $0x1  }
0xa3: {  	[sflag:s23] =	ssyncset.done $0x0  }
0xa4: {  	s25 =	simm.s32 $0x1B8E;
	s24 =	sld [smem:$0x3FFE];
	[sflag:s23] =	ssyncadd.s32 $0xFFFFFFFF  }
0xa5: {  	s26 =	simm.s32 $execute0_lowered;
	[smem:$0x3FD2] =	sst s25  }
0xa6: {  	s5 =	sshll.u32 s26, $0x1;
	_ =	strace $0x8000004C;
	[dreg:$0x1] =	wrdreg $0xFFFFFFFF  }
0xa7: {  	s28 =	simm.s32 $_size_execute0_lowered;
	s3 =	sadd.s32 s3, s5;
	[dreg:$0x0] =	wrdreg $0x0  }
0xa8: {  	s5 =	sshll.u32 s28, $0x1;
	[dreg:$0x2] =	wrdreg s3  }
0xa9: {  	[dreg:$0x3] =	wrdreg s5  }
0xaa: {  	[dreg:$0x4] =	wrdreg $0xC0  }
0xab: {  	_ =	task [dreg:s7], $0x5FFFF  }
0xac: {  	[dreg:$0x1] =	wrdreg $0xFFFFFFFF  }
0xad: {  	[dreg:$0x0] =	wrdreg $0x60  }
0xae: {  	[dreg:$0x2] =	wrdreg s24  }
0xaf: {  	[dreg:$0x3] =	wrdreg s2  }
0xb0: {  	[dreg:$0x4] =	wrdreg $0xAF000  }
0xb1: {  	[dreg:$0x5] =	wrdreg $0x9  }
0xb2: {  	_ =	task.clear_ibuf [dreg:s7], $0x6FFFF;
	_ =	strace $0x9000004C  }
0xb3: {  	s29 =	simm.s32 $0x9;
	_ =	strace $0x8000004E  }
0xb4: {  	_ =	swait.ge [sflag:s29], $0x1  }
0xb5: {  	[sflag:s29] =	ssyncadd.s32 $0xFFFFFFFF  }
0xb6: {  	_ =	strace $0x9000004E  }
0xb7: {  	_ =	sfence  }
0xb8: {  	s30 =	sld [smem:$0x0];
	_ =	sdelay $0x2  }
0xb9: {  	s31 =	sshll.u32 s1, $0xD;
	s1 =	sshrl.u32 s1, $0x2  }
0xba: {  	s3 =	sand.u32 $0x4000, s31;
	s1 =	sadd.s32 s1, s30  }
0xbb: {  	s0 =	sor.u32 s3, s0;
	s1 =	sshll.u32 s1, $0x11  }
0xbc: {  	s0 =	sor.u32 s1, s0  }
0xbd: {  	s0 =	sadd.s32 $0x8F2B, s0  }
0xbe: {  	[sflag:s0] =	ssyncadd.remote.s32 $0x1  }
0xbf: {  	_ =	sfence.sel $0xFFFF  }
0xc0: {  	[dreg:$0x0] =	wrdreg $0xFFFFFFFF;
	(pc) =	sbr.abs _section_cstart, $3  }
0xc1: {  	[dreg:$0x1] =	wrdreg $0xFFFFFFFF  }
0xc2: {  	_ =	task.clear_ibuf [dreg:s7], $0x2FFFF;
	_ =	strace $0x9FFFFFFF  }
0xc3: {  	(tm) =	ssettm $0x7FFFFFFF  }
tec
execute0_lowered:
.L_overlay_start_1:
0x0: {  	(tag) =	ssettag $0x1  }
0x1: {  	s11 =	stileid.u32  }
0x2: {  	s0 =	rddreg [dreg:$0x0];
	s7 =	smul.u32 $0x14000, s11  }
0x3: {  	s3 =	srdreg.scid;
	s10 =	smul.u32 $0x50000, s11  }
0x4: {  	s1 =	rddreg [dreg:$0x1];
	s6 =	sand.u32 $0x1, s3;
	s13 =	smul.u32 $0x2710, s11  }
0x5: {  	s2 =	rddreg [dreg:$0x2];
	s3 =	simm.s32 $0x0;
	s5 =	smul.u32 $0x140000, s6  }
0x6: {  	s4 =	sshll.u32 s6, $0x4;
	[smem:$0x7FF] =	sst s3;
	s9 =	ssub.s32 $0x2, s6  }
0x7: {  	s6 =	smul.u32 $0x27100, s6;
	s4 =	sor.u32 s11, s4;
	s30 =	sshrl.u32 s10, $0x2  }
0x8: {  	_ =	strace $0x8000004D;
	s23 =	sshrl.u32 s9, $0x1;
	s10 =	sadd.s32 s30, s2  }
0x9: {  	s8 =	smul.u32 $0x2710, s4;
	s4 =	sadd.s32 $0x3000, s0;
	s12 =	sadd.s32 $0x2000, s10  }
0xa: {  	s5 =	sadd.s32 s7, s5;
	s14 =	sadd.s32 $0x4000, s10;
	[dreg:$0x9] =	wrdreg s12  }
0xb: {  	s24 =	ssub.s32 s9, s23;
	s15 =	sadd.s32 $0x6000, s10;
	[dreg:$0xa] =	wrdreg s14  }
0xc: {  	s6 =	sadd.s32 s13, s6;
	s16 =	sadd.s32 $0x8000, s10;
	[dreg:$0xb] =	wrdreg s15  }
0xd: {  	s13 =	simm.s32 $0x2;
	s17 =	sadd.s32 $0xA000, s10;
	[dreg:$0xc] =	wrdreg s16  }
0xe: {  	s7 =	sshrl.u32 s5, $0x3;
	s18 =	sadd.s32 $0xC000, s10;
	[dreg:$0xd] =	wrdreg s17  }
0xf: {  	s19 =	sadd.s32 $0xE000, s10;
	s20 =	sadd.s32 $0x140, s6;
	[dreg:$0xe] =	wrdreg s18  }
0x10: {  	s21 =	sadd.s32 $0x10000, s10;
	s24 =	smax.u32 s24, $0x1;
	[dreg:$0xf] =	wrdreg s19  }
0x11: {  	s22 =	sshrl.u32 s8, $0x3;
	s0 =	sadd.s32 s7, s0;
	[dreg:$0x10] =	wrdreg s21  }
0x12: {  	[dreg:$0x14] =	wrdreg s24;
	s5 =	sadd.s32 s1, s22;
	s22 =	sadd.s32 $0x12000, s10  }
0x13: {  	s6 =	sadd.s32 $0x4E340, s6;
	s0 =	sadd.s32 $0x2A200, s0;
	[dreg:$0x11] =	wrdreg s22  }
0x14: {  	s8 =	sshrl.u32 s20, $0x3;
	s25 =	sadd.s32 $0x9C40, s5;
	[dreg:$0x13] =	wrdreg s0  }
0x15: {  	s6 =	sshrl.u32 s6, $0x3;
	s26 =	sadd.s32 $0x8, s5;
	[dreg:$0x4] =	wrdreg s25  }
0x16: {  	s7 =	simm.s32 $0x8F00;
	s28 =	sadd.s32 $0x9C48, s5;
	[dreg:$0x5] =	wrdreg s26  }
0x17: {  	s12 =	simm.s32 $0x1;
	s31 =	sadd.s32 $0x10, s5;
	[dreg:$0x6] =	wrdreg s28  }
0x18: {  	s14 =	simm.s32 $0x3;
	s9 =	sadd.s32 $0x9C50, s5;
	[dreg:$0x7] =	wrdreg s31  }
0x19: {  	s16 =	simm.s32 $0x4;
	s23 =	sadd.s32 $0x18, s5;
	[dreg:$0x8] =	wrdreg s9  }
0x1a: {  	s17 =	simm.s32 $0x680;
	s30 =	sadd.s32 $0x20, s5;
	[dreg:$0x12] =	wrdreg s23  }
0x1b: {  	s18 =	simm.s32 $0x10;
	s25 =	sadd.s32 $0x9C58, s5;
	[dreg:$0x18] =	wrdreg s30  }
0x1c: {  	s19 =	simm.s32 $0x8700;
	s26 =	sadd.s32 $0x4E0, s5;
	[dreg:$0x15] =	wrdreg s25  }
0x1d: {  	s20 =	simm.s32 $0x0;
	s28 =	sadd.s32 $0xA120, s5;
	[dreg:$0x16] =	wrdreg s26  }
0x1e: {  	s29 =	sadd.s32 s8, s1;
	s31 =	sadd.s32 $0x9C60, s5;
	[dreg:$0x17] =	wrdreg s28  }
0x1f: {  	v0 =	vimm.f32 $0.0e+00;
	s1 =	sadd.s32 s6, s1;
	s8 =	simm.s32 $0x40;
	[dreg:$0x19] =	wrdreg s31  }
.LBB2_1:
0x20: {  	s0 =	simm.s32 $0x0;
	s6 =	simm.s32 $0x200  }
.LBB2_2:
0x21: {  	p0 =	sne.s32 s6, $0x7E00;
	[tilespmem:s0+$0x8F70] =	vst v0  }
0x22: {  	[tilespmem:s0+$0x8F00] =	vst v0  }
0x23: {  	[tilespmem:s0+$0x8F10] =	vst v0  }
.Ltmp0:
0x24: {  	[tilespmem:s0+$0x8F20] =	vst v0;
	(pc) =	sbr.rel @p0 .LBB2_2-.Ltmp0, $4  }
0x25: {  	[tilespmem:s0+$0x8F30] =	vst v0  }
0x26: {  	[tilespmem:s0+$0x8F40] =	vst v0  }
0x27: {  	[tilespmem:s0+$0x8F50] =	vst v0  }
0x28: {  	[tilespmem:s0+$0x8F60] =	vst v0;
	s0 =	sshra.s32 s6, $0x2;
	s6 =	sadd.s32 $0x200, s6  }
0x29: {  	[tilespmem:s0+$0x8F70] =	vst v0  }
0x2a: {  	[tilespmem:s0+$0x8F00] =	vst v0  }
0x2b: {  	[tilespmem:s0+$0x8F10] =	vst v0  }
0x2c: {  	[tilespmem:s0+$0x8F20] =	vst v0  }
0x2d: {  	[tilespmem:s0+$0x8F30] =	vst v0  }
0x2e: {  	[tilespmem:s0+$0x8F40] =	vst v0  }
0x2f: {  	[tilespmem:s0+$0x8F50] =	vst v0  }
0x30: {  	[tilespmem:s0+$0x8F60] =	vst v0;
	s24 =	simm.s32 $0x4  }
0x31: {  	[tilespmem:s3], [sflag:$0x4] =	stream.linear.gather [hbm4b:s5+s3], $0x40, $0x38;
	[tilespmem:$0x1EF00] =	vst v63  }
0x32: {  	_ =	swait.ge [sflag:s24], $0x40  }
0x33: {  	[sflag:s24] =	ssyncset.done $0x0  }
0x34: {  	s6 =	simm.s32 $0x200;
	s15 =	rddreg [dreg:$0x4];
	[sflag:s24] =	ssyncadd.s32 $0xFFFFFFC0  }
0x35: {  	[tilespmem:s6], [sflag:$0x4] =	stream.linear.gather [hbm4b:s15+s3], $0x40, $0x38;
	[tilespmem:$0x1EF00] =	vst v63  }
0x36: {  	_ =	swait.ge [sflag:s24], $0x40  }
0x37: {  	[sflag:s24] =	ssyncset.done $0x0  }
0x38: {  	s9 =	simm.s32 $0x80;
	s21 =	rddreg [dreg:$0x5];
	[sflag:s24] =	ssyncadd.s32 $0xFFFFFFC0  }
0x39: {  	[tilespmem:s9], [sflag:$0x4] =	stream.linear.gather [hbm4b:s21+s3], $0x40, $0x38;
	[tilespmem:$0x1EF00] =	vst v63  }
0x3a: {  	_ =	swait.ge [sflag:s24], $0x40  }
0x3b: {  	[sflag:s24] =	ssyncset.done $0x0  }
0x3c: {  	s23 =	simm.s32 $0x280;
	s22 =	rddreg [dreg:$0x6];
	[sflag:s24] =	ssyncadd.s32 $0xFFFFFFC0  }
0x3d: {  	[tilespmem:s23], [sflag:$0x4] =	stream.linear.gather [hbm4b:s22+s3], $0x40, $0x38;
	[tilespmem:$0x1EF00] =	vst v63  }
0x3e: {  	_ =	swait.ge [sflag:s24], $0x40  }
0x3f: {  	[sflag:s24] =	ssyncset.done $0x0  }
0x40: {  	s11 =	simm.s32 $0x100;
	s25 =	rddreg [dreg:$0x7];
	[sflag:s24] =	ssyncadd.s32 $0xFFFFFFC0  }
0x41: {  	[tilespmem:s11], [sflag:$0x4] =	stream.linear.gather [hbm4b:s25+s3], $0x40, $0x38;
	[tilespmem:$0x1EF00] =	vst v63  }
0x42: {  	_ =	swait.ge [sflag:s24], $0x40  }
0x43: {  	[sflag:s24] =	ssyncset.done $0x0  }
0x44: {  	s15 =	simm.s32 $0x300;
	s26 =	rddreg [dreg:$0x8];
	[sflag:s24] =	ssyncadd.s32 $0xFFFFFFC0  }
0x45: {  	[tilespmem:s15], [sflag:$0x4] =	stream.linear.gather [hbm4b:s26+s3], $0x40, $0x38;
	[tilespmem:$0x1EF00] =	vst v63  }
0x46: {  	_ =	swait.ge [sflag:s24], $0x40  }
0x47: {  	[sflag:s24] =	ssyncset.done $0x0  }
0x48: {  	[sflag:s24] =	ssyncadd.s32 $0xFFFFFFC0  }
0x49: {  	[spmem:s10] =	stream.linear.scatter [tilespmem:s7], [sflag:$0x4], $0x2000, $0x38;
	[tilespmem:$0x1EF00] =	vst v63  }
0x4a: {  	_ =	swait.ge [sflag:s24], $0x2000  }
0x4b: {  	[sflag:s24] =	ssyncset.done $0x0  }
0x4c: {  	s15 =	rddreg [dreg:$0x9];
	[sflag:s24] =	ssyncadd.s32 $0xFFFFE000  }
0x4d: {  	[spmem:s15] =	stream.linear.scatter [tilespmem:s7], [sflag:$0x4], $0x2000, $0x38;
	[tilespmem:$0x1EF00] =	vst v63  }
0x4e: {  	_ =	swait.ge [sflag:s24], $0x2000  }
0x4f: {  	[sflag:s24] =	ssyncset.done $0x0  }
0x50: {  	s21 =	rddreg [dreg:$0xa];
	[sflag:s24] =	ssyncadd.s32 $0xFFFFE000  }
0x51: {  	[spmem:s21] =	stream.linear.scatter [tilespmem:s7], [sflag:$0x4], $0x2000, $0x38;
	[tilespmem:$0x1EF00] =	vst v63  }
0x52: {  	_ =	swait.ge [sflag:s24], $0x2000  }
0x53: {  	[sflag:s24] =	ssyncset.done $0x0  }
0x54: {  	s22 =	rddreg [dreg:$0xb];
	[sflag:s24] =	ssyncadd.s32 $0xFFFFE000  }
0x55: {  	[spmem:s22] =	stream.linear.scatter [tilespmem:s7], [sflag:$0x4], $0x2000, $0x38;
	[tilespmem:$0x1EF00] =	vst v63  }
0x56: {  	_ =	swait.ge [sflag:s24], $0x2000  }
0x57: {  	[sflag:s24] =	ssyncset.done $0x0  }
0x58: {  	s25 =	rddreg [dreg:$0xc];
	[sflag:s24] =	ssyncadd.s32 $0xFFFFE000  }
0x59: {  	[spmem:s25] =	stream.linear.scatter [tilespmem:s7], [sflag:$0x4], $0x2000, $0x38;
	[tilespmem:$0x1EF00] =	vst v63  }
0x5a: {  	_ =	swait.ge [sflag:s24], $0x2000  }
0x5b: {  	[sflag:s24] =	ssyncset.done $0x0  }
0x5c: {  	s26 =	rddreg [dreg:$0xd];
	[sflag:s24] =	ssyncadd.s32 $0xFFFFE000  }
0x5d: {  	[spmem:s26] =	stream.linear.scatter [tilespmem:s7], [sflag:$0x4], $0x2000, $0x38;
	[tilespmem:$0x1EF00] =	vst v63  }
0x5e: {  	_ =	swait.ge [sflag:s24], $0x2000  }
0x5f: {  	[sflag:s24] =	ssyncset.done $0x0  }
0x60: {  	s15 =	rddreg [dreg:$0xe];
	[sflag:s24] =	ssyncadd.s32 $0xFFFFE000  }
0x61: {  	[spmem:s15] =	stream.linear.scatter [tilespmem:s7], [sflag:$0x4], $0x2000, $0x38;
	[tilespmem:$0x1EF00] =	vst v63  }
0x62: {  	_ =	swait.ge [sflag:s24], $0x2000  }
0x63: {  	[sflag:s24] =	ssyncset.done $0x0  }
0x64: {  	s21 =	rddreg [dreg:$0xf];
	[sflag:s24] =	ssyncadd.s32 $0xFFFFE000  }
0x65: {  	[spmem:s21] =	stream.linear.scatter [tilespmem:s7], [sflag:$0x4], $0x2000, $0x38;
	[tilespmem:$0x1EF00] =	vst v63  }
0x66: {  	_ =	swait.ge [sflag:s24], $0x2000  }
0x67: {  	[sflag:s24] =	ssyncset.done $0x0  }
0x68: {  	s22 =	rddreg [dreg:$0x10];
	[sflag:s24] =	ssyncadd.s32 $0xFFFFE000  }
0x69: {  	[spmem:s22] =	stream.linear.scatter [tilespmem:s7], [sflag:$0x4], $0x2000, $0x38;
	[tilespmem:$0x1EF00] =	vst v63  }
0x6a: {  	_ =	swait.ge [sflag:s24], $0x2000  }
0x6b: {  	[sflag:s24] =	ssyncset.done $0x0  }
0x6c: {  	s25 =	rddreg [dreg:$0x11];
	[sflag:s24] =	ssyncadd.s32 $0xFFFFE000  }
0x6d: {  	[spmem:s25] =	stream.linear.scatter [tilespmem:s7], [sflag:$0x4], $0x2000, $0x38;
	[tilespmem:$0x1EF00] =	vst v63  }
0x6e: {  	_ =	swait.ge [sflag:s24], $0x2000  }
0x6f: {  	[sflag:s24] =	ssyncset.done $0x0  }
0x70: {  	[sflag:s24] =	ssyncadd.s32 $0xFFFFE000  }
0x71: {  	s15 =	simm.s32 $0x700;
	[bflag:$0x0] =	sbarrier.arrive $0xFFFF  }
0x72: {  	[tilespmem:s15], [sflag:$0x1] =	stream.indirect.gather [hbm4b:s4+s8], $0x80, s3, s8, $0xb8;
	[tilespmem:$0x1EF00] =	vst v63  }
0x73: {  	s26 =	simm.s32 $0x2700  }
0x74: {  	[tilespmem:s26], [sflag:$0x1] =	stream.indirect.gather [hbm4b:s4+s8], $0x80, s9, s8, $0xb8;
	[tilespmem:$0x1EF00] =	vst v63  }
0x75: {  	s9 =	simm.s32 $0x4700  }
0x76: {  	[tilespmem:s9], [sflag:$0x1] =	stream.indirect.gather [hbm4b:s4+s8], $0x80, s11, s8, $0xb8;
	[tilespmem:$0x1EF00] =	vst v63  }
0x77: {  	s22 =	simm.s32 $0x180;
	s21 =	rddreg [dreg:$0x12]  }
0x78: {  	[tilespmem:s22], [sflag:$0x2] =	stream.linear.gather [hbm4b:s21+s3], $0x40, $0x38;
	[tilespmem:$0x1EF00] =	vst v63  }
0x79: {  	s25 =	rddreg [dreg:$0x15];
	s26 =	simm.s32 $0x380  }
0x7a: {  	[tilespmem:s26], [sflag:$0x2] =	stream.linear.gather [hbm4b:s25+s3], $0x40, $0x38;
	[tilespmem:$0x1EF00] =	vst v63  }
0x7b: {  	_ =	swait.ge [sflag:s12], $0x2000  }
0x7c: {  	[sflag:s12] =	ssyncset.done $0x0  }
0x7d: {  	[sflag:s12] =	ssyncadd.s32 $0xFFFFE000  }
0x7e: {  	[spmem:s2] =	stream.indirect.scatter.add.f32 [tilespmem:s15], [sflag:$0x3], $0x80, s6, s8, $0xb8;
	[tilespmem:$0x1EF00] =	vst v63  }
0x7f: {  	_ =	swait.ge [sflag:s13], $0x40  }
0x80: {  	[sflag:s13] =	ssyncset.done $0x0  }
0x81: {  	[sflag:s13] =	ssyncadd.s32 $0xFFFFFFC0  }
0x82: {  	_ =	swait.ge [sflag:s13], $0x40  }
0x83: {  	[sflag:s13] =	ssyncset.done $0x0  }
0x84: {  	p0 =	por $0x0, $0x0;
	s6 =	simm.s32 $0x6700;
	[sflag:s13] =	ssyncadd.s32 $0xFFFFFFC0  }
0x85: {  	[tilespmem:s6], [sflag:$0x1] =	stream.indirect.gather [hbm4b:s4+s8], $0x80, s22, s8, $0xb8;
	[tilespmem:$0x1EF00] =	vst v63  }
0x86: {  	p1 =	por @!p0 $0x0, $0x0;
	s21 =	simm.s32 $0x1;
	s9 =	rddreg [dreg:$0x18]  }
0x87: {  	[tilespmem:s3], [sflag:$0x2] =	stream.linear.gather [hbm4b:s9+s3], $0x40, $0x38;
	[tilespmem:$0x1EF00] =	vst v63  }
0x88: {  	s15 =	simm.s32 $0x400;
	s11 =	rddreg [dreg:$0x19];
	s22 =	simm.s32 $0x80  }
0x89: {  	[tilespmem:s15], [sflag:$0x2] =	stream.linear.gather [hbm4b:s11+s3], $0x40, $0x38;
	[tilespmem:$0x1EF00] =	vst v63  }
0x8a: {  	s25 =	sand.u32 $0x380, s22;
	s9 =	sand.u32 $0x3, s21;
	_ =	swait.ge [sflag:s12], $0x2000  }
0x8b: {  	s0 =	sadd.s32 $0x200, s25;
	s26 =	sshll.u32 s9, $0xD;
	[sflag:s12] =	ssyncset.done $0x0  }
0x8c: {  	s21 =	simm.s32 @!p0 $0x3;
	s6 =	sor.u32 $0x700, s26;
	[sflag:s12] =	ssyncadd.s32 $0xFFFFE000  }
0x8d: {  	[spmem:s2] =	stream.indirect.scatter.add.f32 [tilespmem:s6], [sflag:$0x3], $0x80, s0, s8, $0xb8;
	[tilespmem:$0x1EF00] =	vst v63  }
0x8e: {  	p1 =	por p1, p0;
	_ =	swait.ge @!p0 [sflag:s21], $0x2000  }
0x8f: {  	s30 =	simm.s32 @!p1 $0x0;
	s22 =	simm.s32 @!p0 $0x2;
	[sflag:s21] =	ssyncset.done @!p0 $0x0  }
0x90: {  	s25 =	simm.s32 $0x300;
	s31 =	sshll.u32 @!p1 s9, $0x7;
	[sflag:s21] =	ssyncadd.s32 @!p0 $0xFFFFE000  }
0x91: {  	s9 =	sand.u32 @!p1 $0x380, s23;
	s23 =	sadd.s32 $0x8, s29;
	_ =	swait.ge @!p0 [sflag:s22], $0x40  }
0x92: {  	s9 =	sadd.s32 @!p1 $0x200, s9;
	s26 =	simm.s32 $0x5;
	[sflag:s22] =	ssyncset.done @!p0 $0x0  }
0x93: {  	s0 =	sand.u32 @!p0 $0x3, s24;
	s24 =	sadd.s32 $0x8, s1;
	[sflag:s22] =	ssyncadd.s32 @!p0 $0xFFFFFFC0  }
0x94: {  	s6 =	sshll.u32 @!p0 s0, $0xD;
	s0 =	sshll.u32 @!p0 s0, $0x7;
	_ =	swait.ge @!p0 [sflag:s22], $0x40  }
0x95: {  	s28 =	sor.u32 @!p0 $0x700, s6;
	s6 =	simm.s32 @!p0 $0x40;
	[sflag:s22] =	ssyncset.done @!p0 $0x0  }
0x96: {  	s21 =	smov.u32 s29;
	[sflag:s22] =	ssyncadd.s32 @!p0 $0xFFFFFFC0;
	s22 =	smov.u32 s1  }
.LBB2_4:
0x97: {  	[tilespmem:s28], [sflag:$0x1] =	stream.indirect.gather @!p0 [hbm4b:s4+s6], $0x80, s0, s6, $0xb8;
	[tilespmem:$0x1EF00] =	vst v63  }
0x98: {  	s11 =	smov.u32 s25  }
0x99: {  	s0 =	sadd.s32 $0xFFFFFFFD, s26;
	s25 =	sadd.s32 $0x80, s25;
	s6 =	sadd.s32 $0xFFFFFE00, s11  }
0x9a: {  	[tilespmem:s31], [sflag:$0x2] =	stream.linear.gather @!p1 [hbm4b:s21+s30], $0x40, $0x38;
	[tilespmem:$0x1EF00] =	vst v63  }
0x9b: {  	p0 =	sgt.u32 s0, $0x98;
	s31 =	sand.u32 $0x3, s0;
	s6 =	sand.u32 $0x380, s6  }
0x9c: {  	[tilespmem:s9], [sflag:$0x2] =	stream.linear.gather @!p1 [hbm4b:s22+s30], $0x40, $0x38;
	[tilespmem:$0x1EF00] =	vst v63  }
0x9d: {  	s21 =	sand.u32 @!p0 $0x3, s26;
	s9 =	sshll.u32 s31, $0xD;
	_ =	swait.ge [sflag:s12], $0x2000  }
0x9e: {  	s0 =	sshll.u32 @!p0 s21, $0x7;
	s21 =	sshll.u32 @!p0 s21, $0xD;
	[sflag:s12] =	ssyncset.done $0x0  }
0x9f: {  	s6 =	sadd.s32 $0x200, s6;
	s30 =	simm.s32 @!p0 $0x3;
	[sflag:s12] =	ssyncadd.s32 $0xFFFFE000  }
0xa0: {  	s15 =	simm.s32 @!p0 $0x2;
	s28 =	sor.u32 @!p0 $0x700, s21;
	s9 =	sor.u32 $0x700, s9  }
0xa1: {  	[spmem:s2] =	stream.indirect.scatter.add.f32 [tilespmem:s9], [sflag:$0x3], $0x80, s6, s8, $0xb8;
	[tilespmem:$0x1EF00] =	vst v63  }
0xa2: {  	p2 =	sne.s32 s25, $0x5000;
	s22 =	smov.u32 s24;
	_ =	swait.ge @!p0 [sflag:s30], $0x2000  }
0xa3: {  	s21 =	smov.u32 s23;
	[sflag:s30] =	ssyncset.done @!p0 $0x0  }
0xa4: {  	[sflag:s30] =	ssyncadd.s32 @!p0 $0xFFFFE000  }
0xa5: {  	p1 =	seq.s32 @!p0 s11, $0x4E00;
	_ =	swait.ge @!p0 [sflag:s15], $0x40  }
.Ltmp1:
0xa6: {  	s6 =	simm.s32 @!p0 $0x40;
	[sflag:s15] =	ssyncset.done @!p0 $0x0;
	(pc) =	sbr.rel @p2 .LBB2_4-.Ltmp1, $4  }
0xa7: {  	s24 =	sadd.s32 $0x8, s24;
	p1 =	por p1, p0;
	[sflag:s15] =	ssyncadd.s32 @!p0 $0xFFFFFFC0  }
0xa8: {  	s31 =	sshll.u32 @!p1 s31, $0x7;
	s30 =	simm.s32 @!p1 $0x0;
	_ =	swait.ge @!p0 [sflag:s15], $0x40  }
0xa9: {  	s23 =	sadd.s32 $0x8, s23;
	s9 =	sand.u32 @!p1 $0x380, s11;
	[sflag:s15] =	ssyncset.done @!p0 $0x0  }
0xaa: {  	s26 =	sadd.s32 $0x1, s26;
	s9 =	sadd.s32 @!p1 $0x200, s9;
	[sflag:s15] =	ssyncadd.s32 @!p0 $0xFFFFFFC0  }
0xab: {  	[tilespmem:s28], [sflag:$0x1] =	stream.indirect.gather @!p0 [hbm4b:s4+s6], $0x80, s0, s6, $0xb8;
	[tilespmem:$0x1EF00] =	vst v63  }
0xac: {  	_ = 	snop  }
0xad: {  	[tilespmem:s31], [sflag:$0x2] =	stream.linear.gather @!p1 [hbm4b:s21+s30], $0x40, $0x38;
	[tilespmem:$0x1EF00] =	vst v63  }
0xae: {  	_ = 	snop  }
0xaf: {  	[tilespmem:s9], [sflag:$0x2] =	stream.linear.gather @!p1 [hbm4b:s22+s30], $0x40, $0x38;
	[tilespmem:$0x1EF00] =	vst v63  }
0xb0: {  	_ =	swait.ge [sflag:s14], $0x2000  }
0xb1: {  	[sflag:s14] =	ssyncset.done $0x0  }
0xb2: {  	[sflag:s14] =	ssyncadd.s32 $0xFFFFE000  }
0xb3: {  	_ =	swait.ge [sflag:s14], $0x2000  }
0xb4: {  	[sflag:s14] =	ssyncset.done $0x0  }
0xb5: {  	[sflag:s14] =	ssyncadd.s32 $0xFFFFE000  }
0xb6: {  	_ =	swait.ge [sflag:s14], $0x2000  }
0xb7: {  	[sflag:s14] =	ssyncset.done $0x0  }
0xb8: {  	[sflag:s14] =	ssyncadd.s32 $0xFFFFE000  }
0xb9: {  	_ =	swait.ge [sflag:s14], $0x2000  }
0xba: {  	[sflag:s14] =	ssyncset.done $0x0  }
0xbb: {  	s24 =	simm.s32 $0x600;
	s23 =	rddreg [dreg:$0x16];
	[sflag:s14] =	ssyncadd.s32 $0xFFFFE000  }
0xbc: {  	[tilespmem:s24], [sflag:$0x4] =	stream.linear.gather [hbm4b:s23+s3], $0x10, $0x38;
	[tilespmem:$0x1EF00] =	vst v63  }
0xbd: {  	_ =	swait.ge [sflag:s16], $0x10  }
0xbe: {  	[sflag:s16] =	ssyncset.done $0x0  }
0xbf: {  	s25 =	rddreg [dreg:$0x17];
	[sflag:s16] =	ssyncadd.s32 $0xFFFFFFF0  }
0xc0: {  	[tilespmem:s17], [sflag:$0x4] =	stream.linear.gather [hbm4b:s25+s3], $0x10, $0x38;
	[tilespmem:$0x1EF00] =	vst v63  }
0xc1: {  	_ =	swait.ge [sflag:s16], $0x10  }
0xc2: {  	[sflag:s16] =	ssyncset.done $0x0  }
0xc3: {  	[sflag:s16] =	ssyncadd.s32 $0xFFFFFFF0  }
0xc4: {  	[tilespmem:s19], [sflag:$0x1] =	stream.indirect.gather [hbm4b:s4+s18], $0x80, s24, s18, $0xb8;
	[tilespmem:$0x1EF00] =	vst v63  }
0xc5: {  	_ =	swait.ge [sflag:s12], $0x800  }
0xc6: {  	[sflag:s12] =	ssyncset.done $0x0  }
0xc7: {  	[sflag:s12] =	ssyncadd.s32 $0xFFFFF800  }
0xc8: {  	[spmem:s2] =	stream.indirect.scatter.add.f32 [tilespmem:s19], [sflag:$0x4], $0x80, s17, s18, $0xb8;
	[tilespmem:$0x1EF00] =	vst v63  }
0xc9: {  	_ =	swait.ge [sflag:s16], $0x800  }
0xca: {  	[sflag:s16] =	ssyncset.done $0x0  }
0xcb: {  	s26 =	stileid.u32;
	[sflag:s16] =	ssyncadd.s32 $0xFFFFF800  }
0xcc: {  	s0 =	sshll.u32 s26, $0x6;
	[bflag:$0x0] =	sbarrier.arrive $0xFFFF  }
0xcd: {  	s28 =	sshrl.u32 s10, $0x3;
	s0 =	sor.u32 $0x1C04, s0;
	s30 =	rddreg [dreg:$0x13]  }
0xce: {  	[hbm:s30], [sflag:s0] =	dma.local [spmem:s28], $0x2800  }
0xcf: {  	_ =	swait.ge [sflag:s16], $0x2800  }
0xd0: {  	s20 =	sadd.s32 $0x1, s20;
	s31 =	rddreg [dreg:$0x14]  }
0xd1: {  	p0 =	sne.s32 s20, s31  }
.Ltmp2:
0xd2: {  	_ = 	snop;
	(pc) =	sbr.rel @p0 .LBB2_1-.Ltmp2, $3  }
0xd3: {  	_ =	sdelay $0x1  }
0xd4: {  	[sflag:s16] =	ssyncset.done $0x0  }
0xd5: {  	[sflag:s16] =	ssyncadd.s32 $0xFFFFD800  }
0xd6: {  	_ =	sfence.sel $0x180000  }
0xd7: {  	[bflag:$0x0] =	sbarrier.arrive $0xFFFF  }
0xd8: {  	_ =	strace $0x9000004D  }
0xd9: {  	s0 =	stileid.u32;
	[bflag:$0x2] =	sbarrier.arrive $0xFFFF  }
0xda: {  	p0 =	sne.s32 s0, $0x0;
	s0 =	rddreg [dreg:$0x3]  }
0xdb: {  	s0 =	sadd.s32 @!p0 $0x100000, s0  }
0xdc: {  	[sflag:s0] =	ssyncadd.tile.s32 @!p0 $0x1;
	_ =	shalt  }
.Lfunc_end2:
_tile_overlayer_lowered:
.L_overlay_start_2:
0xdd: {  	(tag) =	ssettag $0x2  }
0xde: {  	s0 =	rddreg [dreg:$0x0];
	s2 =	stileid.u32  }
0xdf: {  	s1 =	rddreg [dreg:$0x1];
	p0 =	sne.s32 s2, $0x0  }
0xe0: {  	s3 =	rddreg [dreg:$0x2];
	[bflag:$0x3] =	sbarrier.arrive $0xFFFF;
	s2 =	simm.s32 @!p0 $0x1C04  }
0xe1: {  	[timem:s3], [sflag:s2] =	dma.local @!p0 [hbm:s0], s1  }
0xe2: {  	s0 =	simm.s32 @!p0 $0x4  }
0xe3: {  	_ =	swait.ge @!p0 [sflag:s0], s1  }
0xe4: {  	s1 =	ssub.s32 @!p0 $0x0, s1;
	[sflag:s0] =	ssyncset.done @!p0 $0x0  }
0xe5: {  	[sflag:s0] =	ssyncadd.s32 @!p0 s1  }
0xe6: {  	[bflag:$0x3] =	sbarrier.arrive $0xFFFF  }
0xe7: {  	_ =	shalt  }

// kernel: kernel.9.cloned.1.call-start
scs
__scs_entry_jumppad:
0x0: {  	(pc) =	sbr.rel $0x88, $3  }
0x1: {  	(tag) =	ssettag $0x0;
	lr =	simm.s32 $0x1  }
0x2: {  	[smem:$0x3F96] =	sst lr;
	_ =	strace $0xD0000000  }
0x3: {  	_ = 	snop  }
0x4: {  	_ = 	snop  }
0x5: {  	_ = 	snop  }
0x6: {  	_ = 	snop  }
0x7: {  	_ = 	snop  }
__scs_overlays_trampoline_lowered:
0x8: {  	[smem:$0x3FA5] =	sst s0  }
0x9: {  	[smem:$0x3FA6] =	sst s1  }
0xa: {  	[smem:$0x3FA7] =	sst s2  }
0xb: {  	[smem:$0x3FA8] =	sst s3  }
0xc: {  	[smem:$0x3FA9] =	sst s4  }
0xd: {  	[smem:$0x3FAA] =	sst s5  }
0xe: {  	[smem:$0x3FAB] =	sst s6  }
0xf: {  	[smem:$0x3FAC] =	sst s7  }
0x10: {  	[smem:$0x3FAD] =	sst s8  }
0x11: {  	[smem:$0x3FAE] =	sst s9;
	s0 =	simm.s32 @!p0 $0x0  }
0x12: {  	s1 =	sld [smem:$0x3F94];
	s0 =	simm.s32 @p0 $0x1  }
0x13: {  	[smem:$0x3FAF] =	sst s0;
	s0 =	simm.s32 @!p1 $0x0  }
0x14: {  	s2 =	sld [smem:$0x3F93];
	s0 =	simm.s32 @p1 $0x1  }
0x15: {  	[smem:$0x3FB0] =	sst s0;
	s0 =	simm.s32 @!p2 $0x0  }
0x16: {  	s3 =	sld [smem:$0x3FDB];
	s0 =	simm.s32 @p2 $0x1  }
0x17: {  	s4 =	simm.s32 $0x1BF5;
	[smem:$0x3FB2] =	sst s0  }
0x18: {  	s0 =	sld [smem:$0x3F95];
	_ =	swait.ge [sflag:s4], $0x0  }
0x19: {  	s7 =	sld [smem:$0x3F96]  }
0x1a: {  	s8 =	sadd.s32 $0xFFFFE003, lr  }
0x1b: {  	s9 =	sadd.s32 $0xFFFFFEF7, lr;
	s5 =	simm.s32 $0xFFFFFFFF;
	p2 =	slt.u32 s8, $0xFFFFF086  }
0x1c: {  	p1 =	slt.u32 s9, $0xF7A;
	s5 =	simm.s32 @!p2 $0x0  }
0x1d: {  	s5 =	simm.s32 @p1 $0x1;
	p0 =	seq.s32 s7, s2  }
0x1e: {  	s7 =	smul.u32 @!p0 $0xF7A, s2;
	p2 =	seq.s32 @!p0 s5, $0x0  }
0x1f: {  	s9 =	smul.u32 $0xF7A, s1;
	s8 =	simm.s32 @!p0 $0x1BF5;
	p2 =	por !p2, p0  }
0x20: {  	[sflag:s8] =	ssyncset.s32 @!p0 $0xFFFFF086;
	s6 =	sadd.s32 @!p0 s3, s7;
	s7 =	simm.s32 @!p0 $0x108  }
0x21: {  	s3 =	sadd.s32 s3, s9;
	s6 =	sadd.s32 @!p0 $0x88, s6;
	s7 =	simm.s32 @p2 $0x1082  }
0x22: {  	[simem:s7], [sflag:s8] =	dma.local @!p0 [hbm:s6], $0xF7A  }
0x23: {  	s9 =	sor.u32 $0xD0000000, s2;
	s6 =	simm.s32 $0x108;
	_ =	swait.ge @!p0 [sflag:s8], $0x0  }
0x24: {  	s3 =	sadd.s32 $0x88, s3;
	s6 =	simm.s32 @!p1 $0x1082;
	[sflag:s4] =	ssyncset.s32 $0xFFFFF086  }
0x25: {  	[simem:s6], [sflag:s4] =	dma.local [hbm:s3], $0xF7A  }
0x26: {  	[smem:$0x3F96] =	sst s1;
	(tag) =	ssettag s2;
	_ =	strace s9  }
0x27: {  	s1 =	sld [smem:$0x3FA6]  }
0x28: {  	s2 =	sld [smem:$0x3FA7]  }
0x29: {  	s4 =	sld [smem:$0x3FA9]  }
0x2a: {  	p0 =	seq.s32 s5, $0x0;
	s5 =	sld [smem:$0x3FAA]  }
0x2b: {  	s6 =	sld [smem:$0x3FAB]  }
0x2c: {  	s7 =	sld [smem:$0x3FAC]  }
0x2d: {  	s3 =	simm.s32 $0x108;
	s8 =	sld [smem:$0x3FAD]  }
0x2e: {  	s3 =	simm.s32 @!p0 $0x1082;
	s9 =	sld [smem:$0x3FAE]  }
0x2f: {  	lr =	sadd.s32 s0, s3;
	s0 =	sld [smem:$0x3FA5]  }
0x30: {  	s3 =	sld [smem:$0x3FA8]  }
0x31: {  	[smem:$0x3FB1] =	sst s10  }
0x32: {  	s10 =	sld [smem:$0x3FAF];
	_ =	sdelay $0x3  }
0x33: {  	p0 =	seq.s32 s10, $0x1;
	s10 =	sld [smem:$0x3FB1];
	_ =	sdelay $0x3  }
0x34: {  	[smem:$0x3FB1] =	sst s10  }
0x35: {  	s10 =	sld [smem:$0x3FB0];
	_ =	sdelay $0x3  }
0x36: {  	p1 =	seq.s32 s10, $0x1;
	s10 =	sld [smem:$0x3FB1];
	_ =	sdelay $0x3  }
0x37: {  	[smem:$0x3FB1] =	sst s10  }
0x38: {  	s10 =	sld [smem:$0x3FB2]  }
0x39: {  	_ = 	snop;
	(pc) =	sbr.ind lr, $3  }
0x3a: {  	_ = 	snop  }
0x3b: {  	_ = 	snop  }
0x3c: {  	p2 =	seq.s32 s10, $0x1;
	s10 =	sld [smem:$0x3FB1]  }
0x3d: {  	_ =	shalt  }
0x3e: {  	_ =	shalt  }
0x3f: {  	_ =	shalt  }
0x40: {  	_ =	shalt  }
0x41: {  	_ =	shalt  }
0x42: {  	_ =	shalt  }
0x43: {  	_ =	shalt  }
0x44: {  	_ =	shalt  }
0x45: {  	_ =	shalt  }
0x46: {  	_ =	shalt  }
0x47: {  	_ =	shalt  }
0x48: {  	_ =	shalt  }
0x49: {  	_ =	shalt  }
0x4a: {  	_ =	shalt  }
0x4b: {  	_ =	shalt  }
0x4c: {  	_ =	shalt  }
0x4d: {  	_ =	shalt  }
0x4e: {  	_ =	shalt  }
0x4f: {  	_ =	shalt  }
0x50: {  	_ =	shalt  }
0x51: {  	_ =	shalt  }
0x52: {  	_ =	shalt  }
0x53: {  	_ =	shalt  }
0x54: {  	_ =	shalt  }
0x55: {  	_ =	shalt  }
0x56: {  	_ =	shalt  }
0x57: {  	_ =	shalt  }
0x58: {  	_ =	shalt  }
0x59: {  	_ =	shalt  }
0x5a: {  	_ =	shalt  }
0x5b: {  	_ =	shalt  }
0x5c: {  	_ =	shalt  }
0x5d: {  	_ =	shalt  }
0x5e: {  	_ =	shalt  }
0x5f: {  	_ =	shalt  }
0x60: {  	_ =	shalt  }
0x61: {  	_ =	shalt  }
0x62: {  	_ =	shalt  }
0x63: {  	_ =	shalt  }
0x64: {  	_ =	shalt  }
0x65: {  	_ =	shalt  }
0x66: {  	_ =	shalt  }
0x67: {  	_ =	shalt  }
0x68: {  	_ =	shalt  }
0x69: {  	_ =	shalt  }
0x6a: {  	_ =	shalt  }
0x6b: {  	_ =	shalt  }
0x6c: {  	_ =	shalt  }
0x6d: {  	_ =	shalt  }
0x6e: {  	_ =	shalt  }
0x6f: {  	_ =	shalt  }
0x70: {  	_ =	shalt  }
0x71: {  	_ =	shalt  }
0x72: {  	_ =	shalt  }
0x73: {  	_ =	shalt  }
0x74: {  	_ =	shalt  }
0x75: {  	_ =	shalt  }
0x76: {  	_ =	shalt  }
0x77: {  	_ =	shalt  }
0x78: {  	_ =	shalt  }
0x79: {  	_ =	shalt  }
0x7a: {  	_ =	shalt  }
0x7b: {  	_ =	shalt  }
0x7c: {  	_ =	shalt  }
0x7d: {  	_ =	shalt  }
0x7e: {  	_ =	shalt  }
0x7f: {  	_ =	shalt  }
0x80: {  	_ =	shalt  }
0x81: {  	_ =	shalt  }
0x82: {  	_ =	shalt  }
0x83: {  	_ =	shalt  }
0x84: {  	_ =	shalt  }
0x85: {  	_ =	shalt  }
0x86: {  	_ =	shalt  }
0x87: {  	_ =	shalt  }
.Lfunc_end0:
.L_simem_size_0:
called_computation_lowered:
.L_overlay_start_0:
0x88: {  	s2 =	sld [smem:$0x3FD9]  }
0x89: {  	s3 =	sld [smem:$0x3FFE];
	_ =	sdelay $0x1  }
0x8a: {  	s1 =	srdreg.scid  }
0x8b: {  	s0 =	sand.u32 $0x1, s1  }
0x8c: {  	s17 =	sshll.u32 s0, $0xA;
	s2 =	sadd.s32 s3, s2  }
0x8d: {  	s2 =	sadd.s32 s2, s17  }
0x8e: {  	[smem:$0x3FBD] =	sst s2  }
0x8f: {  	_ = 	snop  }
0x90: {  	s2 =	sld [smem:$0x3FD0];
	(tm) =	ssettm $0x1  }
0x91: {  	s18 =	sld [smem:$0x3FFB];
	_ =	sdelay $0x3  }
0x92: {  	_ =	strace s18  }
0x93: {  	s3 =	sld [smem:$0x3FFC];
	_ =	sdelay $0x3  }
0x94: {  	_ =	strace s3  }
0x95: {  	s3 =	sld [smem:$0x3FFD];
	_ =	sdelay $0x3  }
0x96: {  	_ =	strace s3  }
0x97: {  	_ =	strace $0x8FFFFFFF  }
0x98: {  	s19 =	sld [smem:$0x3FDB];
	_ =	sdelay $0x1  }
0x99: {  	s4 =	simm.s32 $_scs_section_size  }
0x9a: {  	s5 =	simm.s32 $_size__tile_overlayer_lowered;
	s6 =	simm.s32 $_tile_overlayer_lowered  }
0x9b: {  	s22 =	simm.s32 $0x1BFF;
	s21 =	sshll.u32 s6, $0x1;
	s3 =	sadd.s32 s4, s19  }
0x9c: {  	s7 =	simm.s32 $0x0;
	s20 =	sshll.u32 s5, $0x1;
	s5 =	sadd.s32 s21, s3  }
0x9d: {  	[timem:s7], [sflag:s22] =	dma.local [hbm:s5], s20  }
0x9e: {  	_ =	swait.ge [sflag:s22], s20  }
0x9f: {  	s4 =	ssub.s32 $0x0, s20;
	[sflag:s22] =	ssyncset.done $0x0  }
0xa0: {  	[sflag:s22] =	ssyncadd.s32 s4;
	_ =	sdelay $0x1  }
0xa1: {  	s23 =	simm.s32 $0x1B8B  }
0xa2: {  	_ =	swait.ge [sflag:s23], $0x1  }
0xa3: {  	[sflag:s23] =	ssyncset.done $0x0  }
0xa4: {  	s25 =	simm.s32 $0x1B8E;
	s24 =	sld [smem:$0x3FFE];
	[sflag:s23] =	ssyncadd.s32 $0xFFFFFFFF  }
0xa5: {  	s26 =	simm.s32 $execute0_lowered;
	[smem:$0x3FD2] =	sst s25  }
0xa6: {  	s5 =	sshll.u32 s26, $0x1;
	_ =	strace $0x80000046;
	[dreg:$0x1] =	wrdreg $0xFFFFFFFF  }
0xa7: {  	s28 =	simm.s32 $_size_execute0_lowered;
	s3 =	sadd.s32 s3, s5;
	[dreg:$0x0] =	wrdreg $0x0  }
0xa8: {  	s5 =	sshll.u32 s28, $0x1;
	[dreg:$0x2] =	wrdreg s3  }
0xa9: {  	[dreg:$0x3] =	wrdreg s5  }
0xaa: {  	[dreg:$0x4] =	wrdreg $0xC0  }
0xab: {  	_ =	task [dreg:s7], $0x5FFFF  }
0xac: {  	[dreg:$0x1] =	wrdreg $0xFFFFFFFF  }
0xad: {  	[dreg:$0x0] =	wrdreg $0x60  }
0xae: {  	[dreg:$0x2] =	wrdreg s2  }
0xaf: {  	[dreg:$0x3] =	wrdreg s24  }
0xb0: {  	[dreg:$0x4] =	wrdreg $0x67800  }
0xb1: {  	[dreg:$0x5] =	wrdreg $0x9  }
0xb2: {  	_ =	task.clear_ibuf [dreg:s7], $0x6FFFF;
	_ =	strace $0x90000046  }
0xb3: {  	s29 =	simm.s32 $0x9;
	_ =	strace $0x80000048  }
0xb4: {  	_ =	swait.ge [sflag:s29], $0x1  }
0xb5: {  	[sflag:s29] =	ssyncadd.s32 $0xFFFFFFFF  }
0xb6: {  	_ =	strace $0x90000048  }
0xb7: {  	_ =	sfence  }
0xb8: {  	s30 =	sld [smem:$0x0];
	_ =	sdelay $0x2  }
0xb9: {  	s31 =	sshll.u32 s1, $0xD;
	s1 =	sshrl.u32 s1, $0x2  }
0xba: {  	s3 =	sand.u32 $0x4000, s31;
	s1 =	sadd.s32 s1, s30  }
0xbb: {  	s0 =	sor.u32 s3, s0;
	s1 =	sshll.u32 s1, $0x11  }
0xbc: {  	s0 =	sor.u32 s1, s0  }
0xbd: {  	s0 =	sadd.s32 $0x8F2B, s0  }
0xbe: {  	[sflag:s0] =	ssyncadd.remote.s32 $0x1  }
0xbf: {  	_ =	sfence.sel $0xFFFF  }
0xc0: {  	[dreg:$0x0] =	wrdreg $0xFFFFFFFF;
	(pc) =	sbr.abs _section_cstart, $3  }
0xc1: {  	[dreg:$0x1] =	wrdreg $0xFFFFFFFF  }
0xc2: {  	_ =	task.clear_ibuf [dreg:s7], $0x2FFFF;
	_ =	strace $0x9FFFFFFF  }
0xc3: {  	(tm) =	ssettm $0x7FFFFFFF  }
tec
execute0_lowered:
.L_overlay_start_1:
0x0: {  	(tag) =	ssettag $0x1  }
0x1: {  	s5 =	rddreg [dreg:$0x0]  }
0x2: {  	s6 =	rddreg [dreg:$0x1]  }
0x3: {  	s2 =	rddreg [dreg:$0x2];
	s1 =	srdreg.scid  }
0x4: {  	s0 =	rddreg [dreg:$0x3];
	s3 =	simm.s32 $0x0;
	s13 =	simm.s32 $0x80  }
0x5: {  	s14 =	simm.s32 $0x10;
	s15 =	simm.s32 $0x2700;
	s7 =	sand.u32 $0x1, s1  }
0x6: {  	s16 =	simm.s32 $0x0;
	s1 =	stileid.u32;
	s4 =	smul.u32 $0x140000, s7  }
0x7: {  	[smem:$0x7FF] =	sst s3;
	s8 =	smul.u32 $0x14000, s1;
	s9 =	sshll.u32 s7, $0x4  }
0x8: {  	_ =	strace $0x80000047;
	s7 =	ssub.s32 $0x2, s7;
	s11 =	smul.u32 $0x50000, s1  }
0x9: {  	s31 =	sshll.u32 s1, $0x6;
	s9 =	sor.u32 s1, s9;
	s10 =	sshrl.u32 s7, $0x1  }
0xa: {  	s8 =	sadd.s32 s8, s4;
	s9 =	smul.u32 $0x2710, s9;
	s4 =	sadd.s32 $0x3000, s6  }
0xb: {  	s10 =	ssub.s32 s7, s10;
	s30 =	sshrl.u32 s11, $0x2;
	s11 =	sor.u32 $0x1C01, s31  }
0xc: {  	s8 =	sshrl.u32 s8, $0x3;
	s12 =	sadd.s32 s30, s2;
	s9 =	sshrl.u32 s9, $0x3  }
0xd: {  	s8 =	sadd.s32 s8, s6;
	s12 =	sshrl.u32 s12, $0x3;
	s29 =	sadd.s32 s5, s9  }
0xe: {  	s5 =	sadd.s32 $0x2B000, s6;
	s7 =	sadd.s32 $0x2B800, s8;
	s8 =	smax.u32 s10, $0x1  }
0xf: {  	s9 =	simm.s32 $0x2780;
	s10 =	simm.s32 $0x1;
	s6 =	sadd.s32 $0x9C40, s29  }
.LBB2_1:
0x10: {  	[tilespmem:s9], [sflag:$0x1] =	stream.linear.gather [hbm4b:s5+s3], $0x4000, $0x38;
	[tilespmem:$0x7B80] =	vst v63  }
0x11: {  	_ =	swait.ge [sflag:s10], $0x4000  }
0x12: {  	[sflag:s10] =	ssyncset.done $0x0  }
0x13: {  	[sflag:s10] =	ssyncadd.s32 $0xFFFFC000  }
0x14: {  	[tilespmem:s3], [sflag:$0x1] =	stream.linear.gather [hbm4b:s6+s3], $0x2710, $0x38;
	[tilespmem:$0x7B80] =	vst v63  }
0x15: {  	_ =	swait.ge [sflag:s10], $0x2710  }
0x16: {  	[sflag:s10] =	ssyncset.done $0x0  }
0x17: {  	[sflag:s10] =	ssyncadd.s32 $0xFFFFD8F0  }
0x18: {  	[spmem:s12], [sflag:s11] =	dma.local [hbm:s4], $0x2800  }
0x19: {  	_ =	swait.ge [sflag:s10], $0x2800  }
0x1a: {  	[sflag:s10] =	ssyncset.done $0x0  }
0x1b: {  	[sflag:s10] =	ssyncadd.s32 $0xFFFFD800  }
0x1c: {  	s17 =	simm.s32 $0x0;
	[bflag:$0x0] =	sbarrier.arrive $0xFFFF  }
0x1d: {  	[spmem:s2] =	stream.indirect.scatter.add.f32 [tilespmem:s9], [sflag:$0x1], $0x8, s17, s13, $0xb8;
	[tilespmem:$0x7B80] =	vst v63  }
0x1e: {  	_ =	swait.ge [sflag:s10], $0x400  }
0x1f: {  	s17 =	simm.s32 $0x200;
	[sflag:s10] =	ssyncset.done $0x0  }
.LBB2_2:
0x20: {  	s18 =	sshra.s32 s17, $0x2;
	[sflag:s10] =	ssyncadd.s32 $0xFFFFFC00;
	p0 =	sne.s32 s17, $0x9A00  }
0x21: {  	[spmem:s2] =	stream.indirect.scatter.add.f32 [tilespmem:s9], [sflag:$0x1], $0x8, s18, s13, $0xb8;
	[tilespmem:$0x7B80] =	vst v63  }
.Ltmp0:
0x22: {  	_ = 	snop;
	(pc) =	sbr.rel @p0 .LBB2_2-.Ltmp0, $4  }
0x23: {  	_ = 	snop  }
0x24: {  	s17 =	sadd.s32 $0x200, s17  }
0x25: {  	_ =	swait.ge [sflag:s10], $0x400  }
0x26: {  	[sflag:s10] =	ssyncset.done $0x0  }
0x27: {  	[sflag:s10] =	ssyncadd.s32 $0xFFFFFC00  }
0x28: {  	[spmem:s2] =	stream.indirect.scatter.add.f32 [tilespmem:s9], [sflag:$0x1], $0x8, s15, s14, $0xb8;
	[tilespmem:$0x7B80] =	vst v63  }
0x29: {  	_ =	swait.ge [sflag:s10], $0x80  }
0x2a: {  	s16 =	sadd.s32 $0x1, s16;
	[sflag:s10] =	ssyncset.done $0x0  }
0x2b: {  	p0 =	sne.s32 s16, s8;
	[sflag:s10] =	ssyncadd.s32 $0xFFFFFF80  }
.Ltmp1:
0x2c: {  	[bflag:$0x0] =	sbarrier.arrive $0xFFFF;
	(pc) =	sbr.rel @p0 .LBB2_1-.Ltmp1, $4  }
0x2d: {  	[hbm:s7], [sflag:s11] =	dma.local [spmem:s12], $0x2800  }
0x2e: {  	_ =	swait.ge [sflag:s10], $0x2800  }
0x2f: {  	[sflag:s10] =	ssyncset.done $0x0  }
0x30: {  	[sflag:s10] =	ssyncadd.s32 $0xFFFFD800  }
0x31: {  	_ =	sfence.sel $0x180000  }
0x32: {  	[bflag:$0x0] =	sbarrier.arrive $0xFFFF  }
0x33: {  	p0 =	sne.s32 s1, $0x0;
	_ =	strace $0x90000047  }
0x34: {  	s0 =	sadd.s32 @!p0 $0x100000, s0;
	[bflag:$0x2] =	sbarrier.arrive $0xFFFF  }
0x35: {  	[sflag:s0] =	ssyncadd.tile.s32 @!p0 $0x1;
	_ =	shalt  }
.Lfunc_end2:
_tile_overlayer_lowered:
.L_overlay_start_2:
0x36: {  	(tag) =	ssettag $0x2  }
0x37: {  	s0 =	rddreg [dreg:$0x0];
	s2 =	stileid.u32  }
0x38: {  	s1 =	rddreg [dreg:$0x1];
	p0 =	sne.s32 s2, $0x0  }
0x39: {  	s3 =	rddreg [dreg:$0x2];
	[bflag:$0x3] =	sbarrier.arrive $0xFFFF;
	s2 =	simm.s32 @!p0 $0x1C01  }
0x3a: {  	[timem:s3], [sflag:s2] =	dma.local @!p0 [hbm:s0], s1  }
0x3b: {  	s0 =	simm.s32 @!p0 $0x1  }
0x3c: {  	_ =	swait.ge @!p0 [sflag:s0], s1  }
0x3d: {  	s1 =	ssub.s32 @!p0 $0x0, s1;
	[sflag:s0] =	ssyncset.done @!p0 $0x0  }
0x3e: {  	[sflag:s0] =	ssyncadd.s32 @!p0 s1  }
0x3f: {  	[bflag:$0x3] =	sbarrier.arrive $0xFFFF  }
0x40: {  	_ =	shalt  }

</sc_bundles>
